<compile_context>
chip_gen: v7x
topology: tpu7x:2x2x1
jax: 0.10.2.dev20260603
libtpu: 0.0.44.dev20260713+nightly
codegen_flags: <defaults>
</compile_context>

<pallas_src>
import jax
import jax.numpy as jnp
from jax import lax
from jax.experimental import pallas as pl
from jax.experimental.pallas import tpu as pltpu
from jax.experimental.pallas import tpu_sc as plsc

_NB = 8
_N = 32768
_L = 16
_T = 4
_Q = _N // _T
_QCHUNK = _Q // _L
_NCHUNK = _N // _L
_RADIX = 1024
_GB = 1024
_HMAX = float((1 << 10) - 1)


def _spread_bits(n):
    n = n & 0x000003FF
    n = (n | (n << 16)) & 0x030000FF
    n = (n | (n << 8)) & 0x0300F00F
    n = (n | (n << 4)) & 0x030C30C3
    n = (n | (n << 2)) & 0x09249249
    return n


def _f32(v):
    return lax.bitcast_convert_type(v, jnp.float32)


def _sc_body(xt, ot, zsh, psha, pshb, hsh, mmsh,
             zbuf, qx, qy, qz, perm, hist, offs, hist4, mmst, svals, sidx,
             sem):
    w = lax.axis_index("c") * 16 + lax.axis_index("s")
    b = w >> 2
    lb = b & 3
    q = w & 3
    iota = lax.iota(jnp.int32, _L)
    zeros = jnp.zeros((_L,), jnp.int32)
    ones = jnp.ones((_L,), jnp.int32)
    qbase = q * _Q

    pltpu.sync_copy(xt.at[b, 0, pl.ds(qbase, _Q)], qx)
    pltpu.sync_copy(xt.at[b, 1, pl.ds(qbase, _Q)], qy)
    pltpu.sync_copy(xt.at[b, 2, pl.ds(qbase, _Q)], qz)

    def minmax(j, mm):
        mnx, mxx, mny, mxy, mnz, mxz = mm
        s = j * _L
        fx = _f32(qx[pl.ds(s, _L)])
        fy = _f32(qy[pl.ds(s, _L)])
        fz = _f32(qz[pl.ds(s, _L)])
        return (jnp.minimum(mnx, fx), jnp.maximum(mxx, fx),
                jnp.minimum(mny, fy), jnp.maximum(mxy, fy),
                jnp.minimum(mnz, fz), jnp.maximum(mxz, fz))

    big = jnp.full((_L,), jnp.inf, jnp.float32)
    mm = lax.fori_loop(0, _QCHUNK, minmax, (big, -big, big, -big, big, -big))
    for i in range(6):
        mmst[pl.ds(i * _L, _L)] = lax.bitcast_convert_type(mm[i], jnp.int32)
    pltpu.sync_copy(mmst, mmsh.at[pl.ds((lb * _T + q) * 96, 96)])
    plsc.subcore_barrier()
    pltpu.sync_copy(mmsh.at[pl.ds(lb * _T * 96, _T * 96)],
                    hist4.at[pl.ds(0, _T * 96)])
    gl = []
    for i in range(6):
        red = jnp.minimum if (i % 2 == 0) else jnp.maximum
        acc = _f32(hist4[pl.ds(i * _L, _L)])
        for t in range(1, _T):
            acc = red(acc, _f32(hist4[pl.ds(t * 96 + i * _L, _L)]))
        gl.append(jnp.min(acc) if (i % 2 == 0) else jnp.max(acc))
    bmin_x, bmax_x, bmin_y, bmax_y, bmin_z, bmax_z = gl

    mnxv = jnp.full((_L,), bmin_x, jnp.float32)
    rxv = jnp.full((_L,), bmax_x - bmin_x, jnp.float32)
    mnyv = jnp.full((_L,), bmin_y, jnp.float32)
    ryv = jnp.full((_L,), bmax_y - bmin_y, jnp.float32)
    mnzv = jnp.full((_L,), bmin_z, jnp.float32)
    rzv = jnp.full((_L,), bmax_z - bmin_z, jnp.float32)

    def zero_hist(i, _):
        hist[pl.ds(i * _L, _L)] = zeros
        return 0

    lax.fori_loop(0, _RADIX // _L, zero_hist, 0)

    def quant(j, _):
        s = j * _L
        fx = _f32(qx[pl.ds(s, _L)])
        fy = _f32(qy[pl.ds(s, _L)])
        fz = _f32(qz[pl.ds(s, _L)])
        px = (_HMAX * (fx - mnxv) / rxv).astype(jnp.int32)
        py = (_HMAX * (fy - mnyv) / ryv).astype(jnp.int32)
        pz = (_HMAX * (fz - mnzv) / rzv).astype(jnp.int32)
        code = (_spread_bits(px) | (_spread_bits(py) << 1)
                | (_spread_bits(pz) << 2))
        qx[pl.ds(s, _L)] = code
        plsc.addupdate_scatter(hist, [code & (_RADIX - 1)], ones)
        return 0

    lax.fori_loop(0, _QCHUNK, quant, 0)

    pltpu.sync_copy(qx, zsh.at[pl.ds(lb * _N + qbase, _Q)])
    plsc.subcore_barrier()
    pltpu.sync_copy(zsh.at[pl.ds(lb * _N, _N)], zbuf)

    qsel = jnp.full((_L,), q, jnp.int32)

    def prefix_from_hist4():
        def prefix(t, carry):
            d0 = t * _L
            h0 = hist4[pl.ds(d0, _L)]
            h1 = hist4[pl.ds(_RADIX + d0, _L)]
            h2 = hist4[pl.ds(2 * _RADIX + d0, _L)]
            h3 = hist4[pl.ds(3 * _RADIX + d0, _L)]
            tot = h0 + h1 + h2 + h3
            part = (jnp.where(qsel > 0, h0, zeros)
                    + jnp.where(qsel > 1, h1, zeros)
                    + jnp.where(qsel > 2, h2, zeros))
            incl = plsc.cumsum(tot)
            offs[pl.ds(d0, _L)] = (incl - tot + part
                                   + jnp.full((_L,), carry, jnp.int32))
            hist[pl.ds(d0, _L)] = zeros
            return carry + jnp.max(incl)

        lax.fori_loop(0, _RADIX // _L, prefix, jnp.int32(0))

    def exchange_hist():
        pltpu.sync_copy(hist, hsh.at[pl.ds((lb * _T + q) * _RADIX, _RADIX)])
        plsc.subcore_barrier()
        pltpu.sync_copy(hsh.at[pl.ds(lb * _T * _RADIX, _T * _RADIX)], hist4)

    def hist_sweep(shift):
        def histo(j, _):
            s = j * _L
            old = perm[pl.ds(s, _L)]
            keys = plsc.load_gather(zbuf, [old])
            qz[pl.ds(s, _L)] = keys
            d = (keys >> shift) & (_RADIX - 1)
            plsc.addupdate_scatter(hist, [d], ones)
            return 0

        lax.fori_loop(0, _QCHUNK, histo, 0)

    def perm_sweep(shift, first, dst_sh):
        nbat = _Q // _GB
        nrow = _GB // 128

        def batch(m, _):
            def group(g, _):
                j = m * (_GB // _L) + g
                s = j * _L
                if first:
                    old = qbase + s + iota
                    keys = qx[pl.ds(s, _L)]
                else:
                    old = perm[pl.ds(s, _L)]
                    keys = qz[pl.ds(s, _L)]
                d = (keys >> shift) & (_RADIX - 1)
                base = plsc.load_gather(offs, [d])
                cnt, last = plsc.scan_count(d)
                dest = base + cnt - 1
                row = g >> 3
                col = (g & 7) * _L
                svals[row, pl.ds(col, _L)] = old
                sidx[row, pl.ds(col, _L)] = dest + lb * _N
                plsc.store_scatter(offs, [d], dest + 1, mask=last)
                return 0

            lax.fori_loop(0, _GB // _L, group, 0)
            copies = [pltpu.async_copy(svals.at[r], dst_sh.at[sidx.at[r]],
                                       sem) for r in range(nrow)]
            for cp in copies:
                cp.wait()
            return 0

        lax.fori_loop(0, nbat, batch, 0)
        plsc.subcore_barrier()

    exchange_hist()
    prefix_from_hist4()
    perm_sweep(0, True, psha)
    pltpu.sync_copy(psha.at[pl.ds(lb * _N + qbase, _Q)], perm)
    hist_sweep(10)
    exchange_hist()
    prefix_from_hist4()
    perm_sweep(10, False, pshb)
    pltpu.sync_copy(pshb.at[pl.ds(lb * _N + qbase, _Q)], perm)
    hist_sweep(20)
    exchange_hist()
    prefix_from_hist4()
    perm_sweep(20, False, psha)
    pltpu.sync_copy(psha.at[pl.ds(lb * _N + qbase, _Q)], perm)

    for c in range(3):
        pltpu.sync_copy(xt.at[b, c], zbuf)

        def apply_perm(j, _):
            s = j * _L
            old = perm[pl.ds(s, _L)]
            qy[pl.ds(s, _L)] = plsc.load_gather(zbuf, [old])
            return 0

        lax.fori_loop(0, _QCHUNK, apply_perm, 0)
        pltpu.sync_copy(qy, ot.at[b, c, pl.ds(qbase, _Q)])


@jax.jit
def kernel(x):
    xt = lax.bitcast_convert_type(jnp.swapaxes(x, 1, 2), jnp.int32)
    mesh = plsc.VectorSubcoreMesh(core_axis_name="c", subcore_axis_name="s")
    run = pl.kernel(
        _sc_body,
        out_type=jax.ShapeDtypeStruct((_NB, 3, _N), jnp.int32),
        mesh=mesh,
        compiler_params=pltpu.CompilerParams(needs_layout_passes=False,
                                             use_tc_tiling_on_sc=False),
        scratch_types=[
            pltpu.VMEM_SHARED((4 * _N,), jnp.int32),
            pltpu.VMEM_SHARED((4 * _N,), jnp.int32),
            pltpu.VMEM_SHARED((4 * _N,), jnp.int32),
            pltpu.VMEM_SHARED((4 * _T * _RADIX,), jnp.int32),
            pltpu.VMEM_SHARED((4 * _T * 96,), jnp.int32),
            pltpu.VMEM((_N,), jnp.int32),
            pltpu.VMEM((_Q,), jnp.int32),
            pltpu.VMEM((_Q,), jnp.int32),
            pltpu.VMEM((_Q,), jnp.int32),
            pltpu.VMEM((_Q,), jnp.int32),
            pltpu.VMEM((_RADIX,), jnp.int32),
            pltpu.VMEM((_RADIX,), jnp.int32),
            pltpu.VMEM((_T * _RADIX,), jnp.int32),
            pltpu.VMEM((96,), jnp.int32),
            pltpu.VMEM((_GB // 128, 128), jnp.int32),
            pltpu.VMEM((_GB // 128, 128), jnp.int32),
            pltpu.SemaphoreType.DMA,
        ],
    )
    outt = run(xt)
    return jnp.swapaxes(lax.bitcast_convert_type(outt, jnp.float32), 1, 2)

# --- scband reference (transcript-rebuilt; emitter-appended) ---
"""Pipeline reference for scband-spatial-sort-72713796322147 (READ-ONLY COPY).

The authoritative reference and input builder live on the scoring server;
editing this copy changes nothing except your own understanding.
"""

import jax, jax.numpy as jnp
import numpy as np

_HMAX = (1 << 10) - 1

def _part1by2(n):
    # spread 10 bits of n over 30 bits (bits at positions 0,3,6,...)
    n = n & jnp.int32(0x000003FF)
    n = (n | (n << 16)) & jnp.int32(0x030000FF)
    n = (n | (n << 8)) & jnp.int32(0x0300F00F)
    n = (n | (n << 4)) & jnp.int32(0x030C30C3)
    n = (n | (n << 2)) & jnp.int32(0x09249249)
    return n

def _morton_code(p):
    # p: int32[..., N, 3] with values in [0, 1023] -> int32[..., N]
    px = _part1by2(p[..., 0])
    py = _part1by2(p[..., 1])
    pz = _part1by2(p[..., 2])
    return px | (py << 1) | (pz << 2)

def setup_inputs(seed: int = 0) -> dict:
    key = jax.random.key(seed)
    x = jax.random.normal(key, (8, 32768, 3), dtype=jnp.float32)
    return {"x": x}

def reference(x):
    # quantize to 10-bit grid per cloud (matches torch no_grad block)
    bmin = jnp.min(x, axis=-2, keepdims=True)
    bmax = jnp.max(x, axis=-2, keepdims=True)
    p = jnp.floor(_HMAX * (x - bmin) / (bmax - bmin)).astype(jnp.int32)
    z = _morton_code(p)                      # self.code(p): int code per point
    i = jnp.argsort(z, axis=-1)              # [..., N]
    out = jnp.take_along_axis(x, i[..., None], axis=-2)
    return out

if __name__ == "__main__":
    import jax
    _d = setup_inputs()
    print(jax.jit(kernel)(*tuple(_d.values())))

</pallas_src>

<mosaic_0001>
#map = affine_map<(d0, d1) -> (0, 0, 0)>
module attributes {stable_mosaic.version = 14 : i64} {
  func.func @_sc_body(%arg0: i32, %arg1: i32, %arg2: memref<8x3x32768xi32, #tpu.memory_space<hbm>>, %arg3: memref<8x3x32768xi32, #tpu.memory_space<hbm>>, %arg4: memref<131072xi32, #tpu.memory_space<vmem_shared>>, %arg5: memref<131072xi32, #tpu.memory_space<vmem_shared>>, %arg6: memref<131072xi32, #tpu.memory_space<vmem_shared>>, %arg7: memref<16384xi32, #tpu.memory_space<vmem_shared>>, %arg8: memref<1536xi32, #tpu.memory_space<vmem_shared>>, %arg9: memref<32768xi32, #tpu.memory_space<vmem>>, %arg10: memref<8192xi32, #tpu.memory_space<vmem>>, %arg11: memref<8192xi32, #tpu.memory_space<vmem>>, %arg12: memref<8192xi32, #tpu.memory_space<vmem>>, %arg13: memref<8192xi32, #tpu.memory_space<vmem>>, %arg14: memref<1024xi32, #tpu.memory_space<vmem>>, %arg15: memref<1024xi32, #tpu.memory_space<vmem>>, %arg16: memref<4096xi32, #tpu.memory_space<vmem>>, %arg17: memref<96xi32, #tpu.memory_space<vmem>>, %arg18: memref<8x128xi32, #tpu.memory_space<vmem>>, %arg19: memref<8x128xi32, #tpu.memory_space<vmem>>, %arg20: memref<!tpu.dma_semaphore, #tpu.memory_space<semaphore_mem>>) attributes {dimension_semantics = [#tpu.dimension_semantics<core_parallel>, #tpu.dimension_semantics<subcore_parallel>], iteration_bounds = array<i64: 2, 16>, scalar_prefetch = 0 : i64, scratch_operands = 17 : i64, tpu.core_type = #tpu.core_type<sc_vector_subcore>, window_params = [{transform_indices = #map}, {transform_indices = #map}]} {
    %mul3A = arith.constant 16 : i32
    %mul3A_0 = arith.muli %arg0, %mul3A : i32
    %add3A = arith.addi %mul3A_0, %arg1 : i32
    %shift_right_arithmetic3A = arith.constant 2 : i32
    %shift_right_arithmetic3A_1 = arith.shrsi %add3A, %shift_right_arithmetic3A : i32
    %and3A = arith.constant 3 : i32
    %and3A_2 = arith.andi %shift_right_arithmetic3A_1, %and3A : i32
    %and3A_3 = arith.constant 3 : i32
    %and3A_4 = arith.andi %add3A, %and3A_3 : i32
    %iota3A = tpu.iota {dimensions = array<i32: 0>} : vector<16xi32>
    %broadcast_in_dim3A = arith.constant 0 : i32
    %broadcast_in_dim3A_5 = vector.broadcast %broadcast_in_dim3A : i32 to vector<16xi32>
    %broadcast_in_dim3A_6 = arith.constant 1 : i32
    %broadcast_in_dim3A_7 = vector.broadcast %broadcast_in_dim3A_6 : i32 to vector<16xi32>
    %mul3A_8 = arith.constant 8192 : i32
    %mul3A_9 = arith.muli %and3A_4, %mul3A_8 : i32
    %run_scoped3A = arith.constant 0 : i32
    "tpu.region"() ({
      %run_scoped3A_315 = tpu.sem_alloc : memref<!tpu.dma_semaphore, #tpu.memory_space<semaphore_mem>>
      %dma_start3A = tpu.memref_slice %arg2[%shift_right_arithmetic3A_1, %run_scoped3A, %mul3A_9] : memref<8x3x32768xi32, #tpu.memory_space<hbm>> -> memref<1x1x8192xi32, #tpu.memory_space<hbm>>
      %dma_start3A_316 = tpu.memref_squeeze %dma_start3A : memref<1x1x8192xi32, #tpu.memory_space<hbm>> -> memref<8192xi32, #tpu.memory_space<hbm>>
      %dma_start3A_317 = tpu.memref_slice %arg2[%shift_right_arithmetic3A_1, %run_scoped3A, %mul3A_9] : memref<8x3x32768xi32, #tpu.memory_space<hbm>> -> memref<1x1x8192xi32, #tpu.memory_space<hbm>>
      %dma_start3A_318 = tpu.memref_squeeze %dma_start3A_317 : memref<1x1x8192xi32, #tpu.memory_space<hbm>> -> memref<8192xi32, #tpu.memory_space<hbm>>
      tpu.enqueue_dma source(%dma_start3A_318 : memref<8192xi32, #tpu.memory_space<hbm>>) target(%arg10 : memref<8192xi32, #tpu.memory_space<vmem>>) target_semaphore(%run_scoped3A_315 : memref<!tpu.dma_semaphore, #tpu.memory_space<semaphore_mem>>)
      %dma_wait3A = tpu.memref_slice %arg2[%shift_right_arithmetic3A_1, %run_scoped3A, %mul3A_9] : memref<8x3x32768xi32, #tpu.memory_space<hbm>> -> memref<1x1x8192xi32, #tpu.memory_space<hbm>>
      %dma_wait3A_319 = tpu.memref_squeeze %dma_wait3A : memref<1x1x8192xi32, #tpu.memory_space<hbm>> -> memref<8192xi32, #tpu.memory_space<hbm>>
      %dma_wait3A_320 = tpu.memref_slice %arg2[%shift_right_arithmetic3A_1, %run_scoped3A, %mul3A_9] : memref<8x3x32768xi32, #tpu.memory_space<hbm>> -> memref<1x1x8192xi32, #tpu.memory_space<hbm>>
      %dma_wait3A_321 = tpu.memref_squeeze %dma_wait3A_320 : memref<1x1x8192xi32, #tpu.memory_space<hbm>> -> memref<8192xi32, #tpu.memory_space<hbm>>
      tpu.wait_dma2 semaphore(%run_scoped3A_315 : memref<!tpu.dma_semaphore, #tpu.memory_space<semaphore_mem>>) src(%dma_wait3A_321 : memref<8192xi32, #tpu.memory_space<hbm>>) dst(%arg10 : memref<8192xi32, #tpu.memory_space<vmem>>)
      tpu.yield
    }) : () -> ()
    %run_scoped3A_10 = arith.constant 1 : i32
    "tpu.region"() ({
      %run_scoped3A_315 = tpu.sem_alloc : memref<!tpu.dma_semaphore, #tpu.memory_space<semaphore_mem>>
      %dma_start3A = tpu.memref_slice %arg2[%shift_right_arithmetic3A_1, %run_scoped3A_10, %mul3A_9] : memref<8x3x32768xi32, #tpu.memory_space<hbm>> -> memref<1x1x8192xi32, #tpu.memory_space<hbm>>
      %dma_start3A_316 = tpu.memref_squeeze %dma_start3A : memref<1x1x8192xi32, #tpu.memory_space<hbm>> -> memref<8192xi32, #tpu.memory_space<hbm>>
      %dma_start3A_317 = tpu.memref_slice %arg2[%shift_right_arithmetic3A_1, %run_scoped3A_10, %mul3A_9] : memref<8x3x32768xi32, #tpu.memory_space<hbm>> -> memref<1x1x8192xi32, #tpu.memory_space<hbm>>
      %dma_start3A_318 = tpu.memref_squeeze %dma_start3A_317 : memref<1x1x8192xi32, #tpu.memory_space<hbm>> -> memref<8192xi32, #tpu.memory_space<hbm>>
      tpu.enqueue_dma source(%dma_start3A_318 : memref<8192xi32, #tpu.memory_space<hbm>>) target(%arg11 : memref<8192xi32, #tpu.memory_space<vmem>>) target_semaphore(%run_scoped3A_315 : memref<!tpu.dma_semaphore, #tpu.memory_space<semaphore_mem>>)
      %dma_wait3A = tpu.memref_slice %arg2[%shift_right_arithmetic3A_1, %run_scoped3A_10, %mul3A_9] : memref<8x3x32768xi32, #tpu.memory_space<hbm>> -> memref<1x1x8192xi32, #tpu.memory_space<hbm>>
      %dma_wait3A_319 = tpu.memref_squeeze %dma_wait3A : memref<1x1x8192xi32, #tpu.memory_space<hbm>> -> memref<8192xi32, #tpu.memory_space<hbm>>
      %dma_wait3A_320 = tpu.memref_slice %arg2[%shift_right_arithmetic3A_1, %run_scoped3A_10, %mul3A_9] : memref<8x3x32768xi32, #tpu.memory_space<hbm>> -> memref<1x1x8192xi32, #tpu.memory_space<hbm>>
      %dma_wait3A_321 = tpu.memref_squeeze %dma_wait3A_320 : memref<1x1x8192xi32, #tpu.memory_space<hbm>> -> memref<8192xi32, #tpu.memory_space<hbm>>
      tpu.wait_dma2 semaphore(%run_scoped3A_315 : memref<!tpu.dma_semaphore, #tpu.memory_space<semaphore_mem>>) src(%dma_wait3A_321 : memref<8192xi32, #tpu.memory_space<hbm>>) dst(%arg11 : memref<8192xi32, #tpu.memory_space<vmem>>)
      tpu.yield
    }) : () -> ()
    %run_scoped3A_11 = arith.constant 2 : i32
    "tpu.region"() ({
      %run_scoped3A_315 = tpu.sem_alloc : memref<!tpu.dma_semaphore, #tpu.memory_space<semaphore_mem>>
      %dma_start3A = tpu.memref_slice %arg2[%shift_right_arithmetic3A_1, %run_scoped3A_11, %mul3A_9] : memref<8x3x32768xi32, #tpu.memory_space<hbm>> -> memref<1x1x8192xi32, #tpu.memory_space<hbm>>
      %dma_start3A_316 = tpu.memref_squeeze %dma_start3A : memref<1x1x8192xi32, #tpu.memory_space<hbm>> -> memref<8192xi32, #tpu.memory_space<hbm>>
      %dma_start3A_317 = tpu.memref_slice %arg2[%shift_right_arithmetic3A_1, %run_scoped3A_11, %mul3A_9] : memref<8x3x32768xi32, #tpu.memory_space<hbm>> -> memref<1x1x8192xi32, #tpu.memory_space<hbm>>
      %dma_start3A_318 = tpu.memref_squeeze %dma_start3A_317 : memref<1x1x8192xi32, #tpu.memory_space<hbm>> -> memref<8192xi32, #tpu.memory_space<hbm>>
      tpu.enqueue_dma source(%dma_start3A_318 : memref<8192xi32, #tpu.memory_space<hbm>>) target(%arg12 : memref<8192xi32, #tpu.memory_space<vmem>>) target_semaphore(%run_scoped3A_315 : memref<!tpu.dma_semaphore, #tpu.memory_space<semaphore_mem>>)
      %dma_wait3A = tpu.memref_slice %arg2[%shift_right_arithmetic3A_1, %run_scoped3A_11, %mul3A_9] : memref<8x3x32768xi32, #tpu.memory_space<hbm>> -> memref<1x1x8192xi32, #tpu.memory_space<hbm>>
      %dma_wait3A_319 = tpu.memref_squeeze %dma_wait3A : memref<1x1x8192xi32, #tpu.memory_space<hbm>> -> memref<8192xi32, #tpu.memory_space<hbm>>
      %dma_wait3A_320 = tpu.memref_slice %arg2[%shift_right_arithmetic3A_1, %run_scoped3A_11, %mul3A_9] : memref<8x3x32768xi32, #tpu.memory_space<hbm>> -> memref<1x1x8192xi32, #tpu.memory_space<hbm>>
      %dma_wait3A_321 = tpu.memref_squeeze %dma_wait3A_320 : memref<1x1x8192xi32, #tpu.memory_space<hbm>> -> memref<8192xi32, #tpu.memory_space<hbm>>
      tpu.wait_dma2 semaphore(%run_scoped3A_315 : memref<!tpu.dma_semaphore, #tpu.memory_space<semaphore_mem>>) src(%dma_wait3A_321 : memref<8192xi32, #tpu.memory_space<hbm>>) dst(%arg12 : memref<8192xi32, #tpu.memory_space<vmem>>)
      tpu.yield
    }) : () -> ()
    %broadcast_in_dim3A_12 = arith.constant 0x7F800000 : f32
    %broadcast_in_dim3A_13 = vector.broadcast %broadcast_in_dim3A_12 : f32 to vector<16xf32>
    %neg3A = arith.constant 0.000000e+00 : f32
    %neg3A_14 = vector.broadcast %neg3A : f32 to vector<16xf32>
    %neg3A_15 = arith.subf %neg3A_14, %broadcast_in_dim3A_13 : vector<16xf32>
    %neg3A_16 = arith.constant 0.000000e+00 : f32
    %neg3A_17 = vector.broadcast %neg3A_16 : f32 to vector<16xf32>
    %neg3A_18 = arith.subf %neg3A_17, %broadcast_in_dim3A_13 : vector<16xf32>
    %neg3A_19 = arith.constant 0.000000e+00 : f32
    %neg3A_20 = vector.broadcast %neg3A_19 : f32 to vector<16xf32>
    %neg3A_21 = arith.subf %neg3A_20, %broadcast_in_dim3A_13 : vector<16xf32>
    %scan3A = arith.constant 0 : i32
    %scan3A_22 = arith.constant 512 : i32
    %scan3A_23 = arith.addi %scan3A, %scan3A_22 : i32
    %scan3A_24 = arith.constant 1 : i32
    %scan3A_25:6 = scf.for %scan3A_315 = %scan3A to %scan3A_23 step %scan3A_24 iter_args(%scan3A_316 = %broadcast_in_dim3A_13, %scan3A_317 = %neg3A_15, %scan3A_318 = %broadcast_in_dim3A_13, %scan3A_319 = %neg3A_18, %scan3A_320 = %broadcast_in_dim3A_13, %scan3A_321 = %neg3A_21) -> (vector<16xf32>, vector<16xf32>, vector<16xf32>, vector<16xf32>, vector<16xf32>, vector<16xf32>)  : i32 {
      %mul3A_322 = arith.constant 16 : i32
      %mul3A_323 = arith.muli %scan3A_315, %mul3A_322 : i32
      %get3A_324 = arith.index_cast %mul3A_323 : i32 to index
      %get3A_325 = tpu.vector_load %arg10[%get3A_324] {strides = array<i32>} : memref<8192xi32, #tpu.memory_space<vmem>>, vector<16xi32>,
      %bitcast_convert_type3A_326 = tpu.bitcast %get3A_325 : vector<16xi32> -> vector<16xf32>
      %get3A_327 = arith.index_cast %mul3A_323 : i32 to index
      %get3A_328 = tpu.vector_load %arg11[%get3A_327] {strides = array<i32>} : memref<8192xi32, #tpu.memory_space<vmem>>, vector<16xi32>,
      %bitcast_convert_type3A_329 = tpu.bitcast %get3A_328 : vector<16xi32> -> vector<16xf32>
      %get3A_330 = arith.index_cast %mul3A_323 : i32 to index
      %get3A_331 = tpu.vector_load %arg12[%get3A_330] {strides = array<i32>} : memref<8192xi32, #tpu.memory_space<vmem>>, vector<16xi32>,
      %bitcast_convert_type3A_332 = tpu.bitcast %get3A_331 : vector<16xi32> -> vector<16xf32>
      %min3A_333 = arith.minimumf %scan3A_316, %bitcast_convert_type3A_326 : vector<16xf32>
      %max3A_334 = arith.maximumf %scan3A_317, %bitcast_convert_type3A_326 : vector<16xf32>
      %min3A_335 = arith.minimumf %scan3A_318, %bitcast_convert_type3A_329 : vector<16xf32>
      %max3A_336 = arith.maximumf %scan3A_319, %bitcast_convert_type3A_329 : vector<16xf32>
      %min3A_337 = arith.minimumf %scan3A_320, %bitcast_convert_type3A_332 : vector<16xf32>
      %max3A_338 = arith.maximumf %scan3A_321, %bitcast_convert_type3A_332 : vector<16xf32>
      scf.yield %min3A_333, %max3A_334, %min3A_335, %max3A_336, %min3A_337, %max3A_338 : vector<16xf32>, vector<16xf32>, vector<16xf32>, vector<16xf32>, vector<16xf32>, vector<16xf32>
    }
    %scan3A_26 = arith.constant 512 : i32
    %bitcast_convert_type3A = tpu.bitcast %scan3A_25#0 : vector<16xf32> -> vector<16xi32>
    %swap3A = arith.constant 0 : index
    %swap3A_27 = tpu.vector_load %arg17[%swap3A] {strides = array<i32>} : memref<96xi32, #tpu.memory_space<vmem>>, vector<16xi32>,
    tpu.vector_store %arg17[%swap3A], %bitcast_convert_type3A {strides = array<i32>} : memref<96xi32, #tpu.memory_space<vmem>>, vector<16xi32>,
    %bitcast_convert_type3A_28 = tpu.bitcast %scan3A_25#1 : vector<16xf32> -> vector<16xi32>
    %swap3A_29 = arith.constant 16 : index
    %swap3A_30 = tpu.vector_load %arg17[%swap3A_29] {strides = array<i32>} : memref<96xi32, #tpu.memory_space<vmem>>, vector<16xi32>,
    tpu.vector_store %arg17[%swap3A_29], %bitcast_convert_type3A_28 {strides = array<i32>} : memref<96xi32, #tpu.memory_space<vmem>>, vector<16xi32>,
    %bitcast_convert_type3A_31 = tpu.bitcast %scan3A_25#2 : vector<16xf32> -> vector<16xi32>
    %swap3A_32 = arith.constant 32 : index
    %swap3A_33 = tpu.vector_load %arg17[%swap3A_32] {strides = array<i32>} : memref<96xi32, #tpu.memory_space<vmem>>, vector<16xi32>,
    tpu.vector_store %arg17[%swap3A_32], %bitcast_convert_type3A_31 {strides = array<i32>} : memref<96xi32, #tpu.memory_space<vmem>>, vector<16xi32>,
    %bitcast_convert_type3A_34 = tpu.bitcast %scan3A_25#3 : vector<16xf32> -> vector<16xi32>
    %swap3A_35 = arith.constant 48 : index
    %swap3A_36 = tpu.vector_load %arg17[%swap3A_35] {strides = array<i32>} : memref<96xi32, #tpu.memory_space<vmem>>, vector<16xi32>,
    tpu.vector_store %arg17[%swap3A_35], %bitcast_convert_type3A_34 {strides = array<i32>} : memref<96xi32, #tpu.memory_space<vmem>>, vector<16xi32>,
    %bitcast_convert_type3A_37 = tpu.bitcast %scan3A_25#4 : vector<16xf32> -> vector<16xi32>
    %swap3A_38 = arith.constant 64 : index
    %swap3A_39 = tpu.vector_load %arg17[%swap3A_38] {strides = array<i32>} : memref<96xi32, #tpu.memory_space<vmem>>, vector<16xi32>,
    tpu.vector_store %arg17[%swap3A_38], %bitcast_convert_type3A_37 {strides = array<i32>} : memref<96xi32, #tpu.memory_space<vmem>>, vector<16xi32>,
    %bitcast_convert_type3A_40 = tpu.bitcast %scan3A_25#5 : vector<16xf32> -> vector<16xi32>
    %swap3A_41 = arith.constant 80 : index
    %swap3A_42 = tpu.vector_load %arg17[%swap3A_41] {strides = array<i32>} : memref<96xi32, #tpu.memory_space<vmem>>, vector<16xi32>,
    tpu.vector_store %arg17[%swap3A_41], %bitcast_convert_type3A_40 {strides = array<i32>} : memref<96xi32, #tpu.memory_space<vmem>>, vector<16xi32>,
    %mul3A_43 = arith.constant 4 : i32
    %mul3A_44 = arith.muli %and3A_2, %mul3A_43 : i32
    %add3A_45 = arith.addi %mul3A_44, %and3A_4 : i32
    %mul3A_46 = arith.constant 96 : i32
    %mul3A_47 = arith.muli %add3A_45, %mul3A_46 : i32
    "tpu.region"() ({
      %run_scoped3A_315 = tpu.sem_alloc : memref<!tpu.dma_semaphore, #tpu.memory_space<semaphore_mem>>
      %dma_start3A = tpu.memref_slice %arg8[%mul3A_47] : memref<1536xi32, #tpu.memory_space<vmem_shared>> -> memref<96xi32, #tpu.memory_space<vmem_shared>>
      %dma_start3A_316 = tpu.memref_slice %arg8[%mul3A_47] : memref<1536xi32, #tpu.memory_space<vmem_shared>> -> memref<96xi32, #tpu.memory_space<vmem_shared>>
      tpu.enqueue_dma source(%arg17 : memref<96xi32, #tpu.memory_space<vmem>>) target(%dma_start3A_316 : memref<96xi32, #tpu.memory_space<vmem_shared>>) target_semaphore(%run_scoped3A_315 : memref<!tpu.dma_semaphore, #tpu.memory_space<semaphore_mem>>)
      %dma_wait3A = tpu.memref_slice %arg8[%mul3A_47] : memref<1536xi32, #tpu.memory_space<vmem_shared>> -> memref<96xi32, #tpu.memory_space<vmem_shared>>
      %dma_wait3A_317 = tpu.memref_slice %arg8[%mul3A_47] : memref<1536xi32, #tpu.memory_space<vmem_shared>> -> memref<96xi32, #tpu.memory_space<vmem_shared>>
      tpu.wait_dma2 semaphore(%run_scoped3A_315 : memref<!tpu.dma_semaphore, #tpu.memory_space<semaphore_mem>>) src(%arg17 : memref<96xi32, #tpu.memory_space<vmem>>) dst(%dma_wait3A_317 : memref<96xi32, #tpu.memory_space<vmem_shared>>)
      tpu.yield
    }) : () -> ()
    %barrier3A = arith.constant 0 : index
    tpu.barrier barrier_id(%barrier3A)
    %mul3A_48 = arith.constant 4 : i32
    %mul3A_49 = arith.muli %and3A_2, %mul3A_48 : i32
    %mul3A_50 = arith.constant 96 : i32
    %mul3A_51 = arith.muli %mul3A_49, %mul3A_50 : i32
    "tpu.region"() ({
      %run_scoped3A_315 = tpu.sem_alloc : memref<!tpu.dma_semaphore, #tpu.memory_space<semaphore_mem>>
      %dma_start3A = arith.constant 0 : i32
      %dma_start3A_316 = tpu.memref_slice %arg16[%dma_start3A] : memref<4096xi32, #tpu.memory_space<vmem>> -> memref<384xi32, #tpu.memory_space<vmem>>
      %dma_start3A_317 = tpu.memref_slice %arg8[%mul3A_51] : memref<1536xi32, #tpu.memory_space<vmem_shared>> -> memref<384xi32, #tpu.memory_space<vmem_shared>>
      %dma_start3A_318 = arith.constant 0 : i32
      %dma_start3A_319 = tpu.memref_slice %arg16[%dma_start3A_318] : memref<4096xi32, #tpu.memory_space<vmem>> -> memref<384xi32, #tpu.memory_space<vmem>>
      %dma_start3A_320 = tpu.memref_slice %arg8[%mul3A_51] : memref<1536xi32, #tpu.memory_space<vmem_shared>> -> memref<384xi32, #tpu.memory_space<vmem_shared>>
      tpu.enqueue_dma source(%dma_start3A_320 : memref<384xi32, #tpu.memory_space<vmem_shared>>) target(%dma_start3A_319 : memref<384xi32, #tpu.memory_space<vmem>>) target_semaphore(%run_scoped3A_315 : memref<!tpu.dma_semaphore, #tpu.memory_space<semaphore_mem>>)
      %dma_wait3A = arith.constant 0 : i32
      %dma_wait3A_321 = tpu.memref_slice %arg16[%dma_wait3A] : memref<4096xi32, #tpu.memory_space<vmem>> -> memref<384xi32, #tpu.memory_space<vmem>>
      %dma_wait3A_322 = tpu.memref_slice %arg8[%mul3A_51] : memref<1536xi32, #tpu.memory_space<vmem_shared>> -> memref<384xi32, #tpu.memory_space<vmem_shared>>
      %dma_wait3A_323 = arith.constant 0 : i32
      %dma_wait3A_324 = tpu.memref_slice %arg16[%dma_wait3A_323] : memref<4096xi32, #tpu.memory_space<vmem>> -> memref<384xi32, #tpu.memory_space<vmem>>
      %dma_wait3A_325 = tpu.memref_slice %arg8[%mul3A_51] : memref<1536xi32, #tpu.memory_space<vmem_shared>> -> memref<384xi32, #tpu.memory_space<vmem_shared>>
      tpu.wait_dma2 semaphore(%run_scoped3A_315 : memref<!tpu.dma_semaphore, #tpu.memory_space<semaphore_mem>>) src(%dma_wait3A_325 : memref<384xi32, #tpu.memory_space<vmem_shared>>) dst(%dma_wait3A_324 : memref<384xi32, #tpu.memory_space<vmem>>)
      tpu.yield
    }) : () -> ()
    %get3A = arith.constant 0 : index
    %get3A_52 = tpu.vector_load %arg16[%get3A] {strides = array<i32>} : memref<4096xi32, #tpu.memory_space<vmem>>, vector<16xi32>,
    %bitcast_convert_type3A_53 = tpu.bitcast %get3A_52 : vector<16xi32> -> vector<16xf32>
    %get3A_54 = arith.constant 96 : index
    %get3A_55 = tpu.vector_load %arg16[%get3A_54] {strides = array<i32>} : memref<4096xi32, #tpu.memory_space<vmem>>, vector<16xi32>,
    %bitcast_convert_type3A_56 = tpu.bitcast %get3A_55 : vector<16xi32> -> vector<16xf32>
    %min3A = arith.minimumf %bitcast_convert_type3A_53, %bitcast_convert_type3A_56 : vector<16xf32>
    %get3A_57 = arith.constant 192 : index
    %get3A_58 = tpu.vector_load %arg16[%get3A_57] {strides = array<i32>} : memref<4096xi32, #tpu.memory_space<vmem>>, vector<16xi32>,
    %bitcast_convert_type3A_59 = tpu.bitcast %get3A_58 : vector<16xi32> -> vector<16xf32>
    %min3A_60 = arith.minimumf %min3A, %bitcast_convert_type3A_59 : vector<16xf32>
    %get3A_61 = arith.constant 288 : index
    %get3A_62 = tpu.vector_load %arg16[%get3A_61] {strides = array<i32>} : memref<4096xi32, #tpu.memory_space<vmem>>, vector<16xi32>,
    %bitcast_convert_type3A_63 = tpu.bitcast %get3A_62 : vector<16xi32> -> vector<16xf32>
    %min3A_64 = arith.minimumf %min3A_60, %bitcast_convert_type3A_63 : vector<16xf32>
    %reduce_min3A = arith.constant true
    %reduce_min3A_65 = vector.broadcast %reduce_min3A : i1 to vector<16xi1>
    %reduce_min3A_66 = tpu.scan <min>, %min3A_64 masked %reduce_min3A_65 : vector<16xf32>, vector<16xi1> -> vector<16xf32>
    %reduce_min3A_67 = vector.extract %reduce_min3A_66[15] : f32 from vector<16xf32>
    %get3A_68 = arith.constant 16 : index
    %get3A_69 = tpu.vector_load %arg16[%get3A_68] {strides = array<i32>} : memref<4096xi32, #tpu.memory_space<vmem>>, vector<16xi32>,
    %bitcast_convert_type3A_70 = tpu.bitcast %get3A_69 : vector<16xi32> -> vector<16xf32>
    %get3A_71 = arith.constant 112 : index
    %get3A_72 = tpu.vector_load %arg16[%get3A_71] {strides = array<i32>} : memref<4096xi32, #tpu.memory_space<vmem>>, vector<16xi32>,
    %bitcast_convert_type3A_73 = tpu.bitcast %get3A_72 : vector<16xi32> -> vector<16xf32>
    %max3A = arith.maximumf %bitcast_convert_type3A_70, %bitcast_convert_type3A_73 : vector<16xf32>
    %get3A_74 = arith.constant 208 : index
    %get3A_75 = tpu.vector_load %arg16[%get3A_74] {strides = array<i32>} : memref<4096xi32, #tpu.memory_space<vmem>>, vector<16xi32>,
    %bitcast_convert_type3A_76 = tpu.bitcast %get3A_75 : vector<16xi32> -> vector<16xf32>
    %max3A_77 = arith.maximumf %max3A, %bitcast_convert_type3A_76 : vector<16xf32>
    %get3A_78 = arith.constant 304 : index
    %get3A_79 = tpu.vector_load %arg16[%get3A_78] {strides = array<i32>} : memref<4096xi32, #tpu.memory_space<vmem>>, vector<16xi32>,
    %bitcast_convert_type3A_80 = tpu.bitcast %get3A_79 : vector<16xi32> -> vector<16xf32>
    %max3A_81 = arith.maximumf %max3A_77, %bitcast_convert_type3A_80 : vector<16xf32>
    %reduce_max3A = arith.constant true
    %reduce_max3A_82 = vector.broadcast %reduce_max3A : i1 to vector<16xi1>
    %reduce_max3A_83 = tpu.scan <max>, %max3A_81 masked %reduce_max3A_82 : vector<16xf32>, vector<16xi1> -> vector<16xf32>
    %reduce_max3A_84 = vector.extract %reduce_max3A_83[15] : f32 from vector<16xf32>
    %get3A_85 = arith.constant 32 : index
    %get3A_86 = tpu.vector_load %arg16[%get3A_85] {strides = array<i32>} : memref<4096xi32, #tpu.memory_space<vmem>>, vector<16xi32>,
    %bitcast_convert_type3A_87 = tpu.bitcast %get3A_86 : vector<16xi32> -> vector<16xf32>
    %get3A_88 = arith.constant 128 : index
    %get3A_89 = tpu.vector_load %arg16[%get3A_88] {strides = array<i32>} : memref<4096xi32, #tpu.memory_space<vmem>>, vector<16xi32>,
    %bitcast_convert_type3A_90 = tpu.bitcast %get3A_89 : vector<16xi32> -> vector<16xf32>
    %min3A_91 = arith.minimumf %bitcast_convert_type3A_87, %bitcast_convert_type3A_90 : vector<16xf32>
    %get3A_92 = arith.constant 224 : index
    %get3A_93 = tpu.vector_load %arg16[%get3A_92] {strides = array<i32>} : memref<4096xi32, #tpu.memory_space<vmem>>, vector<16xi32>,
    %bitcast_convert_type3A_94 = tpu.bitcast %get3A_93 : vector<16xi32> -> vector<16xf32>
    %min3A_95 = arith.minimumf %min3A_91, %bitcast_convert_type3A_94 : vector<16xf32>
    %get3A_96 = arith.constant 320 : index
    %get3A_97 = tpu.vector_load %arg16[%get3A_96] {strides = array<i32>} : memref<4096xi32, #tpu.memory_space<vmem>>, vector<16xi32>,
    %bitcast_convert_type3A_98 = tpu.bitcast %get3A_97 : vector<16xi32> -> vector<16xf32>
    %min3A_99 = arith.minimumf %min3A_95, %bitcast_convert_type3A_98 : vector<16xf32>
    %reduce_min3A_100 = arith.constant true
    %reduce_min3A_101 = vector.broadcast %reduce_min3A_100 : i1 to vector<16xi1>
    %reduce_min3A_102 = tpu.scan <min>, %min3A_99 masked %reduce_min3A_101 : vector<16xf32>, vector<16xi1> -> vector<16xf32>
    %reduce_min3A_103 = vector.extract %reduce_min3A_102[15] : f32 from vector<16xf32>
    %get3A_104 = arith.constant 48 : index
    %get3A_105 = tpu.vector_load %arg16[%get3A_104] {strides = array<i32>} : memref<4096xi32, #tpu.memory_space<vmem>>, vector<16xi32>,
    %bitcast_convert_type3A_106 = tpu.bitcast %get3A_105 : vector<16xi32> -> vector<16xf32>
    %get3A_107 = arith.constant 144 : index
    %get3A_108 = tpu.vector_load %arg16[%get3A_107] {strides = array<i32>} : memref<4096xi32, #tpu.memory_space<vmem>>, vector<16xi32>,
    %bitcast_convert_type3A_109 = tpu.bitcast %get3A_108 : vector<16xi32> -> vector<16xf32>
    %max3A_110 = arith.maximumf %bitcast_convert_type3A_106, %bitcast_convert_type3A_109 : vector<16xf32>
    %get3A_111 = arith.constant 240 : index
    %get3A_112 = tpu.vector_load %arg16[%get3A_111] {strides = array<i32>} : memref<4096xi32, #tpu.memory_space<vmem>>, vector<16xi32>,
    %bitcast_convert_type3A_113 = tpu.bitcast %get3A_112 : vector<16xi32> -> vector<16xf32>
    %max3A_114 = arith.maximumf %max3A_110, %bitcast_convert_type3A_113 : vector<16xf32>
    %get3A_115 = arith.constant 336 : index
    %get3A_116 = tpu.vector_load %arg16[%get3A_115] {strides = array<i32>} : memref<4096xi32, #tpu.memory_space<vmem>>, vector<16xi32>,
    %bitcast_convert_type3A_117 = tpu.bitcast %get3A_116 : vector<16xi32> -> vector<16xf32>
    %max3A_118 = arith.maximumf %max3A_114, %bitcast_convert_type3A_117 : vector<16xf32>
    %reduce_max3A_119 = arith.constant true
    %reduce_max3A_120 = vector.broadcast %reduce_max3A_119 : i1 to vector<16xi1>
    %reduce_max3A_121 = tpu.scan <max>, %max3A_118 masked %reduce_max3A_120 : vector<16xf32>, vector<16xi1> -> vector<16xf32>
    %reduce_max3A_122 = vector.extract %reduce_max3A_121[15] : f32 from vector<16xf32>
    %get3A_123 = arith.constant 64 : index
    %get3A_124 = tpu.vector_load %arg16[%get3A_123] {strides = array<i32>} : memref<4096xi32, #tpu.memory_space<vmem>>, vector<16xi32>,
    %bitcast_convert_type3A_125 = tpu.bitcast %get3A_124 : vector<16xi32> -> vector<16xf32>
    %get3A_126 = arith.constant 160 : index
    %get3A_127 = tpu.vector_load %arg16[%get3A_126] {strides = array<i32>} : memref<4096xi32, #tpu.memory_space<vmem>>, vector<16xi32>,
    %bitcast_convert_type3A_128 = tpu.bitcast %get3A_127 : vector<16xi32> -> vector<16xf32>
    %min3A_129 = arith.minimumf %bitcast_convert_type3A_125, %bitcast_convert_type3A_128 : vector<16xf32>
    %get3A_130 = arith.constant 256 : index
    %get3A_131 = tpu.vector_load %arg16[%get3A_130] {strides = array<i32>} : memref<4096xi32, #tpu.memory_space<vmem>>, vector<16xi32>,
    %bitcast_convert_type3A_132 = tpu.bitcast %get3A_131 : vector<16xi32> -> vector<16xf32>
    %min3A_133 = arith.minimumf %min3A_129, %bitcast_convert_type3A_132 : vector<16xf32>
    %get3A_134 = arith.constant 352 : index
    %get3A_135 = tpu.vector_load %arg16[%get3A_134] {strides = array<i32>} : memref<4096xi32, #tpu.memory_space<vmem>>, vector<16xi32>,
    %bitcast_convert_type3A_136 = tpu.bitcast %get3A_135 : vector<16xi32> -> vector<16xf32>
    %min3A_137 = arith.minimumf %min3A_133, %bitcast_convert_type3A_136 : vector<16xf32>
    %reduce_min3A_138 = arith.constant true
    %reduce_min3A_139 = vector.broadcast %reduce_min3A_138 : i1 to vector<16xi1>
    %reduce_min3A_140 = tpu.scan <min>, %min3A_137 masked %reduce_min3A_139 : vector<16xf32>, vector<16xi1> -> vector<16xf32>
    %reduce_min3A_141 = vector.extract %reduce_min3A_140[15] : f32 from vector<16xf32>
    %get3A_142 = arith.constant 80 : index
    %get3A_143 = tpu.vector_load %arg16[%get3A_142] {strides = array<i32>} : memref<4096xi32, #tpu.memory_space<vmem>>, vector<16xi32>,
    %bitcast_convert_type3A_144 = tpu.bitcast %get3A_143 : vector<16xi32> -> vector<16xf32>
    %get3A_145 = arith.constant 176 : index
    %get3A_146 = tpu.vector_load %arg16[%get3A_145] {strides = array<i32>} : memref<4096xi32, #tpu.memory_space<vmem>>, vector<16xi32>,
    %bitcast_convert_type3A_147 = tpu.bitcast %get3A_146 : vector<16xi32> -> vector<16xf32>
    %max3A_148 = arith.maximumf %bitcast_convert_type3A_144, %bitcast_convert_type3A_147 : vector<16xf32>
    %get3A_149 = arith.constant 272 : index
    %get3A_150 = tpu.vector_load %arg16[%get3A_149] {strides = array<i32>} : memref<4096xi32, #tpu.memory_space<vmem>>, vector<16xi32>,
    %bitcast_convert_type3A_151 = tpu.bitcast %get3A_150 : vector<16xi32> -> vector<16xf32>
    %max3A_152 = arith.maximumf %max3A_148, %bitcast_convert_type3A_151 : vector<16xf32>
    %get3A_153 = arith.constant 368 : index
    %get3A_154 = tpu.vector_load %arg16[%get3A_153] {strides = array<i32>} : memref<4096xi32, #tpu.memory_space<vmem>>, vector<16xi32>,
    %bitcast_convert_type3A_155 = tpu.bitcast %get3A_154 : vector<16xi32> -> vector<16xf32>
    %max3A_156 = arith.maximumf %max3A_152, %bitcast_convert_type3A_155 : vector<16xf32>
    %reduce_max3A_157 = arith.constant true
    %reduce_max3A_158 = vector.broadcast %reduce_max3A_157 : i1 to vector<16xi1>
    %reduce_max3A_159 = tpu.scan <max>, %max3A_156 masked %reduce_max3A_158 : vector<16xf32>, vector<16xi1> -> vector<16xf32>
    %reduce_max3A_160 = vector.extract %reduce_max3A_159[15] : f32 from vector<16xf32>
    %broadcast_in_dim3A_161 = vector.broadcast %reduce_min3A_67 : f32 to vector<16xf32>
    %sub3A = arith.subf %reduce_max3A_84, %reduce_min3A_67 : f32
    %broadcast_in_dim3A_162 = vector.broadcast %sub3A : f32 to vector<16xf32>
    %broadcast_in_dim3A_163 = vector.broadcast %reduce_min3A_103 : f32 to vector<16xf32>
    %sub3A_164 = arith.subf %reduce_max3A_122, %reduce_min3A_103 : f32
    %broadcast_in_dim3A_165 = vector.broadcast %sub3A_164 : f32 to vector<16xf32>
    %broadcast_in_dim3A_166 = vector.broadcast %reduce_min3A_141 : f32 to vector<16xf32>
    %sub3A_167 = arith.subf %reduce_max3A_160, %reduce_min3A_141 : f32
    %broadcast_in_dim3A_168 = vector.broadcast %sub3A_167 : f32 to vector<16xf32>
    %scan3A_169 = arith.constant 0 : i32
    %scan3A_170 = arith.constant 0 : i32
    %scan3A_171 = arith.constant 64 : i32
    %scan3A_172 = arith.addi %scan3A_170, %scan3A_171 : i32
    %scan3A_173 = arith.constant 1 : i32
    %scan3A_174 = scf.for %scan3A_315 = %scan3A_170 to %scan3A_172 step %scan3A_173 iter_args(%scan3A_316 = %scan3A_169) -> (i32)  : i32 {
      %mul3A_317 = arith.constant 16 : i32
      %mul3A_318 = arith.muli %scan3A_315, %mul3A_317 : i32
      %swap3A_319 = arith.index_cast %mul3A_318 : i32 to index
      %swap3A_320 = tpu.vector_load %arg14[%swap3A_319] {strides = array<i32>} : memref<1024xi32, #tpu.memory_space<vmem>>, vector<16xi32>,
      tpu.vector_store %arg14[%swap3A_319], %broadcast_in_dim3A_5 {strides = array<i32>} : memref<1024xi32, #tpu.memory_space<vmem>>, vector<16xi32>,
      %scan3A_321 = arith.constant 0 : i32
      scf.yield %scan3A_321 : i32
    }
    %scan3A_175 = arith.constant 64 : i32
    %scan3A_176 = arith.constant 0 : i32
    %scan3A_177 = arith.constant 0 : i32
    %scan3A_178 = arith.constant 512 : i32
    %scan3A_179 = arith.addi %scan3A_177, %scan3A_178 : i32
    %scan3A_180 = arith.constant 1 : i32
    %scan3A_181 = scf.for %scan3A_315 = %scan3A_177 to %scan3A_179 step %scan3A_180 iter_args(%scan3A_316 = %scan3A_176) -> (i32)  : i32 {
      %mul3A_317 = arith.constant 16 : i32
      %mul3A_318 = arith.muli %scan3A_315, %mul3A_317 : i32
      %get3A_319 = arith.index_cast %mul3A_318 : i32 to index
      %get3A_320 = tpu.vector_load %arg10[%get3A_319] {strides = array<i32>} : memref<8192xi32, #tpu.memory_space<vmem>>, vector<16xi32>,
      %bitcast_convert_type3A_321 = tpu.bitcast %get3A_320 : vector<16xi32> -> vector<16xf32>
      %get3A_322 = arith.index_cast %mul3A_318 : i32 to index
      %get3A_323 = tpu.vector_load %arg11[%get3A_322] {strides = array<i32>} : memref<8192xi32, #tpu.memory_space<vmem>>, vector<16xi32>,
      %bitcast_convert_type3A_324 = tpu.bitcast %get3A_323 : vector<16xi32> -> vector<16xf32>
      %get3A_325 = arith.index_cast %mul3A_318 : i32 to index
      %get3A_326 = tpu.vector_load %arg12[%get3A_325] {strides = array<i32>} : memref<8192xi32, #tpu.memory_space<vmem>>, vector<16xi32>,
      %bitcast_convert_type3A_327 = tpu.bitcast %get3A_326 : vector<16xi32> -> vector<16xf32>
      %sub3A_328 = arith.subf %bitcast_convert_type3A_321, %broadcast_in_dim3A_161 : vector<16xf32>
      %mul3A_329 = arith.constant 1.023000e+03 : f32
      %mul3A_330 = vector.broadcast %mul3A_329 : f32 to vector<16xf32>
      %mul3A_331 = arith.mulf %mul3A_330, %sub3A_328 : vector<16xf32>
      %div3A = arith.divf %mul3A_331, %broadcast_in_dim3A_162 : vector<16xf32>
      %convert_element_type3A = arith.fptosi %div3A : vector<16xf32> to vector<16xi32>
      %sub3A_332 = arith.subf %bitcast_convert_type3A_324, %broadcast_in_dim3A_163 : vector<16xf32>
      %mul3A_333 = arith.constant 1.023000e+03 : f32
      %mul3A_334 = vector.broadcast %mul3A_333 : f32 to vector<16xf32>
      %mul3A_335 = arith.mulf %mul3A_334, %sub3A_332 : vector<16xf32>
      %div3A_336 = arith.divf %mul3A_335, %broadcast_in_dim3A_165 : vector<16xf32>
      %convert_element_type3A_337 = arith.fptosi %div3A_336 : vector<16xf32> to vector<16xi32>
      %sub3A_338 = arith.subf %bitcast_convert_type3A_327, %broadcast_in_dim3A_166 : vector<16xf32>
      %mul3A_339 = arith.constant 1.023000e+03 : f32
      %mul3A_340 = vector.broadcast %mul3A_339 : f32 to vector<16xf32>
      %mul3A_341 = arith.mulf %mul3A_340, %sub3A_338 : vector<16xf32>
      %div3A_342 = arith.divf %mul3A_341, %broadcast_in_dim3A_168 : vector<16xf32>
      %convert_element_type3A_343 = arith.fptosi %div3A_342 : vector<16xf32> to vector<16xi32>
      %and3A_344 = arith.constant 1023 : i32
      %and3A_345 = vector.broadcast %and3A_344 : i32 to vector<16xi32>
      %and3A_346 = arith.andi %convert_element_type3A, %and3A_345 : vector<16xi32>
      %shift_left3A = arith.constant 16 : i32
      %shift_left3A_347 = vector.broadcast %shift_left3A : i32 to vector<16xi32>
      %shift_left3A_348 = arith.shli %and3A_346, %shift_left3A_347 : vector<16xi32>
      %or3A = arith.ori %and3A_346, %shift_left3A_348 : vector<16xi32>
      %and3A_349 = arith.constant 50331903 : i32
      %and3A_350 = vector.broadcast %and3A_349 : i32 to vector<16xi32>
      %and3A_351 = arith.andi %or3A, %and3A_350 : vector<16xi32>
      %shift_left3A_352 = arith.constant 8 : i32
      %shift_left3A_353 = vector.broadcast %shift_left3A_352 : i32 to vector<16xi32>
      %shift_left3A_354 = arith.shli %and3A_351, %shift_left3A_353 : vector<16xi32>
      %or3A_355 = arith.ori %and3A_351, %shift_left3A_354 : vector<16xi32>
      %and3A_356 = arith.constant 50393103 : i32
      %and3A_357 = vector.broadcast %and3A_356 : i32 to vector<16xi32>
      %and3A_358 = arith.andi %or3A_355, %and3A_357 : vector<16xi32>
      %shift_left3A_359 = arith.constant 4 : i32
      %shift_left3A_360 = vector.broadcast %shift_left3A_359 : i32 to vector<16xi32>
      %shift_left3A_361 = arith.shli %and3A_358, %shift_left3A_360 : vector<16xi32>
      %or3A_362 = arith.ori %and3A_358, %shift_left3A_361 : vector<16xi32>
      %and3A_363 = arith.constant 51130563 : i32
      %and3A_364 = vector.broadcast %and3A_363 : i32 to vector<16xi32>
      %and3A_365 = arith.andi %or3A_362, %and3A_364 : vector<16xi32>
      %shift_left3A_366 = arith.constant 2 : i32
      %shift_left3A_367 = vector.broadcast %shift_left3A_366 : i32 to vector<16xi32>
      %shift_left3A_368 = arith.shli %and3A_365, %shift_left3A_367 : vector<16xi32>
      %or3A_369 = arith.ori %and3A_365, %shift_left3A_368 : vector<16xi32>
      %and3A_370 = arith.constant 153391689 : i32
      %and3A_371 = vector.broadcast %and3A_370 : i32 to vector<16xi32>
      %and3A_372 = arith.andi %or3A_369, %and3A_371 : vector<16xi32>
      %and3A_373 = arith.constant 1023 : i32
      %and3A_374 = vector.broadcast %and3A_373 : i32 to vector<16xi32>
      %and3A_375 = arith.andi %convert_element_type3A_337, %and3A_374 : vector<16xi32>
      %shift_left3A_376 = arith.constant 16 : i32
      %shift_left3A_377 = vector.broadcast %shift_left3A_376 : i32 to vector<16xi32>
      %shift_left3A_378 = arith.shli %and3A_375, %shift_left3A_377 : vector<16xi32>
      %or3A_379 = arith.ori %and3A_375, %shift_left3A_378 : vector<16xi32>
      %and3A_380 = arith.constant 50331903 : i32
      %and3A_381 = vector.broadcast %and3A_380 : i32 to vector<16xi32>
      %and3A_382 = arith.andi %or3A_379, %and3A_381 : vector<16xi32>
      %shift_left3A_383 = arith.constant 8 : i32
      %shift_left3A_384 = vector.broadcast %shift_left3A_383 : i32 to vector<16xi32>
      %shift_left3A_385 = arith.shli %and3A_382, %shift_left3A_384 : vector<16xi32>
      %or3A_386 = arith.ori %and3A_382, %shift_left3A_385 : vector<16xi32>
      %and3A_387 = arith.constant 50393103 : i32
      %and3A_388 = vector.broadcast %and3A_387 : i32 to vector<16xi32>
      %and3A_389 = arith.andi %or3A_386, %and3A_388 : vector<16xi32>
      %shift_left3A_390 = arith.constant 4 : i32
      %shift_left3A_391 = vector.broadcast %shift_left3A_390 : i32 to vector<16xi32>
      %shift_left3A_392 = arith.shli %and3A_389, %shift_left3A_391 : vector<16xi32>
      %or3A_393 = arith.ori %and3A_389, %shift_left3A_392 : vector<16xi32>
      %and3A_394 = arith.constant 51130563 : i32
      %and3A_395 = vector.broadcast %and3A_394 : i32 to vector<16xi32>
      %and3A_396 = arith.andi %or3A_393, %and3A_395 : vector<16xi32>
      %shift_left3A_397 = arith.constant 2 : i32
      %shift_left3A_398 = vector.broadcast %shift_left3A_397 : i32 to vector<16xi32>
      %shift_left3A_399 = arith.shli %and3A_396, %shift_left3A_398 : vector<16xi32>
      %or3A_400 = arith.ori %and3A_396, %shift_left3A_399 : vector<16xi32>
      %and3A_401 = arith.constant 153391689 : i32
      %and3A_402 = vector.broadcast %and3A_401 : i32 to vector<16xi32>
      %and3A_403 = arith.andi %or3A_400, %and3A_402 : vector<16xi32>
      %shift_left3A_404 = arith.constant 1 : i32
      %shift_left3A_405 = vector.broadcast %shift_left3A_404 : i32 to vector<16xi32>
      %shift_left3A_406 = arith.shli %and3A_403, %shift_left3A_405 : vector<16xi32>
      %or3A_407 = arith.ori %and3A_372, %shift_left3A_406 : vector<16xi32>
      %and3A_408 = arith.constant 1023 : i32
      %and3A_409 = vector.broadcast %and3A_408 : i32 to vector<16xi32>
      %and3A_410 = arith.andi %convert_element_type3A_343, %and3A_409 : vector<16xi32>
      %shift_left3A_411 = arith.constant 16 : i32
      %shift_left3A_412 = vector.broadcast %shift_left3A_411 : i32 to vector<16xi32>
      %shift_left3A_413 = arith.shli %and3A_410, %shift_left3A_412 : vector<16xi32>
      %or3A_414 = arith.ori %and3A_410, %shift_left3A_413 : vector<16xi32>
      %and3A_415 = arith.constant 50331903 : i32
      %and3A_416 = vector.broadcast %and3A_415 : i32 to vector<16xi32>
      %and3A_417 = arith.andi %or3A_414, %and3A_416 : vector<16xi32>
      %shift_left3A_418 = arith.constant 8 : i32
      %shift_left3A_419 = vector.broadcast %shift_left3A_418 : i32 to vector<16xi32>
      %shift_left3A_420 = arith.shli %and3A_417, %shift_left3A_419 : vector<16xi32>
      %or3A_421 = arith.ori %and3A_417, %shift_left3A_420 : vector<16xi32>
      %and3A_422 = arith.constant 50393103 : i32
      %and3A_423 = vector.broadcast %and3A_422 : i32 to vector<16xi32>
      %and3A_424 = arith.andi %or3A_421, %and3A_423 : vector<16xi32>
      %shift_left3A_425 = arith.constant 4 : i32
      %shift_left3A_426 = vector.broadcast %shift_left3A_425 : i32 to vector<16xi32>
      %shift_left3A_427 = arith.shli %and3A_424, %shift_left3A_426 : vector<16xi32>
      %or3A_428 = arith.ori %and3A_424, %shift_left3A_427 : vector<16xi32>
      %and3A_429 = arith.constant 51130563 : i32
      %and3A_430 = vector.broadcast %and3A_429 : i32 to vector<16xi32>
      %and3A_431 = arith.andi %or3A_428, %and3A_430 : vector<16xi32>
      %shift_left3A_432 = arith.constant 2 : i32
      %shift_left3A_433 = vector.broadcast %shift_left3A_432 : i32 to vector<16xi32>
      %shift_left3A_434 = arith.shli %and3A_431, %shift_left3A_433 : vector<16xi32>
      %or3A_435 = arith.ori %and3A_431, %shift_left3A_434 : vector<16xi32>
      %and3A_436 = arith.constant 153391689 : i32
      %and3A_437 = vector.broadcast %and3A_436 : i32 to vector<16xi32>
      %and3A_438 = arith.andi %or3A_435, %and3A_437 : vector<16xi32>
      %shift_left3A_439 = arith.constant 2 : i32
      %shift_left3A_440 = vector.broadcast %shift_left3A_439 : i32 to vector<16xi32>
      %shift_left3A_441 = arith.shli %and3A_438, %shift_left3A_440 : vector<16xi32>
      %or3A_442 = arith.ori %or3A_407, %shift_left3A_441 : vector<16xi32>
      %swap3A_443 = arith.index_cast %mul3A_318 : i32 to index
      %swap3A_444 = tpu.vector_load %arg10[%swap3A_443] {strides = array<i32>} : memref<8192xi32, #tpu.memory_space<vmem>>, vector<16xi32>,
      tpu.vector_store %arg10[%swap3A_443], %or3A_442 {strides = array<i32>} : memref<8192xi32, #tpu.memory_space<vmem>>, vector<16xi32>,
      %and3A_445 = arith.constant 1023 : i32
      %and3A_446 = vector.broadcast %and3A_445 : i32 to vector<16xi32>
      %and3A_447 = arith.andi %or3A_442, %and3A_446 : vector<16xi32>
      tpu.vector_store_idx %arg14[%and3A_447], %broadcast_in_dim3A_7 {add = true} : memref<1024xi32, #tpu.memory_space<vmem>>[vector<16xi32>], vector<16xi32>,
      %scan3A_448 = arith.constant 0 : i32
      scf.yield %scan3A_448 : i32
    }
    %scan3A_182 = arith.constant 512 : i32
    %mul3A_183 = arith.constant 32768 : i32
    %mul3A_184 = arith.muli %and3A_2, %mul3A_183 : i32
    %add3A_185 = arith.addi %mul3A_184, %mul3A_9 : i32
    "tpu.region"() ({
      %run_scoped3A_315 = tpu.sem_alloc : memref<!tpu.dma_semaphore, #tpu.memory_space<semaphore_mem>>
      %dma_start3A = tpu.memref_slice %arg4[%add3A_185] : memref<131072xi32, #tpu.memory_space<vmem_shared>> -> memref<8192xi32, #tpu.memory_space<vmem_shared>>
      %dma_start3A_316 = tpu.memref_slice %arg4[%add3A_185] : memref<131072xi32, #tpu.memory_space<vmem_shared>> -> memref<8192xi32, #tpu.memory_space<vmem_shared>>
      tpu.enqueue_dma source(%arg10 : memref<8192xi32, #tpu.memory_space<vmem>>) target(%dma_start3A_316 : memref<8192xi32, #tpu.memory_space<vmem_shared>>) target_semaphore(%run_scoped3A_315 : memref<!tpu.dma_semaphore, #tpu.memory_space<semaphore_mem>>)
      %dma_wait3A = tpu.memref_slice %arg4[%add3A_185] : memref<131072xi32, #tpu.memory_space<vmem_shared>> -> memref<8192xi32, #tpu.memory_space<vmem_shared>>
      %dma_wait3A_317 = tpu.memref_slice %arg4[%add3A_185] : memref<131072xi32, #tpu.memory_space<vmem_shared>> -> memref<8192xi32, #tpu.memory_space<vmem_shared>>
      tpu.wait_dma2 semaphore(%run_scoped3A_315 : memref<!tpu.dma_semaphore, #tpu.memory_space<semaphore_mem>>) src(%arg10 : memref<8192xi32, #tpu.memory_space<vmem>>) dst(%dma_wait3A_317 : memref<8192xi32, #tpu.memory_space<vmem_shared>>)
      tpu.yield
    }) : () -> ()
    %barrier3A_186 = arith.constant 0 : index
    tpu.barrier barrier_id(%barrier3A_186)
    %mul3A_187 = arith.constant 32768 : i32
    %mul3A_188 = arith.muli %and3A_2, %mul3A_187 : i32
    "tpu.region"() ({
      %run_scoped3A_315 = tpu.sem_alloc : memref<!tpu.dma_semaphore, #tpu.memory_space<semaphore_mem>>
      %dma_start3A = tpu.memref_slice %arg4[%mul3A_188] : memref<131072xi32, #tpu.memory_space<vmem_shared>> -> memref<32768xi32, #tpu.memory_space<vmem_shared>>
      %dma_start3A_316 = tpu.memref_slice %arg4[%mul3A_188] : memref<131072xi32, #tpu.memory_space<vmem_shared>> -> memref<32768xi32, #tpu.memory_space<vmem_shared>>
      tpu.enqueue_dma source(%dma_start3A_316 : memref<32768xi32, #tpu.memory_space<vmem_shared>>) target(%arg9 : memref<32768xi32, #tpu.memory_space<vmem>>) target_semaphore(%run_scoped3A_315 : memref<!tpu.dma_semaphore, #tpu.memory_space<semaphore_mem>>)
      %dma_wait3A = tpu.memref_slice %arg4[%mul3A_188] : memref<131072xi32, #tpu.memory_space<vmem_shared>> -> memref<32768xi32, #tpu.memory_space<vmem_shared>>
      %dma_wait3A_317 = tpu.memref_slice %arg4[%mul3A_188] : memref<131072xi32, #tpu.memory_space<vmem_shared>> -> memref<32768xi32, #tpu.memory_space<vmem_shared>>
      tpu.wait_dma2 semaphore(%run_scoped3A_315 : memref<!tpu.dma_semaphore, #tpu.memory_space<semaphore_mem>>) src(%dma_wait3A_317 : memref<32768xi32, #tpu.memory_space<vmem_shared>>) dst(%arg9 : memref<32768xi32, #tpu.memory_space<vmem>>)
      tpu.yield
    }) : () -> ()
    %broadcast_in_dim3A_189 = vector.broadcast %and3A_4 : i32 to vector<16xi32>
    %mul3A_190 = arith.constant 4 : i32
    %mul3A_191 = arith.muli %and3A_2, %mul3A_190 : i32
    %add3A_192 = arith.addi %mul3A_191, %and3A_4 : i32
    %mul3A_193 = arith.constant 1024 : i32
    %mul3A_194 = arith.muli %add3A_192, %mul3A_193 : i32
    "tpu.region"() ({
      %run_scoped3A_315 = tpu.sem_alloc : memref<!tpu.dma_semaphore, #tpu.memory_space<semaphore_mem>>
      %dma_start3A = tpu.memref_slice %arg7[%mul3A_194] : memref<16384xi32, #tpu.memory_space<vmem_shared>> -> memref<1024xi32, #tpu.memory_space<vmem_shared>>
      %dma_start3A_316 = tpu.memref_slice %arg7[%mul3A_194] : memref<16384xi32, #tpu.memory_space<vmem_shared>> -> memref<1024xi32, #tpu.memory_space<vmem_shared>>
      tpu.enqueue_dma source(%arg14 : memref<1024xi32, #tpu.memory_space<vmem>>) target(%dma_start3A_316 : memref<1024xi32, #tpu.memory_space<vmem_shared>>) target_semaphore(%run_scoped3A_315 : memref<!tpu.dma_semaphore, #tpu.memory_space<semaphore_mem>>)
      %dma_wait3A = tpu.memref_slice %arg7[%mul3A_194] : memref<16384xi32, #tpu.memory_space<vmem_shared>> -> memref<1024xi32, #tpu.memory_space<vmem_shared>>
      %dma_wait3A_317 = tpu.memref_slice %arg7[%mul3A_194] : memref<16384xi32, #tpu.memory_space<vmem_shared>> -> memref<1024xi32, #tpu.memory_space<vmem_shared>>
      tpu.wait_dma2 semaphore(%run_scoped3A_315 : memref<!tpu.dma_semaphore, #tpu.memory_space<semaphore_mem>>) src(%arg14 : memref<1024xi32, #tpu.memory_space<vmem>>) dst(%dma_wait3A_317 : memref<1024xi32, #tpu.memory_space<vmem_shared>>)
      tpu.yield
    }) : () -> ()
    %barrier3A_195 = arith.constant 0 : index
    tpu.barrier barrier_id(%barrier3A_195)
    %mul3A_196 = arith.constant 4 : i32
    %mul3A_197 = arith.muli %and3A_2, %mul3A_196 : i32
    %mul3A_198 = arith.constant 1024 : i32
    %mul3A_199 = arith.muli %mul3A_197, %mul3A_198 : i32
    "tpu.region"() ({
      %run_scoped3A_315 = tpu.sem_alloc : memref<!tpu.dma_semaphore, #tpu.memory_space<semaphore_mem>>
      %dma_start3A = tpu.memref_slice %arg7[%mul3A_199] : memref<16384xi32, #tpu.memory_space<vmem_shared>> -> memref<4096xi32, #tpu.memory_space<vmem_shared>>
      %dma_start3A_316 = tpu.memref_slice %arg7[%mul3A_199] : memref<16384xi32, #tpu.memory_space<vmem_shared>> -> memref<4096xi32, #tpu.memory_space<vmem_shared>>
      tpu.enqueue_dma source(%dma_start3A_316 : memref<4096xi32, #tpu.memory_space<vmem_shared>>) target(%arg16 : memref<4096xi32, #tpu.memory_space<vmem>>) target_semaphore(%run_scoped3A_315 : memref<!tpu.dma_semaphore, #tpu.memory_space<semaphore_mem>>)
      %dma_wait3A = tpu.memref_slice %arg7[%mul3A_199] : memref<16384xi32, #tpu.memory_space<vmem_shared>> -> memref<4096xi32, #tpu.memory_space<vmem_shared>>
      %dma_wait3A_317 = tpu.memref_slice %arg7[%mul3A_199] : memref<16384xi32, #tpu.memory_space<vmem_shared>> -> memref<4096xi32, #tpu.memory_space<vmem_shared>>
      tpu.wait_dma2 semaphore(%run_scoped3A_315 : memref<!tpu.dma_semaphore, #tpu.memory_space<semaphore_mem>>) src(%dma_wait3A_317 : memref<4096xi32, #tpu.memory_space<vmem_shared>>) dst(%arg16 : memref<4096xi32, #tpu.memory_space<vmem>>)
      tpu.yield
    }) : () -> ()
    %scan3A_200 = arith.constant 0 : i32
    %scan3A_201 = arith.constant 0 : i32
    %scan3A_202 = arith.constant 64 : i32
    %scan3A_203 = arith.addi %scan3A_201, %scan3A_202 : i32
    %scan3A_204 = arith.constant 1 : i32
    %scan3A_205 = scf.for %scan3A_315 = %scan3A_201 to %scan3A_203 step %scan3A_204 iter_args(%scan3A_316 = %scan3A_200) -> (i32)  : i32 {
      %mul3A_317 = arith.constant 16 : i32
      %mul3A_318 = arith.muli %scan3A_315, %mul3A_317 : i32
      %get3A_319 = arith.index_cast %mul3A_318 : i32 to index
      %get3A_320 = tpu.vector_load %arg16[%get3A_319] {strides = array<i32>} : memref<4096xi32, #tpu.memory_space<vmem>>, vector<16xi32>,
      %add3A_321 = arith.constant 1024 : i32
      %add3A_322 = arith.addi %add3A_321, %mul3A_318 : i32
      %get3A_323 = arith.index_cast %add3A_322 : i32 to index
      %get3A_324 = tpu.vector_load %arg16[%get3A_323] {strides = array<i32>} : memref<4096xi32, #tpu.memory_space<vmem>>, vector<16xi32>,
      %add3A_325 = arith.constant 2048 : i32
      %add3A_326 = arith.addi %add3A_325, %mul3A_318 : i32
      %get3A_327 = arith.index_cast %add3A_326 : i32 to index
      %get3A_328 = tpu.vector_load %arg16[%get3A_327] {strides = array<i32>} : memref<4096xi32, #tpu.memory_space<vmem>>, vector<16xi32>,
      %add3A_329 = arith.constant 3072 : i32
      %add3A_330 = arith.addi %add3A_329, %mul3A_318 : i32
      %get3A_331 = arith.index_cast %add3A_330 : i32 to index
      %get3A_332 = tpu.vector_load %arg16[%get3A_331] {strides = array<i32>} : memref<4096xi32, #tpu.memory_space<vmem>>, vector<16xi32>,
      %add3A_333 = arith.addi %get3A_320, %get3A_324 : vector<16xi32>
      %add3A_334 = arith.addi %add3A_333, %get3A_328 : vector<16xi32>
      %add3A_335 = arith.addi %add3A_334, %get3A_332 : vector<16xi32>
      %gt3A = arith.constant 0 : i32
      %gt3A_336 = vector.broadcast %gt3A : i32 to vector<16xi32>
      %gt3A_337 = arith.cmpi sgt, %broadcast_in_dim3A_189, %gt3A_336 : vector<16xi32>
      %select_n3A = arith.select %gt3A_337, %get3A_320, %broadcast_in_dim3A_5 : vector<16xi1>, vector<16xi32>
      %gt3A_338 = arith.constant 1 : i32
      %gt3A_339 = vector.broadcast %gt3A_338 : i32 to vector<16xi32>
      %gt3A_340 = arith.cmpi sgt, %broadcast_in_dim3A_189, %gt3A_339 : vector<16xi32>
      %select_n3A_341 = arith.select %gt3A_340, %get3A_324, %broadcast_in_dim3A_5 : vector<16xi1>, vector<16xi32>
      %add3A_342 = arith.addi %select_n3A, %select_n3A_341 : vector<16xi32>
      %gt3A_343 = arith.constant 2 : i32
      %gt3A_344 = vector.broadcast %gt3A_343 : i32 to vector<16xi32>
      %gt3A_345 = arith.cmpi sgt, %broadcast_in_dim3A_189, %gt3A_344 : vector<16xi32>
      %select_n3A_346 = arith.select %gt3A_345, %get3A_328, %broadcast_in_dim3A_5 : vector<16xi1>, vector<16xi32>
      %add3A_347 = arith.addi %add3A_342, %select_n3A_346 : vector<16xi32>
      %broadcast_in_dim3A_348 = arith.constant true
      %broadcast_in_dim3A_349 = vector.broadcast %broadcast_in_dim3A_348 : i1 to vector<16xi1>
      %masked_cumsum3A = tpu.scan <sum>, %add3A_335 masked %broadcast_in_dim3A_349 : vector<16xi32>, vector<16xi1> -> vector<16xi32>
      %sub3A_350 = arith.subi %masked_cumsum3A, %add3A_335 : vector<16xi32>
      %add3A_351 = arith.addi %sub3A_350, %add3A_347 : vector<16xi32>
      %broadcast_in_dim3A_352 = vector.broadcast %scan3A_316 : i32 to vector<16xi32>
      %add3A_353 = arith.addi %add3A_351, %broadcast_in_dim3A_352 : vector<16xi32>
      %swap3A_354 = arith.index_cast %mul3A_318 : i32 to index
      %swap3A_355 = tpu.vector_load %arg15[%swap3A_354] {strides = array<i32>} : memref<1024xi32, #tpu.memory_space<vmem>>, vector<16xi32>,
      tpu.vector_store %arg15[%swap3A_354], %add3A_353 {strides = array<i32>} : memref<1024xi32, #tpu.memory_space<vmem>>, vector<16xi32>,
      %swap3A_356 = arith.index_cast %mul3A_318 : i32 to index
      %swap3A_357 = tpu.vector_load %arg14[%swap3A_356] {strides = array<i32>} : memref<1024xi32, #tpu.memory_space<vmem>>, vector<16xi32>,
      tpu.vector_store %arg14[%swap3A_356], %broadcast_in_dim3A_5 {strides = array<i32>} : memref<1024xi32, #tpu.memory_space<vmem>>, vector<16xi32>,
      %reduce_max3A_358 = arith.constant true
      %reduce_max3A_359 = vector.broadcast %reduce_max3A_358 : i1 to vector<16xi1>
      %reduce_max3A_360 = arith.constant -2147483648 : i32
      %reduce_max3A_361 = vector.broadcast %reduce_max3A_360 : i32 to vector<16xi32>
      %reduce_max3A_362 = arith.xori %masked_cumsum3A, %reduce_max3A_361 : vector<16xi32>
      %reduce_max3A_363 = tpu.scan <max>, %reduce_max3A_362 masked %reduce_max3A_359 : vector<16xi32>, vector<16xi1> -> vector<16xi32>
      %reduce_max3A_364 = arith.xori %reduce_max3A_363, %reduce_max3A_361 : vector<16xi32>
      %reduce_max3A_365 = vector.extract %reduce_max3A_364[15] : i32 from vector<16xi32>
      %add3A_366 = arith.addi %scan3A_316, %reduce_max3A_365 : i32
      scf.yield %add3A_366 : i32
    }
    %scan3A_206 = arith.constant 64 : i32
    %scan3A_207 = arith.constant 0 : i32
    %scan3A_208 = arith.constant 0 : i32
    %scan3A_209 = arith.constant 8 : i32
    %scan3A_210 = arith.addi %scan3A_208, %scan3A_209 : i32
    %scan3A_211 = arith.constant 1 : i32
    %scan3A_212 = scf.for %scan3A_315 = %scan3A_208 to %scan3A_210 step %scan3A_211 iter_args(%scan3A_316 = %scan3A_207) -> (i32)  : i32 {
      %scan3A_317 = arith.constant 0 : i32
      %scan3A_318 = arith.constant 0 : i32
      %scan3A_319 = arith.constant 64 : i32
      %scan3A_320 = arith.addi %scan3A_318, %scan3A_319 : i32
      %scan3A_321 = arith.constant 1 : i32
      %scan3A_322 = scf.for %scan3A_483 = %scan3A_318 to %scan3A_320 step %scan3A_321 iter_args(%scan3A_484 = %scan3A_317) -> (i32)  : i32 {
        %mul3A_485 = arith.constant 64 : i32
        %mul3A_486 = arith.muli %scan3A_315, %mul3A_485 : i32
        %add3A_487 = arith.addi %mul3A_486, %scan3A_483 : i32
        %mul3A_488 = arith.constant 16 : i32
        %mul3A_489 = arith.muli %add3A_487, %mul3A_488 : i32
        %add3A_490 = arith.addi %mul3A_9, %mul3A_489 : i32
        %add3A_491 = vector.broadcast %add3A_490 : i32 to vector<16xi32>
        %add3A_492 = arith.addi %add3A_491, %iota3A : vector<16xi32>
        %get3A_493 = arith.index_cast %mul3A_489 : i32 to index
        %get3A_494 = tpu.vector_load %arg10[%get3A_493] {strides = array<i32>} : memref<8192xi32, #tpu.memory_space<vmem>>, vector<16xi32>,
        %shift_right_arithmetic3A_495 = arith.constant 0 : i32
        %shift_right_arithmetic3A_496 = vector.broadcast %shift_right_arithmetic3A_495 : i32 to vector<16xi32>
        %shift_right_arithmetic3A_497 = arith.shrsi %get3A_494, %shift_right_arithmetic3A_496 : vector<16xi32>
        %and3A_498 = arith.constant 1023 : i32
        %and3A_499 = vector.broadcast %and3A_498 : i32 to vector<16xi32>
        %and3A_500 = arith.andi %shift_right_arithmetic3A_497, %and3A_499 : vector<16xi32>
        %gather3A = tpu.vector_load_idx %arg15[%and3A_500] : memref<1024xi32, #tpu.memory_space<vmem>>[vector<16xi32>], vector<16xi32>,
        %broadcast_in_dim3A_501 = arith.constant true
        %broadcast_in_dim3A_502 = vector.broadcast %broadcast_in_dim3A_501 : i1 to vector<16xi1>
        %unique3A, %unique3A_503 = tpu.scan_count mask(%broadcast_in_dim3A_502 : vector<16xi1>) value(%and3A_500 : vector<16xi32>) : vector<16xi1>, vector<16xi32>
        %add3A_504 = arith.addi %gather3A, %unique3A_503 : vector<16xi32>
        %sub3A_505 = arith.constant 1 : i32
        %sub3A_506 = vector.broadcast %sub3A_505 : i32 to vector<16xi32>
        %sub3A_507 = arith.subi %add3A_504, %sub3A_506 : vector<16xi32>
        %shift_right_arithmetic3A_508 = arith.constant 3 : i32
        %shift_right_arithmetic3A_509 = arith.shrsi %scan3A_483, %shift_right_arithmetic3A_508 : i32
        %and3A_510 = arith.constant 7 : i32
        %and3A_511 = arith.andi %scan3A_483, %and3A_510 : i32
        %mul3A_512 = arith.constant 16 : i32
        %mul3A_513 = arith.muli %and3A_511, %mul3A_512 : i32
        %swap3A_514 = arith.index_cast %shift_right_arithmetic3A_509 : i32 to index
        %swap3A_515 = arith.index_cast %mul3A_513 : i32 to index
        %swap3A_516 = tpu.vector_load %arg18[%swap3A_514, %swap3A_515] {strides = array<i32>} : memref<8x128xi32, #tpu.memory_space<vmem>>, vector<16xi32>,
        tpu.vector_store %arg18[%swap3A_514, %swap3A_515], %add3A_492 {strides = array<i32>} : memref<8x128xi32, #tpu.memory_space<vmem>>, vector<16xi32>,
        %mul3A_517 = arith.constant 32768 : i32
        %mul3A_518 = arith.muli %and3A_2, %mul3A_517 : i32
        %add3A_519 = vector.broadcast %mul3A_518 : i32 to vector<16xi32>
        %add3A_520 = arith.addi %sub3A_507, %add3A_519 : vector<16xi32>
        %swap3A_521 = arith.index_cast %shift_right_arithmetic3A_509 : i32 to index
        %swap3A_522 = arith.index_cast %mul3A_513 : i32 to index
        %swap3A_523 = tpu.vector_load %arg19[%swap3A_521, %swap3A_522] {strides = array<i32>} : memref<8x128xi32, #tpu.memory_space<vmem>>, vector<16xi32>,
        tpu.vector_store %arg19[%swap3A_521, %swap3A_522], %add3A_520 {strides = array<i32>} : memref<8x128xi32, #tpu.memory_space<vmem>>, vector<16xi32>,
        %add3A_524 = arith.constant 1 : i32
        %add3A_525 = vector.broadcast %add3A_524 : i32 to vector<16xi32>
        %add3A_526 = arith.addi %sub3A_507, %add3A_525 : vector<16xi32>
        tpu.vector_store_idx %arg15[%and3A_500], %add3A_526 masked %unique3A : memref<1024xi32, #tpu.memory_space<vmem>>[vector<16xi32>], vector<16xi32>, vector<16xi1>
        %scan3A_527 = arith.constant 0 : i32
        scf.yield %scan3A_527 : i32
      }
      %scan3A_323 = arith.constant 64 : i32
      %dma_start3A = arith.constant 0 : i32
      %dma_start3A_324 = arith.constant 0 : i32
      %dma_start3A_325 = arith.constant 0 : i32
      %dma_start3A_326 = tpu.memref_slice %arg18[%dma_start3A, %dma_start3A_325] : memref<8x128xi32, #tpu.memory_space<vmem>> -> memref<1x128xi32, #tpu.memory_space<vmem>>
      %dma_start3A_327 = tpu.memref_squeeze %dma_start3A_326 : memref<1x128xi32, #tpu.memory_space<vmem>> -> memref<128xi32, #tpu.memory_space<vmem>>
      %dma_start3A_328 = arith.constant 0 : i32
      %dma_start3A_329 = tpu.memref_slice %arg19[%dma_start3A_324, %dma_start3A_328] : memref<8x128xi32, #tpu.memory_space<vmem>> -> memref<1x128xi32, #tpu.memory_space<vmem>>
      %dma_start3A_330 = tpu.memref_squeeze %dma_start3A_329 : memref<1x128xi32, #tpu.memory_space<vmem>> -> memref<128xi32, #tpu.memory_space<vmem>>
      %dma_start3A_331 = arith.constant 0 : i32
      %dma_start3A_332 = tpu.memref_slice %arg5[%dma_start3A_331] : memref<131072xi32, #tpu.memory_space<vmem_shared>> -> memref<131072xi32, #tpu.memory_space<vmem_shared>>
      tpu.enqueue_indirect_dma source(%dma_start3A_327 : memref<128xi32, #tpu.memory_space<vmem>>) target(%dma_start3A_332 : memref<131072xi32, #tpu.memory_space<vmem_shared>>) offsets(%dma_start3A_330 : memref<128xi32, #tpu.memory_space<vmem>>) semaphore(%arg20 : memref<!tpu.dma_semaphore, #tpu.memory_space<semaphore_mem>>)
      %dma_start3A_333 = arith.constant 1 : i32
      %dma_start3A_334 = arith.constant 1 : i32
      %dma_start3A_335 = arith.constant 0 : i32
      %dma_start3A_336 = tpu.memref_slice %arg18[%dma_start3A_333, %dma_start3A_335] : memref<8x128xi32, #tpu.memory_space<vmem>> -> memref<1x128xi32, #tpu.memory_space<vmem>>
      %dma_start3A_337 = tpu.memref_squeeze %dma_start3A_336 : memref<1x128xi32, #tpu.memory_space<vmem>> -> memref<128xi32, #tpu.memory_space<vmem>>
      %dma_start3A_338 = arith.constant 0 : i32
      %dma_start3A_339 = tpu.memref_slice %arg19[%dma_start3A_334, %dma_start3A_338] : memref<8x128xi32, #tpu.memory_space<vmem>> -> memref<1x128xi32, #tpu.memory_space<vmem>>
      %dma_start3A_340 = tpu.memref_squeeze %dma_start3A_339 : memref<1x128xi32, #tpu.memory_space<vmem>> -> memref<128xi32, #tpu.memory_space<vmem>>
      %dma_start3A_341 = arith.constant 0 : i32
      %dma_start3A_342 = tpu.memref_slice %arg5[%dma_start3A_341] : memref<131072xi32, #tpu.memory_space<vmem_shared>> -> memref<131072xi32, #tpu.memory_space<vmem_shared>>
      tpu.enqueue_indirect_dma source(%dma_start3A_337 : memref<128xi32, #tpu.memory_space<vmem>>) target(%dma_start3A_342 : memref<131072xi32, #tpu.memory_space<vmem_shared>>) offsets(%dma_start3A_340 : memref<128xi32, #tpu.memory_space<vmem>>) semaphore(%arg20 : memref<!tpu.dma_semaphore, #tpu.memory_space<semaphore_mem>>)
      %dma_start3A_343 = arith.constant 2 : i32
      %dma_start3A_344 = arith.constant 2 : i32
      %dma_start3A_345 = arith.constant 0 : i32
      %dma_start3A_346 = tpu.memref_slice %arg18[%dma_start3A_343, %dma_start3A_345] : memref<8x128xi32, #tpu.memory_space<vmem>> -> memref<1x128xi32, #tpu.memory_space<vmem>>
      %dma_start3A_347 = tpu.memref_squeeze %dma_start3A_346 : memref<1x128xi32, #tpu.memory_space<vmem>> -> memref<128xi32, #tpu.memory_space<vmem>>
      %dma_start3A_348 = arith.constant 0 : i32
      %dma_start3A_349 = tpu.memref_slice %arg19[%dma_start3A_344, %dma_start3A_348] : memref<8x128xi32, #tpu.memory_space<vmem>> -> memref<1x128xi32, #tpu.memory_space<vmem>>
      %dma_start3A_350 = tpu.memref_squeeze %dma_start3A_349 : memref<1x128xi32, #tpu.memory_space<vmem>> -> memref<128xi32, #tpu.memory_space<vmem>>
      %dma_start3A_351 = arith.constant 0 : i32
      %dma_start3A_352 = tpu.memref_slice %arg5[%dma_start3A_351] : memref<131072xi32, #tpu.memory_space<vmem_shared>> -> memref<131072xi32, #tpu.memory_space<vmem_shared>>
      tpu.enqueue_indirect_dma source(%dma_start3A_347 : memref<128xi32, #tpu.memory_space<vmem>>) target(%dma_start3A_352 : memref<131072xi32, #tpu.memory_space<vmem_shared>>) offsets(%dma_start3A_350 : memref<128xi32, #tpu.memory_space<vmem>>) semaphore(%arg20 : memref<!tpu.dma_semaphore, #tpu.memory_space<semaphore_mem>>)
      %dma_start3A_353 = arith.constant 3 : i32
      %dma_start3A_354 = arith.constant 3 : i32
      %dma_start3A_355 = arith.constant 0 : i32
      %dma_start3A_356 = tpu.memref_slice %arg18[%dma_start3A_353, %dma_start3A_355] : memref<8x128xi32, #tpu.memory_space<vmem>> -> memref<1x128xi32, #tpu.memory_space<vmem>>
      %dma_start3A_357 = tpu.memref_squeeze %dma_start3A_356 : memref<1x128xi32, #tpu.memory_space<vmem>> -> memref<128xi32, #tpu.memory_space<vmem>>
      %dma_start3A_358 = arith.constant 0 : i32
      %dma_start3A_359 = tpu.memref_slice %arg19[%dma_start3A_354, %dma_start3A_358] : memref<8x128xi32, #tpu.memory_space<vmem>> -> memref<1x128xi32, #tpu.memory_space<vmem>>
      %dma_start3A_360 = tpu.memref_squeeze %dma_start3A_359 : memref<1x128xi32, #tpu.memory_space<vmem>> -> memref<128xi32, #tpu.memory_space<vmem>>
      %dma_start3A_361 = arith.constant 0 : i32
      %dma_start3A_362 = tpu.memref_slice %arg5[%dma_start3A_361] : memref<131072xi32, #tpu.memory_space<vmem_shared>> -> memref<131072xi32, #tpu.memory_space<vmem_shared>>
      tpu.enqueue_indirect_dma source(%dma_start3A_357 : memref<128xi32, #tpu.memory_space<vmem>>) target(%dma_start3A_362 : memref<131072xi32, #tpu.memory_space<vmem_shared>>) offsets(%dma_start3A_360 : memref<128xi32, #tpu.memory_space<vmem>>) semaphore(%arg20 : memref<!tpu.dma_semaphore, #tpu.memory_space<semaphore_mem>>)
      %dma_start3A_363 = arith.constant 4 : i32
      %dma_start3A_364 = arith.constant 4 : i32
      %dma_start3A_365 = arith.constant 0 : i32
      %dma_start3A_366 = tpu.memref_slice %arg18[%dma_start3A_363, %dma_start3A_365] : memref<8x128xi32, #tpu.memory_space<vmem>> -> memref<1x128xi32, #tpu.memory_space<vmem>>
      %dma_start3A_367 = tpu.memref_squeeze %dma_start3A_366 : memref<1x128xi32, #tpu.memory_space<vmem>> -> memref<128xi32, #tpu.memory_space<vmem>>
      %dma_start3A_368 = arith.constant 0 : i32
      %dma_start3A_369 = tpu.memref_slice %arg19[%dma_start3A_364, %dma_start3A_368] : memref<8x128xi32, #tpu.memory_space<vmem>> -> memref<1x128xi32, #tpu.memory_space<vmem>>
      %dma_start3A_370 = tpu.memref_squeeze %dma_start3A_369 : memref<1x128xi32, #tpu.memory_space<vmem>> -> memref<128xi32, #tpu.memory_space<vmem>>
      %dma_start3A_371 = arith.constant 0 : i32
      %dma_start3A_372 = tpu.memref_slice %arg5[%dma_start3A_371] : memref<131072xi32, #tpu.memory_space<vmem_shared>> -> memref<131072xi32, #tpu.memory_space<vmem_shared>>
      tpu.enqueue_indirect_dma source(%dma_start3A_367 : memref<128xi32, #tpu.memory_space<vmem>>) target(%dma_start3A_372 : memref<131072xi32, #tpu.memory_space<vmem_shared>>) offsets(%dma_start3A_370 : memref<128xi32, #tpu.memory_space<vmem>>) semaphore(%arg20 : memref<!tpu.dma_semaphore, #tpu.memory_space<semaphore_mem>>)
      %dma_start3A_373 = arith.constant 5 : i32
      %dma_start3A_374 = arith.constant 5 : i32
      %dma_start3A_375 = arith.constant 0 : i32
      %dma_start3A_376 = tpu.memref_slice %arg18[%dma_start3A_373, %dma_start3A_375] : memref<8x128xi32, #tpu.memory_space<vmem>> -> memref<1x128xi32, #tpu.memory_space<vmem>>
      %dma_start3A_377 = tpu.memref_squeeze %dma_start3A_376 : memref<1x128xi32, #tpu.memory_space<vmem>> -> memref<128xi32, #tpu.memory_space<vmem>>
      %dma_start3A_378 = arith.constant 0 : i32
      %dma_start3A_379 = tpu.memref_slice %arg19[%dma_start3A_374, %dma_start3A_378] : memref<8x128xi32, #tpu.memory_space<vmem>> -> memref<1x128xi32, #tpu.memory_space<vmem>>
      %dma_start3A_380 = tpu.memref_squeeze %dma_start3A_379 : memref<1x128xi32, #tpu.memory_space<vmem>> -> memref<128xi32, #tpu.memory_space<vmem>>
      %dma_start3A_381 = arith.constant 0 : i32
      %dma_start3A_382 = tpu.memref_slice %arg5[%dma_start3A_381] : memref<131072xi32, #tpu.memory_space<vmem_shared>> -> memref<131072xi32, #tpu.memory_space<vmem_shared>>
      tpu.enqueue_indirect_dma source(%dma_start3A_377 : memref<128xi32, #tpu.memory_space<vmem>>) target(%dma_start3A_382 : memref<131072xi32, #tpu.memory_space<vmem_shared>>) offsets(%dma_start3A_380 : memref<128xi32, #tpu.memory_space<vmem>>) semaphore(%arg20 : memref<!tpu.dma_semaphore, #tpu.memory_space<semaphore_mem>>)
      %dma_start3A_383 = arith.constant 6 : i32
      %dma_start3A_384 = arith.constant 6 : i32
      %dma_start3A_385 = arith.constant 0 : i32
      %dma_start3A_386 = tpu.memref_slice %arg18[%dma_start3A_383, %dma_start3A_385] : memref<8x128xi32, #tpu.memory_space<vmem>> -> memref<1x128xi32, #tpu.memory_space<vmem>>
      %dma_start3A_387 = tpu.memref_squeeze %dma_start3A_386 : memref<1x128xi32, #tpu.memory_space<vmem>> -> memref<128xi32, #tpu.memory_space<vmem>>
      %dma_start3A_388 = arith.constant 0 : i32
      %dma_start3A_389 = tpu.memref_slice %arg19[%dma_start3A_384, %dma_start3A_388] : memref<8x128xi32, #tpu.memory_space<vmem>> -> memref<1x128xi32, #tpu.memory_space<vmem>>
      %dma_start3A_390 = tpu.memref_squeeze %dma_start3A_389 : memref<1x128xi32, #tpu.memory_space<vmem>> -> memref<128xi32, #tpu.memory_space<vmem>>
      %dma_start3A_391 = arith.constant 0 : i32
      %dma_start3A_392 = tpu.memref_slice %arg5[%dma_start3A_391] : memref<131072xi32, #tpu.memory_space<vmem_shared>> -> memref<131072xi32, #tpu.memory_space<vmem_shared>>
      tpu.enqueue_indirect_dma source(%dma_start3A_387 : memref<128xi32, #tpu.memory_space<vmem>>) target(%dma_start3A_392 : memref<131072xi32, #tpu.memory_space<vmem_shared>>) offsets(%dma_start3A_390 : memref<128xi32, #tpu.memory_space<vmem>>) semaphore(%arg20 : memref<!tpu.dma_semaphore, #tpu.memory_space<semaphore_mem>>)
      %dma_start3A_393 = arith.constant 7 : i32
      %dma_start3A_394 = arith.constant 7 : i32
      %dma_start3A_395 = arith.constant 0 : i32
      %dma_start3A_396 = tpu.memref_slice %arg18[%dma_start3A_393, %dma_start3A_395] : memref<8x128xi32, #tpu.memory_space<vmem>> -> memref<1x128xi32, #tpu.memory_space<vmem>>
      %dma_start3A_397 = tpu.memref_squeeze %dma_start3A_396 : memref<1x128xi32, #tpu.memory_space<vmem>> -> memref<128xi32, #tpu.memory_space<vmem>>
      %dma_start3A_398 = arith.constant 0 : i32
      %dma_start3A_399 = tpu.memref_slice %arg19[%dma_start3A_394, %dma_start3A_398] : memref<8x128xi32, #tpu.memory_space<vmem>> -> memref<1x128xi32, #tpu.memory_space<vmem>>
      %dma_start3A_400 = tpu.memref_squeeze %dma_start3A_399 : memref<1x128xi32, #tpu.memory_space<vmem>> -> memref<128xi32, #tpu.memory_space<vmem>>
      %dma_start3A_401 = arith.constant 0 : i32
      %dma_start3A_402 = tpu.memref_slice %arg5[%dma_start3A_401] : memref<131072xi32, #tpu.memory_space<vmem_shared>> -> memref<131072xi32, #tpu.memory_space<vmem_shared>>
      tpu.enqueue_indirect_dma source(%dma_start3A_397 : memref<128xi32, #tpu.memory_space<vmem>>) target(%dma_start3A_402 : memref<131072xi32, #tpu.memory_space<vmem_shared>>) offsets(%dma_start3A_400 : memref<128xi32, #tpu.memory_space<vmem>>) semaphore(%arg20 : memref<!tpu.dma_semaphore, #tpu.memory_space<semaphore_mem>>)
      %dma_wait3A = arith.constant 0 : i32
      %dma_wait3A_403 = arith.constant 0 : i32
      %dma_wait3A_404 = arith.constant 0 : i32
      %dma_wait3A_405 = tpu.memref_slice %arg18[%dma_wait3A, %dma_wait3A_404] : memref<8x128xi32, #tpu.memory_space<vmem>> -> memref<1x128xi32, #tpu.memory_space<vmem>>
      %dma_wait3A_406 = tpu.memref_squeeze %dma_wait3A_405 : memref<1x128xi32, #tpu.memory_space<vmem>> -> memref<128xi32, #tpu.memory_space<vmem>>
      %dma_wait3A_407 = arith.constant 0 : i32
      %dma_wait3A_408 = tpu.memref_slice %arg19[%dma_wait3A_403, %dma_wait3A_407] : memref<8x128xi32, #tpu.memory_space<vmem>> -> memref<1x128xi32, #tpu.memory_space<vmem>>
      %dma_wait3A_409 = tpu.memref_squeeze %dma_wait3A_408 : memref<1x128xi32, #tpu.memory_space<vmem>> -> memref<128xi32, #tpu.memory_space<vmem>>
      %dma_wait3A_410 = arith.constant 0 : i32
      %dma_wait3A_411 = tpu.memref_slice %arg5[%dma_wait3A_410] : memref<131072xi32, #tpu.memory_space<vmem_shared>> -> memref<131072xi32, #tpu.memory_space<vmem_shared>>
      tpu.wait_indirect_dma semaphore(%arg20 : memref<!tpu.dma_semaphore, #tpu.memory_space<semaphore_mem>>) src(%dma_wait3A_406 : memref<128xi32, #tpu.memory_space<vmem>>) dst(%dma_wait3A_411 : memref<131072xi32, #tpu.memory_space<vmem_shared>>)
      %dma_wait3A_412 = arith.constant 1 : i32
      %dma_wait3A_413 = arith.constant 1 : i32
      %dma_wait3A_414 = arith.constant 0 : i32
      %dma_wait3A_415 = tpu.memref_slice %arg18[%dma_wait3A_412, %dma_wait3A_414] : memref<8x128xi32, #tpu.memory_space<vmem>> -> memref<1x128xi32, #tpu.memory_space<vmem>>
      %dma_wait3A_416 = tpu.memref_squeeze %dma_wait3A_415 : memref<1x128xi32, #tpu.memory_space<vmem>> -> memref<128xi32, #tpu.memory_space<vmem>>
      %dma_wait3A_417 = arith.constant 0 : i32
      %dma_wait3A_418 = tpu.memref_slice %arg19[%dma_wait3A_413, %dma_wait3A_417] : memref<8x128xi32, #tpu.memory_space<vmem>> -> memref<1x128xi32, #tpu.memory_space<vmem>>
      %dma_wait3A_419 = tpu.memref_squeeze %dma_wait3A_418 : memref<1x128xi32, #tpu.memory_space<vmem>> -> memref<128xi32, #tpu.memory_space<vmem>>
      %dma_wait3A_420 = arith.constant 0 : i32
      %dma_wait3A_421 = tpu.memref_slice %arg5[%dma_wait3A_420] : memref<131072xi32, #tpu.memory_space<vmem_shared>> -> memref<131072xi32, #tpu.memory_space<vmem_shared>>
      tpu.wait_indirect_dma semaphore(%arg20 : memref<!tpu.dma_semaphore, #tpu.memory_space<semaphore_mem>>) src(%dma_wait3A_416 : memref<128xi32, #tpu.memory_space<vmem>>) dst(%dma_wait3A_421 : memref<131072xi32, #tpu.memory_space<vmem_shared>>)
      %dma_wait3A_422 = arith.constant 2 : i32
      %dma_wait3A_423 = arith.constant 2 : i32
      %dma_wait3A_424 = arith.constant 0 : i32
      %dma_wait3A_425 = tpu.memref_slice %arg18[%dma_wait3A_422, %dma_wait3A_424] : memref<8x128xi32, #tpu.memory_space<vmem>> -> memref<1x128xi32, #tpu.memory_space<vmem>>
      %dma_wait3A_426 = tpu.memref_squeeze %dma_wait3A_425 : memref<1x128xi32, #tpu.memory_space<vmem>> -> memref<128xi32, #tpu.memory_space<vmem>>
      %dma_wait3A_427 = arith.constant 0 : i32
      %dma_wait3A_428 = tpu.memref_slice %arg19[%dma_wait3A_423, %dma_wait3A_427] : memref<8x128xi32, #tpu.memory_space<vmem>> -> memref<1x128xi32, #tpu.memory_space<vmem>>
      %dma_wait3A_429 = tpu.memref_squeeze %dma_wait3A_428 : memref<1x128xi32, #tpu.memory_space<vmem>> -> memref<128xi32, #tpu.memory_space<vmem>>
      %dma_wait3A_430 = arith.constant 0 : i32
      %dma_wait3A_431 = tpu.memref_slice %arg5[%dma_wait3A_430] : memref<131072xi32, #tpu.memory_space<vmem_shared>> -> memref<131072xi32, #tpu.memory_space<vmem_shared>>
      tpu.wait_indirect_dma semaphore(%arg20 : memref<!tpu.dma_semaphore, #tpu.memory_space<semaphore_mem>>) src(%dma_wait3A_426 : memref<128xi32, #tpu.memory_space<vmem>>) dst(%dma_wait3A_431 : memref<131072xi32, #tpu.memory_space<vmem_shared>>)
      %dma_wait3A_432 = arith.constant 3 : i32
      %dma_wait3A_433 = arith.constant 3 : i32
      %dma_wait3A_434 = arith.constant 0 : i32
      %dma_wait3A_435 = tpu.memref_slice %arg18[%dma_wait3A_432, %dma_wait3A_434] : memref<8x128xi32, #tpu.memory_space<vmem>> -> memref<1x128xi32, #tpu.memory_space<vmem>>
      %dma_wait3A_436 = tpu.memref_squeeze %dma_wait3A_435 : memref<1x128xi32, #tpu.memory_space<vmem>> -> memref<128xi32, #tpu.memory_space<vmem>>
      %dma_wait3A_437 = arith.constant 0 : i32
      %dma_wait3A_438 = tpu.memref_slice %arg19[%dma_wait3A_433, %dma_wait3A_437] : memref<8x128xi32, #tpu.memory_space<vmem>> -> memref<1x128xi32, #tpu.memory_space<vmem>>
      %dma_wait3A_439 = tpu.memref_squeeze %dma_wait3A_438 : memref<1x128xi32, #tpu.memory_space<vmem>> -> memref<128xi32, #tpu.memory_space<vmem>>
      %dma_wait3A_440 = arith.constant 0 : i32
      %dma_wait3A_441 = tpu.memref_slice %arg5[%dma_wait3A_440] : memref<131072xi32, #tpu.memory_space<vmem_shared>> -> memref<131072xi32, #tpu.memory_space<vmem_shared>>
      tpu.wait_indirect_dma semaphore(%arg20 : memref<!tpu.dma_semaphore, #tpu.memory_space<semaphore_mem>>) src(%dma_wait3A_436 : memref<128xi32, #tpu.memory_space<vmem>>) dst(%dma_wait3A_441 : memref<131072xi32, #tpu.memory_space<vmem_shared>>)
      %dma_wait3A_442 = arith.constant 4 : i32
      %dma_wait3A_443 = arith.constant 4 : i32
      %dma_wait3A_444 = arith.constant 0 : i32
      %dma_wait3A_445 = tpu.memref_slice %arg18[%dma_wait3A_442, %dma_wait3A_444] : memref<8x128xi32, #tpu.memory_space<vmem>> -> memref<1x128xi32, #tpu.memory_space<vmem>>
      %dma_wait3A_446 = tpu.memref_squeeze %dma_wait3A_445 : memref<1x128xi32, #tpu.memory_space<vmem>> -> memref<128xi32, #tpu.memory_space<vmem>>
      %dma_wait3A_447 = arith.constant 0 : i32
      %dma_wait3A_448 = tpu.memref_slice %arg19[%dma_wait3A_443, %dma_wait3A_447] : memref<8x128xi32, #tpu.memory_space<vmem>> -> memref<1x128xi32, #tpu.memory_space<vmem>>
      %dma_wait3A_449 = tpu.memref_squeeze %dma_wait3A_448 : memref<1x128xi32, #tpu.memory_space<vmem>> -> memref<128xi32, #tpu.memory_space<vmem>>
      %dma_wait3A_450 = arith.constant 0 : i32
      %dma_wait3A_451 = tpu.memref_slice %arg5[%dma_wait3A_450] : memref<131072xi32, #tpu.memory_space<vmem_shared>> -> memref<131072xi32, #tpu.memory_space<vmem_shared>>
      tpu.wait_indirect_dma semaphore(%arg20 : memref<!tpu.dma_semaphore, #tpu.memory_space<semaphore_mem>>) src(%dma_wait3A_446 : memref<128xi32, #tpu.memory_space<vmem>>) dst(%dma_wait3A_451 : memref<131072xi32, #tpu.memory_space<vmem_shared>>)
      %dma_wait3A_452 = arith.constant 5 : i32
      %dma_wait3A_453 = arith.constant 5 : i32
      %dma_wait3A_454 = arith.constant 0 : i32
      %dma_wait3A_455 = tpu.memref_slice %arg18[%dma_wait3A_452, %dma_wait3A_454] : memref<8x128xi32, #tpu.memory_space<vmem>> -> memref<1x128xi32, #tpu.memory_space<vmem>>
      %dma_wait3A_456 = tpu.memref_squeeze %dma_wait3A_455 : memref<1x128xi32, #tpu.memory_space<vmem>> -> memref<128xi32, #tpu.memory_space<vmem>>
      %dma_wait3A_457 = arith.constant 0 : i32
      %dma_wait3A_458 = tpu.memref_slice %arg19[%dma_wait3A_453, %dma_wait3A_457] : memref<8x128xi32, #tpu.memory_space<vmem>> -> memref<1x128xi32, #tpu.memory_space<vmem>>
      %dma_wait3A_459 = tpu.memref_squeeze %dma_wait3A_458 : memref<1x128xi32, #tpu.memory_space<vmem>> -> memref<128xi32, #tpu.memory_space<vmem>>
      %dma_wait3A_460 = arith.constant 0 : i32
      %dma_wait3A_461 = tpu.memref_slice %arg5[%dma_wait3A_460] : memref<131072xi32, #tpu.memory_space<vmem_shared>> -> memref<131072xi32, #tpu.memory_space<vmem_shared>>
      tpu.wait_indirect_dma semaphore(%arg20 : memref<!tpu.dma_semaphore, #tpu.memory_space<semaphore_mem>>) src(%dma_wait3A_456 : memref<128xi32, #tpu.memory_space<vmem>>) dst(%dma_wait3A_461 : memref<131072xi32, #tpu.memory_space<vmem_shared>>)
      %dma_wait3A_462 = arith.constant 6 : i32
      %dma_wait3A_463 = arith.constant 6 : i32
      %dma_wait3A_464 = arith.constant 0 : i32
      %dma_wait3A_465 = tpu.memref_slice %arg18[%dma_wait3A_462, %dma_wait3A_464] : memref<8x128xi32, #tpu.memory_space<vmem>> -> memref<1x128xi32, #tpu.memory_space<vmem>>
      %dma_wait3A_466 = tpu.memref_squeeze %dma_wait3A_465 : memref<1x128xi32, #tpu.memory_space<vmem>> -> memref<128xi32, #tpu.memory_space<vmem>>
      %dma_wait3A_467 = arith.constant 0 : i32
      %dma_wait3A_468 = tpu.memref_slice %arg19[%dma_wait3A_463, %dma_wait3A_467] : memref<8x128xi32, #tpu.memory_space<vmem>> -> memref<1x128xi32, #tpu.memory_space<vmem>>
      %dma_wait3A_469 = tpu.memref_squeeze %dma_wait3A_468 : memref<1x128xi32, #tpu.memory_space<vmem>> -> memref<128xi32, #tpu.memory_space<vmem>>
      %dma_wait3A_470 = arith.constant 0 : i32
      %dma_wait3A_471 = tpu.memref_slice %arg5[%dma_wait3A_470] : memref<131072xi32, #tpu.memory_space<vmem_shared>> -> memref<131072xi32, #tpu.memory_space<vmem_shared>>
      tpu.wait_indirect_dma semaphore(%arg20 : memref<!tpu.dma_semaphore, #tpu.memory_space<semaphore_mem>>) src(%dma_wait3A_466 : memref<128xi32, #tpu.memory_space<vmem>>) dst(%dma_wait3A_471 : memref<131072xi32, #tpu.memory_space<vmem_shared>>)
      %dma_wait3A_472 = arith.constant 7 : i32
      %dma_wait3A_473 = arith.constant 7 : i32
      %dma_wait3A_474 = arith.constant 0 : i32
      %dma_wait3A_475 = tpu.memref_slice %arg18[%dma_wait3A_472, %dma_wait3A_474] : memref<8x128xi32, #tpu.memory_space<vmem>> -> memref<1x128xi32, #tpu.memory_space<vmem>>
      %dma_wait3A_476 = tpu.memref_squeeze %dma_wait3A_475 : memref<1x128xi32, #tpu.memory_space<vmem>> -> memref<128xi32, #tpu.memory_space<vmem>>
      %dma_wait3A_477 = arith.constant 0 : i32
      %dma_wait3A_478 = tpu.memref_slice %arg19[%dma_wait3A_473, %dma_wait3A_477] : memref<8x128xi32, #tpu.memory_space<vmem>> -> memref<1x128xi32, #tpu.memory_space<vmem>>
      %dma_wait3A_479 = tpu.memref_squeeze %dma_wait3A_478 : memref<1x128xi32, #tpu.memory_space<vmem>> -> memref<128xi32, #tpu.memory_space<vmem>>
      %dma_wait3A_480 = arith.constant 0 : i32
      %dma_wait3A_481 = tpu.memref_slice %arg5[%dma_wait3A_480] : memref<131072xi32, #tpu.memory_space<vmem_shared>> -> memref<131072xi32, #tpu.memory_space<vmem_shared>>
      tpu.wait_indirect_dma semaphore(%arg20 : memref<!tpu.dma_semaphore, #tpu.memory_space<semaphore_mem>>) src(%dma_wait3A_476 : memref<128xi32, #tpu.memory_space<vmem>>) dst(%dma_wait3A_481 : memref<131072xi32, #tpu.memory_space<vmem_shared>>)
      %scan3A_482 = arith.constant 0 : i32
      scf.yield %scan3A_482 : i32
    }
    %scan3A_213 = arith.constant 8 : i32
    %barrier3A_214 = arith.constant 0 : index
    tpu.barrier barrier_id(%barrier3A_214)
    %mul3A_215 = arith.constant 32768 : i32
    %mul3A_216 = arith.muli %and3A_2, %mul3A_215 : i32
    %add3A_217 = arith.addi %mul3A_216, %mul3A_9 : i32
    "tpu.region"() ({
      %run_scoped3A_315 = tpu.sem_alloc : memref<!tpu.dma_semaphore, #tpu.memory_space<semaphore_mem>>
      %dma_start3A = tpu.memref_slice %arg5[%add3A_217] : memref<131072xi32, #tpu.memory_space<vmem_shared>> -> memref<8192xi32, #tpu.memory_space<vmem_shared>>
      %dma_start3A_316 = tpu.memref_slice %arg5[%add3A_217] : memref<131072xi32, #tpu.memory_space<vmem_shared>> -> memref<8192xi32, #tpu.memory_space<vmem_shared>>
      tpu.enqueue_dma source(%dma_start3A_316 : memref<8192xi32, #tpu.memory_space<vmem_shared>>) target(%arg13 : memref<8192xi32, #tpu.memory_space<vmem>>) target_semaphore(%run_scoped3A_315 : memref<!tpu.dma_semaphore, #tpu.memory_space<semaphore_mem>>)
      %dma_wait3A = tpu.memref_slice %arg5[%add3A_217] : memref<131072xi32, #tpu.memory_space<vmem_shared>> -> memref<8192xi32, #tpu.memory_space<vmem_shared>>
      %dma_wait3A_317 = tpu.memref_slice %arg5[%add3A_217] : memref<131072xi32, #tpu.memory_space<vmem_shared>> -> memref<8192xi32, #tpu.memory_space<vmem_shared>>
      tpu.wait_dma2 semaphore(%run_scoped3A_315 : memref<!tpu.dma_semaphore, #tpu.memory_space<semaphore_mem>>) src(%dma_wait3A_317 : memref<8192xi32, #tpu.memory_space<vmem_shared>>) dst(%arg13 : memref<8192xi32, #tpu.memory_space<vmem>>)
      tpu.yield
    }) : () -> ()
    %scan3A_218 = arith.constant 0 : i32
    %scan3A_219 = arith.constant 0 : i32
    %scan3A_220 = arith.constant 512 : i32
    %scan3A_221 = arith.addi %scan3A_219, %scan3A_220 : i32
    %scan3A_222 = arith.constant 1 : i32
    %scan3A_223 = scf.for %scan3A_315 = %scan3A_219 to %scan3A_221 step %scan3A_222 iter_args(%scan3A_316 = %scan3A_218) -> (i32)  : i32 {
      %mul3A_317 = arith.constant 16 : i32
      %mul3A_318 = arith.muli %scan3A_315, %mul3A_317 : i32
      %get3A_319 = arith.index_cast %mul3A_318 : i32 to index
      %get3A_320 = tpu.vector_load %arg13[%get3A_319] {strides = array<i32>} : memref<8192xi32, #tpu.memory_space<vmem>>, vector<16xi32>,
      %gather3A = tpu.vector_load_idx %arg9[%get3A_320] : memref<32768xi32, #tpu.memory_space<vmem>>[vector<16xi32>], vector<16xi32>,
      %swap3A_321 = arith.index_cast %mul3A_318 : i32 to index
      %swap3A_322 = tpu.vector_load %arg12[%swap3A_321] {strides = array<i32>} : memref<8192xi32, #tpu.memory_space<vmem>>, vector<16xi32>,
      tpu.vector_store %arg12[%swap3A_321], %gather3A {strides = array<i32>} : memref<8192xi32, #tpu.memory_space<vmem>>, vector<16xi32>,
      %shift_right_arithmetic3A_323 = arith.constant 10 : i32
      %shift_right_arithmetic3A_324 = vector.broadcast %shift_right_arithmetic3A_323 : i32 to vector<16xi32>
      %shift_right_arithmetic3A_325 = arith.shrsi %gather3A, %shift_right_arithmetic3A_324 : vector<16xi32>
      %and3A_326 = arith.constant 1023 : i32
      %and3A_327 = vector.broadcast %and3A_326 : i32 to vector<16xi32>
      %and3A_328 = arith.andi %shift_right_arithmetic3A_325, %and3A_327 : vector<16xi32>
      tpu.vector_store_idx %arg14[%and3A_328], %broadcast_in_dim3A_7 {add = true} : memref<1024xi32, #tpu.memory_space<vmem>>[vector<16xi32>], vector<16xi32>,
      %scan3A_329 = arith.constant 0 : i32
      scf.yield %scan3A_329 : i32
    }
    %scan3A_224 = arith.constant 512 : i32
    %mul3A_225 = arith.constant 4 : i32
    %mul3A_226 = arith.muli %and3A_2, %mul3A_225 : i32
    %add3A_227 = arith.addi %mul3A_226, %and3A_4 : i32
    %mul3A_228 = arith.constant 1024 : i32
    %mul3A_229 = arith.muli %add3A_227, %mul3A_228 : i32
    "tpu.region"() ({
      %run_scoped3A_315 = tpu.sem_alloc : memref<!tpu.dma_semaphore, #tpu.memory_space<semaphore_mem>>
      %dma_start3A = tpu.memref_slice %arg7[%mul3A_229] : memref<16384xi32, #tpu.memory_space<vmem_shared>> -> memref<1024xi32, #tpu.memory_space<vmem_shared>>
      %dma_start3A_316 = tpu.memref_slice %arg7[%mul3A_229] : memref<16384xi32, #tpu.memory_space<vmem_shared>> -> memref<1024xi32, #tpu.memory_space<vmem_shared>>
      tpu.enqueue_dma source(%arg14 : memref<1024xi32, #tpu.memory_space<vmem>>) target(%dma_start3A_316 : memref<1024xi32, #tpu.memory_space<vmem_shared>>) target_semaphore(%run_scoped3A_315 : memref<!tpu.dma_semaphore, #tpu.memory_space<semaphore_mem>>)
      %dma_wait3A = tpu.memref_slice %arg7[%mul3A_229] : memref<16384xi32, #tpu.memory_space<vmem_shared>> -> memref<1024xi32, #tpu.memory_space<vmem_shared>>
      %dma_wait3A_317 = tpu.memref_slice %arg7[%mul3A_229] : memref<16384xi32, #tpu.memory_space<vmem_shared>> -> memref<1024xi32, #tpu.memory_space<vmem_shared>>
      tpu.wait_dma2 semaphore(%run_scoped3A_315 : memref<!tpu.dma_semaphore, #tpu.memory_space<semaphore_mem>>) src(%arg14 : memref<1024xi32, #tpu.memory_space<vmem>>) dst(%dma_wait3A_317 : memref<1024xi32, #tpu.memory_space<vmem_shared>>)
      tpu.yield
    }) : () -> ()
    %barrier3A_230 = arith.constant 0 : index
    tpu.barrier barrier_id(%barrier3A_230)
    %mul3A_231 = arith.constant 4 : i32
    %mul3A_232 = arith.muli %and3A_2, %mul3A_231 : i32
    %mul3A_233 = arith.constant 1024 : i32
    %mul3A_234 = arith.muli %mul3A_232, %mul3A_233 : i32
    "tpu.region"() ({
      %run_scoped3A_315 = tpu.sem_alloc : memref<!tpu.dma_semaphore, #tpu.memory_space<semaphore_mem>>
      %dma_start3A = tpu.memref_slice %arg7[%mul3A_234] : memref<16384xi32, #tpu.memory_space<vmem_shared>> -> memref<4096xi32, #tpu.memory_space<vmem_shared>>
      %dma_start3A_316 = tpu.memref_slice %arg7[%mul3A_234] : memref<16384xi32, #tpu.memory_space<vmem_shared>> -> memref<4096xi32, #tpu.memory_space<vmem_shared>>
      tpu.enqueue_dma source(%dma_start3A_316 : memref<4096xi32, #tpu.memory_space<vmem_shared>>) target(%arg16 : memref<4096xi32, #tpu.memory_space<vmem>>) target_semaphore(%run_scoped3A_315 : memref<!tpu.dma_semaphore, #tpu.memory_space<semaphore_mem>>)
      %dma_wait3A = tpu.memref_slice %arg7[%mul3A_234] : memref<16384xi32, #tpu.memory_space<vmem_shared>> -> memref<4096xi32, #tpu.memory_space<vmem_shared>>
      %dma_wait3A_317 = tpu.memref_slice %arg7[%mul3A_234] : memref<16384xi32, #tpu.memory_space<vmem_shared>> -> memref<4096xi32, #tpu.memory_space<vmem_shared>>
      tpu.wait_dma2 semaphore(%run_scoped3A_315 : memref<!tpu.dma_semaphore, #tpu.memory_space<semaphore_mem>>) src(%dma_wait3A_317 : memref<4096xi32, #tpu.memory_space<vmem_shared>>) dst(%arg16 : memref<4096xi32, #tpu.memory_space<vmem>>)
      tpu.yield
    }) : () -> ()
    %scan3A_235 = arith.constant 0 : i32
    %scan3A_236 = arith.constant 0 : i32
    %scan3A_237 = arith.constant 64 : i32
    %scan3A_238 = arith.addi %scan3A_236, %scan3A_237 : i32
    %scan3A_239 = arith.constant 1 : i32
    %scan3A_240 = scf.for %scan3A_315 = %scan3A_236 to %scan3A_238 step %scan3A_239 iter_args(%scan3A_316 = %scan3A_235) -> (i32)  : i32 {
      %mul3A_317 = arith.constant 16 : i32
      %mul3A_318 = arith.muli %scan3A_315, %mul3A_317 : i32
      %get3A_319 = arith.index_cast %mul3A_318 : i32 to index
      %get3A_320 = tpu.vector_load %arg16[%get3A_319] {strides = array<i32>} : memref<4096xi32, #tpu.memory_space<vmem>>, vector<16xi32>,
      %add3A_321 = arith.constant 1024 : i32
      %add3A_322 = arith.addi %add3A_321, %mul3A_318 : i32
      %get3A_323 = arith.index_cast %add3A_322 : i32 to index
      %get3A_324 = tpu.vector_load %arg16[%get3A_323] {strides = array<i32>} : memref<4096xi32, #tpu.memory_space<vmem>>, vector<16xi32>,
      %add3A_325 = arith.constant 2048 : i32
      %add3A_326 = arith.addi %add3A_325, %mul3A_318 : i32
      %get3A_327 = arith.index_cast %add3A_326 : i32 to index
      %get3A_328 = tpu.vector_load %arg16[%get3A_327] {strides = array<i32>} : memref<4096xi32, #tpu.memory_space<vmem>>, vector<16xi32>,
      %add3A_329 = arith.constant 3072 : i32
      %add3A_330 = arith.addi %add3A_329, %mul3A_318 : i32
      %get3A_331 = arith.index_cast %add3A_330 : i32 to index
      %get3A_332 = tpu.vector_load %arg16[%get3A_331] {strides = array<i32>} : memref<4096xi32, #tpu.memory_space<vmem>>, vector<16xi32>,
      %add3A_333 = arith.addi %get3A_320, %get3A_324 : vector<16xi32>
      %add3A_334 = arith.addi %add3A_333, %get3A_328 : vector<16xi32>
      %add3A_335 = arith.addi %add3A_334, %get3A_332 : vector<16xi32>
      %gt3A = arith.constant 0 : i32
      %gt3A_336 = vector.broadcast %gt3A : i32 to vector<16xi32>
      %gt3A_337 = arith.cmpi sgt, %broadcast_in_dim3A_189, %gt3A_336 : vector<16xi32>
      %select_n3A = arith.select %gt3A_337, %get3A_320, %broadcast_in_dim3A_5 : vector<16xi1>, vector<16xi32>
      %gt3A_338 = arith.constant 1 : i32
      %gt3A_339 = vector.broadcast %gt3A_338 : i32 to vector<16xi32>
      %gt3A_340 = arith.cmpi sgt, %broadcast_in_dim3A_189, %gt3A_339 : vector<16xi32>
      %select_n3A_341 = arith.select %gt3A_340, %get3A_324, %broadcast_in_dim3A_5 : vector<16xi1>, vector<16xi32>
      %add3A_342 = arith.addi %select_n3A, %select_n3A_341 : vector<16xi32>
      %gt3A_343 = arith.constant 2 : i32
      %gt3A_344 = vector.broadcast %gt3A_343 : i32 to vector<16xi32>
      %gt3A_345 = arith.cmpi sgt, %broadcast_in_dim3A_189, %gt3A_344 : vector<16xi32>
      %select_n3A_346 = arith.select %gt3A_345, %get3A_328, %broadcast_in_dim3A_5 : vector<16xi1>, vector<16xi32>
      %add3A_347 = arith.addi %add3A_342, %select_n3A_346 : vector<16xi32>
      %broadcast_in_dim3A_348 = arith.constant true
      %broadcast_in_dim3A_349 = vector.broadcast %broadcast_in_dim3A_348 : i1 to vector<16xi1>
      %masked_cumsum3A = tpu.scan <sum>, %add3A_335 masked %broadcast_in_dim3A_349 : vector<16xi32>, vector<16xi1> -> vector<16xi32>
      %sub3A_350 = arith.subi %masked_cumsum3A, %add3A_335 : vector<16xi32>
      %add3A_351 = arith.addi %sub3A_350, %add3A_347 : vector<16xi32>
      %broadcast_in_dim3A_352 = vector.broadcast %scan3A_316 : i32 to vector<16xi32>
      %add3A_353 = arith.addi %add3A_351, %broadcast_in_dim3A_352 : vector<16xi32>
      %swap3A_354 = arith.index_cast %mul3A_318 : i32 to index
      %swap3A_355 = tpu.vector_load %arg15[%swap3A_354] {strides = array<i32>} : memref<1024xi32, #tpu.memory_space<vmem>>, vector<16xi32>,
      tpu.vector_store %arg15[%swap3A_354], %add3A_353 {strides = array<i32>} : memref<1024xi32, #tpu.memory_space<vmem>>, vector<16xi32>,
      %swap3A_356 = arith.index_cast %mul3A_318 : i32 to index
      %swap3A_357 = tpu.vector_load %arg14[%swap3A_356] {strides = array<i32>} : memref<1024xi32, #tpu.memory_space<vmem>>, vector<16xi32>,
      tpu.vector_store %arg14[%swap3A_356], %broadcast_in_dim3A_5 {strides = array<i32>} : memref<1024xi32, #tpu.memory_space<vmem>>, vector<16xi32>,
      %reduce_max3A_358 = arith.constant true
      %reduce_max3A_359 = vector.broadcast %reduce_max3A_358 : i1 to vector<16xi1>
      %reduce_max3A_360 = arith.constant -2147483648 : i32
      %reduce_max3A_361 = vector.broadcast %reduce_max3A_360 : i32 to vector<16xi32>
      %reduce_max3A_362 = arith.xori %masked_cumsum3A, %reduce_max3A_361 : vector<16xi32>
      %reduce_max3A_363 = tpu.scan <max>, %reduce_max3A_362 masked %reduce_max3A_359 : vector<16xi32>, vector<16xi1> -> vector<16xi32>
      %reduce_max3A_364 = arith.xori %reduce_max3A_363, %reduce_max3A_361 : vector<16xi32>
      %reduce_max3A_365 = vector.extract %reduce_max3A_364[15] : i32 from vector<16xi32>
      %add3A_366 = arith.addi %scan3A_316, %reduce_max3A_365 : i32
      scf.yield %add3A_366 : i32
    }
    %scan3A_241 = arith.constant 64 : i32
    %scan3A_242 = arith.constant 0 : i32
    %scan3A_243 = arith.constant 0 : i32
    %scan3A_244 = arith.constant 8 : i32
    %scan3A_245 = arith.addi %scan3A_243, %scan3A_244 : i32
    %scan3A_246 = arith.constant 1 : i32
    %scan3A_247 = scf.for %scan3A_315 = %scan3A_243 to %scan3A_245 step %scan3A_246 iter_args(%scan3A_316 = %scan3A_242) -> (i32)  : i32 {
      %scan3A_317 = arith.constant 0 : i32
      %scan3A_318 = arith.constant 0 : i32
      %scan3A_319 = arith.constant 64 : i32
      %scan3A_320 = arith.addi %scan3A_318, %scan3A_319 : i32
      %scan3A_321 = arith.constant 1 : i32
      %scan3A_322 = scf.for %scan3A_483 = %scan3A_318 to %scan3A_320 step %scan3A_321 iter_args(%scan3A_484 = %scan3A_317) -> (i32)  : i32 {
        %mul3A_485 = arith.constant 64 : i32
        %mul3A_486 = arith.muli %scan3A_315, %mul3A_485 : i32
        %add3A_487 = arith.addi %mul3A_486, %scan3A_483 : i32
        %mul3A_488 = arith.constant 16 : i32
        %mul3A_489 = arith.muli %add3A_487, %mul3A_488 : i32
        %get3A_490 = arith.index_cast %mul3A_489 : i32 to index
        %get3A_491 = tpu.vector_load %arg13[%get3A_490] {strides = array<i32>} : memref<8192xi32, #tpu.memory_space<vmem>>, vector<16xi32>,
        %get3A_492 = arith.index_cast %mul3A_489 : i32 to index
        %get3A_493 = tpu.vector_load %arg12[%get3A_492] {strides = array<i32>} : memref<8192xi32, #tpu.memory_space<vmem>>, vector<16xi32>,
        %shift_right_arithmetic3A_494 = arith.constant 10 : i32
        %shift_right_arithmetic3A_495 = vector.broadcast %shift_right_arithmetic3A_494 : i32 to vector<16xi32>
        %shift_right_arithmetic3A_496 = arith.shrsi %get3A_493, %shift_right_arithmetic3A_495 : vector<16xi32>
        %and3A_497 = arith.constant 1023 : i32
        %and3A_498 = vector.broadcast %and3A_497 : i32 to vector<16xi32>
        %and3A_499 = arith.andi %shift_right_arithmetic3A_496, %and3A_498 : vector<16xi32>
        %gather3A = tpu.vector_load_idx %arg15[%and3A_499] : memref<1024xi32, #tpu.memory_space<vmem>>[vector<16xi32>], vector<16xi32>,
        %broadcast_in_dim3A_500 = arith.constant true
        %broadcast_in_dim3A_501 = vector.broadcast %broadcast_in_dim3A_500 : i1 to vector<16xi1>
        %unique3A, %unique3A_502 = tpu.scan_count mask(%broadcast_in_dim3A_501 : vector<16xi1>) value(%and3A_499 : vector<16xi32>) : vector<16xi1>, vector<16xi32>
        %add3A_503 = arith.addi %gather3A, %unique3A_502 : vector<16xi32>
        %sub3A_504 = arith.constant 1 : i32
        %sub3A_505 = vector.broadcast %sub3A_504 : i32 to vector<16xi32>
        %sub3A_506 = arith.subi %add3A_503, %sub3A_505 : vector<16xi32>
        %shift_right_arithmetic3A_507 = arith.constant 3 : i32
        %shift_right_arithmetic3A_508 = arith.shrsi %scan3A_483, %shift_right_arithmetic3A_507 : i32
        %and3A_509 = arith.constant 7 : i32
        %and3A_510 = arith.andi %scan3A_483, %and3A_509 : i32
        %mul3A_511 = arith.constant 16 : i32
        %mul3A_512 = arith.muli %and3A_510, %mul3A_511 : i32
        %swap3A_513 = arith.index_cast %shift_right_arithmetic3A_508 : i32 to index
        %swap3A_514 = arith.index_cast %mul3A_512 : i32 to index
        %swap3A_515 = tpu.vector_load %arg18[%swap3A_513, %swap3A_514] {strides = array<i32>} : memref<8x128xi32, #tpu.memory_space<vmem>>, vector<16xi32>,
        tpu.vector_store %arg18[%swap3A_513, %swap3A_514], %get3A_491 {strides = array<i32>} : memref<8x128xi32, #tpu.memory_space<vmem>>, vector<16xi32>,
        %mul3A_516 = arith.constant 32768 : i32
        %mul3A_517 = arith.muli %and3A_2, %mul3A_516 : i32
        %add3A_518 = vector.broadcast %mul3A_517 : i32 to vector<16xi32>
        %add3A_519 = arith.addi %sub3A_506, %add3A_518 : vector<16xi32>
        %swap3A_520 = arith.index_cast %shift_right_arithmetic3A_508 : i32 to index
        %swap3A_521 = arith.index_cast %mul3A_512 : i32 to index
        %swap3A_522 = tpu.vector_load %arg19[%swap3A_520, %swap3A_521] {strides = array<i32>} : memref<8x128xi32, #tpu.memory_space<vmem>>, vector<16xi32>,
        tpu.vector_store %arg19[%swap3A_520, %swap3A_521], %add3A_519 {strides = array<i32>} : memref<8x128xi32, #tpu.memory_space<vmem>>, vector<16xi32>,
        %add3A_523 = arith.constant 1 : i32
        %add3A_524 = vector.broadcast %add3A_523 : i32 to vector<16xi32>
        %add3A_525 = arith.addi %sub3A_506, %add3A_524 : vector<16xi32>
        tpu.vector_store_idx %arg15[%and3A_499], %add3A_525 masked %unique3A : memref<1024xi32, #tpu.memory_space<vmem>>[vector<16xi32>], vector<16xi32>, vector<16xi1>
        %scan3A_526 = arith.constant 0 : i32
        scf.yield %scan3A_526 : i32
      }
      %scan3A_323 = arith.constant 64 : i32
      %dma_start3A = arith.constant 0 : i32
      %dma_start3A_324 = arith.constant 0 : i32
      %dma_start3A_325 = arith.constant 0 : i32
      %dma_start3A_326 = tpu.memref_slice %arg18[%dma_start3A, %dma_start3A_325] : memref<8x128xi32, #tpu.memory_space<vmem>> -> memref<1x128xi32, #tpu.memory_space<vmem>>
      %dma_start3A_327 = tpu.memref_squeeze %dma_start3A_326 : memref<1x128xi32, #tpu.memory_space<vmem>> -> memref<128xi32, #tpu.memory_space<vmem>>
      %dma_start3A_328 = arith.constant 0 : i32
      %dma_start3A_329 = tpu.memref_slice %arg19[%dma_start3A_324, %dma_start3A_328] : memref<8x128xi32, #tpu.memory_space<vmem>> -> memref<1x128xi32, #tpu.memory_space<vmem>>
      %dma_start3A_330 = tpu.memref_squeeze %dma_start3A_329 : memref<1x128xi32, #tpu.memory_space<vmem>> -> memref<128xi32, #tpu.memory_space<vmem>>
      %dma_start3A_331 = arith.constant 0 : i32
      %dma_start3A_332 = tpu.memref_slice %arg6[%dma_start3A_331] : memref<131072xi32, #tpu.memory_space<vmem_shared>> -> memref<131072xi32, #tpu.memory_space<vmem_shared>>
      tpu.enqueue_indirect_dma source(%dma_start3A_327 : memref<128xi32, #tpu.memory_space<vmem>>) target(%dma_start3A_332 : memref<131072xi32, #tpu.memory_space<vmem_shared>>) offsets(%dma_start3A_330 : memref<128xi32, #tpu.memory_space<vmem>>) semaphore(%arg20 : memref<!tpu.dma_semaphore, #tpu.memory_space<semaphore_mem>>)
      %dma_start3A_333 = arith.constant 1 : i32
      %dma_start3A_334 = arith.constant 1 : i32
      %dma_start3A_335 = arith.constant 0 : i32
      %dma_start3A_336 = tpu.memref_slice %arg18[%dma_start3A_333, %dma_start3A_335] : memref<8x128xi32, #tpu.memory_space<vmem>> -> memref<1x128xi32, #tpu.memory_space<vmem>>
      %dma_start3A_337 = tpu.memref_squeeze %dma_start3A_336 : memref<1x128xi32, #tpu.memory_space<vmem>> -> memref<128xi32, #tpu.memory_space<vmem>>
      %dma_start3A_338 = arith.constant 0 : i32
      %dma_start3A_339 = tpu.memref_slice %arg19[%dma_start3A_334, %dma_start3A_338] : memref<8x128xi32, #tpu.memory_space<vmem>> -> memref<1x128xi32, #tpu.memory_space<vmem>>
      %dma_start3A_340 = tpu.memref_squeeze %dma_start3A_339 : memref<1x128xi32, #tpu.memory_space<vmem>> -> memref<128xi32, #tpu.memory_space<vmem>>
      %dma_start3A_341 = arith.constant 0 : i32
      %dma_start3A_342 = tpu.memref_slice %arg6[%dma_start3A_341] : memref<131072xi32, #tpu.memory_space<vmem_shared>> -> memref<131072xi32, #tpu.memory_space<vmem_shared>>
      tpu.enqueue_indirect_dma source(%dma_start3A_337 : memref<128xi32, #tpu.memory_space<vmem>>) target(%dma_start3A_342 : memref<131072xi32, #tpu.memory_space<vmem_shared>>) offsets(%dma_start3A_340 : memref<128xi32, #tpu.memory_space<vmem>>) semaphore(%arg20 : memref<!tpu.dma_semaphore, #tpu.memory_space<semaphore_mem>>)
      %dma_start3A_343 = arith.constant 2 : i32
      %dma_start3A_344 = arith.constant 2 : i32
      %dma_start3A_345 = arith.constant 0 : i32
      %dma_start3A_346 = tpu.memref_slice %arg18[%dma_start3A_343, %dma_start3A_345] : memref<8x128xi32, #tpu.memory_space<vmem>> -> memref<1x128xi32, #tpu.memory_space<vmem>>
      %dma_start3A_347 = tpu.memref_squeeze %dma_start3A_346 : memref<1x128xi32, #tpu.memory_space<vmem>> -> memref<128xi32, #tpu.memory_space<vmem>>
      %dma_start3A_348 = arith.constant 0 : i32
      %dma_start3A_349 = tpu.memref_slice %arg19[%dma_start3A_344, %dma_start3A_348] : memref<8x128xi32, #tpu.memory_space<vmem>> -> memref<1x128xi32, #tpu.memory_space<vmem>>
      %dma_start3A_350 = tpu.memref_squeeze %dma_start3A_349 : memref<1x128xi32, #tpu.memory_space<vmem>> -> memref<128xi32, #tpu.memory_space<vmem>>
      %dma_start3A_351 = arith.constant 0 : i32
      %dma_start3A_352 = tpu.memref_slice %arg6[%dma_start3A_351] : memref<131072xi32, #tpu.memory_space<vmem_shared>> -> memref<131072xi32, #tpu.memory_space<vmem_shared>>
      tpu.enqueue_indirect_dma source(%dma_start3A_347 : memref<128xi32, #tpu.memory_space<vmem>>) target(%dma_start3A_352 : memref<131072xi32, #tpu.memory_space<vmem_shared>>) offsets(%dma_start3A_350 : memref<128xi32, #tpu.memory_space<vmem>>) semaphore(%arg20 : memref<!tpu.dma_semaphore, #tpu.memory_space<semaphore_mem>>)
      %dma_start3A_353 = arith.constant 3 : i32
      %dma_start3A_354 = arith.constant 3 : i32
      %dma_start3A_355 = arith.constant 0 : i32
      %dma_start3A_356 = tpu.memref_slice %arg18[%dma_start3A_353, %dma_start3A_355] : memref<8x128xi32, #tpu.memory_space<vmem>> -> memref<1x128xi32, #tpu.memory_space<vmem>>
      %dma_start3A_357 = tpu.memref_squeeze %dma_start3A_356 : memref<1x128xi32, #tpu.memory_space<vmem>> -> memref<128xi32, #tpu.memory_space<vmem>>
      %dma_start3A_358 = arith.constant 0 : i32
      %dma_start3A_359 = tpu.memref_slice %arg19[%dma_start3A_354, %dma_start3A_358] : memref<8x128xi32, #tpu.memory_space<vmem>> -> memref<1x128xi32, #tpu.memory_space<vmem>>
      %dma_start3A_360 = tpu.memref_squeeze %dma_start3A_359 : memref<1x128xi32, #tpu.memory_space<vmem>> -> memref<128xi32, #tpu.memory_space<vmem>>
      %dma_start3A_361 = arith.constant 0 : i32
      %dma_start3A_362 = tpu.memref_slice %arg6[%dma_start3A_361] : memref<131072xi32, #tpu.memory_space<vmem_shared>> -> memref<131072xi32, #tpu.memory_space<vmem_shared>>
      tpu.enqueue_indirect_dma source(%dma_start3A_357 : memref<128xi32, #tpu.memory_space<vmem>>) target(%dma_start3A_362 : memref<131072xi32, #tpu.memory_space<vmem_shared>>) offsets(%dma_start3A_360 : memref<128xi32, #tpu.memory_space<vmem>>) semaphore(%arg20 : memref<!tpu.dma_semaphore, #tpu.memory_space<semaphore_mem>>)
      %dma_start3A_363 = arith.constant 4 : i32
      %dma_start3A_364 = arith.constant 4 : i32
      %dma_start3A_365 = arith.constant 0 : i32
      %dma_start3A_366 = tpu.memref_slice %arg18[%dma_start3A_363, %dma_start3A_365] : memref<8x128xi32, #tpu.memory_space<vmem>> -> memref<1x128xi32, #tpu.memory_space<vmem>>
      %dma_start3A_367 = tpu.memref_squeeze %dma_start3A_366 : memref<1x128xi32, #tpu.memory_space<vmem>> -> memref<128xi32, #tpu.memory_space<vmem>>
      %dma_start3A_368 = arith.constant 0 : i32
      %dma_start3A_369 = tpu.memref_slice %arg19[%dma_start3A_364, %dma_start3A_368] : memref<8x128xi32, #tpu.memory_space<vmem>> -> memref<1x128xi32, #tpu.memory_space<vmem>>
      %dma_start3A_370 = tpu.memref_squeeze %dma_start3A_369 : memref<1x128xi32, #tpu.memory_space<vmem>> -> memref<128xi32, #tpu.memory_space<vmem>>
      %dma_start3A_371 = arith.constant 0 : i32
      %dma_start3A_372 = tpu.memref_slice %arg6[%dma_start3A_371] : memref<131072xi32, #tpu.memory_space<vmem_shared>> -> memref<131072xi32, #tpu.memory_space<vmem_shared>>
      tpu.enqueue_indirect_dma source(%dma_start3A_367 : memref<128xi32, #tpu.memory_space<vmem>>) target(%dma_start3A_372 : memref<131072xi32, #tpu.memory_space<vmem_shared>>) offsets(%dma_start3A_370 : memref<128xi32, #tpu.memory_space<vmem>>) semaphore(%arg20 : memref<!tpu.dma_semaphore, #tpu.memory_space<semaphore_mem>>)
      %dma_start3A_373 = arith.constant 5 : i32
      %dma_start3A_374 = arith.constant 5 : i32
      %dma_start3A_375 = arith.constant 0 : i32
      %dma_start3A_376 = tpu.memref_slice %arg18[%dma_start3A_373, %dma_start3A_375] : memref<8x128xi32, #tpu.memory_space<vmem>> -> memref<1x128xi32, #tpu.memory_space<vmem>>
      %dma_start3A_377 = tpu.memref_squeeze %dma_start3A_376 : memref<1x128xi32, #tpu.memory_space<vmem>> -> memref<128xi32, #tpu.memory_space<vmem>>
      %dma_start3A_378 = arith.constant 0 : i32
      %dma_start3A_379 = tpu.memref_slice %arg19[%dma_start3A_374, %dma_start3A_378] : memref<8x128xi32, #tpu.memory_space<vmem>> -> memref<1x128xi32, #tpu.memory_space<vmem>>
      %dma_start3A_380 = tpu.memref_squeeze %dma_start3A_379 : memref<1x128xi32, #tpu.memory_space<vmem>> -> memref<128xi32, #tpu.memory_space<vmem>>
      %dma_start3A_381 = arith.constant 0 : i32
      %dma_start3A_382 = tpu.memref_slice %arg6[%dma_start3A_381] : memref<131072xi32, #tpu.memory_space<vmem_shared>> -> memref<131072xi32, #tpu.memory_space<vmem_shared>>
      tpu.enqueue_indirect_dma source(%dma_start3A_377 : memref<128xi32, #tpu.memory_space<vmem>>) target(%dma_start3A_382 : memref<131072xi32, #tpu.memory_space<vmem_shared>>) offsets(%dma_start3A_380 : memref<128xi32, #tpu.memory_space<vmem>>) semaphore(%arg20 : memref<!tpu.dma_semaphore, #tpu.memory_space<semaphore_mem>>)
      %dma_start3A_383 = arith.constant 6 : i32
      %dma_start3A_384 = arith.constant 6 : i32
      %dma_start3A_385 = arith.constant 0 : i32
      %dma_start3A_386 = tpu.memref_slice %arg18[%dma_start3A_383, %dma_start3A_385] : memref<8x128xi32, #tpu.memory_space<vmem>> -> memref<1x128xi32, #tpu.memory_space<vmem>>
      %dma_start3A_387 = tpu.memref_squeeze %dma_start3A_386 : memref<1x128xi32, #tpu.memory_space<vmem>> -> memref<128xi32, #tpu.memory_space<vmem>>
      %dma_start3A_388 = arith.constant 0 : i32
      %dma_start3A_389 = tpu.memref_slice %arg19[%dma_start3A_384, %dma_start3A_388] : memref<8x128xi32, #tpu.memory_space<vmem>> -> memref<1x128xi32, #tpu.memory_space<vmem>>
      %dma_start3A_390 = tpu.memref_squeeze %dma_start3A_389 : memref<1x128xi32, #tpu.memory_space<vmem>> -> memref<128xi32, #tpu.memory_space<vmem>>
      %dma_start3A_391 = arith.constant 0 : i32
      %dma_start3A_392 = tpu.memref_slice %arg6[%dma_start3A_391] : memref<131072xi32, #tpu.memory_space<vmem_shared>> -> memref<131072xi32, #tpu.memory_space<vmem_shared>>
      tpu.enqueue_indirect_dma source(%dma_start3A_387 : memref<128xi32, #tpu.memory_space<vmem>>) target(%dma_start3A_392 : memref<131072xi32, #tpu.memory_space<vmem_shared>>) offsets(%dma_start3A_390 : memref<128xi32, #tpu.memory_space<vmem>>) semaphore(%arg20 : memref<!tpu.dma_semaphore, #tpu.memory_space<semaphore_mem>>)
      %dma_start3A_393 = arith.constant 7 : i32
      %dma_start3A_394 = arith.constant 7 : i32
      %dma_start3A_395 = arith.constant 0 : i32
      %dma_start3A_396 = tpu.memref_slice %arg18[%dma_start3A_393, %dma_start3A_395] : memref<8x128xi32, #tpu.memory_space<vmem>> -> memref<1x128xi32, #tpu.memory_space<vmem>>
      %dma_start3A_397 = tpu.memref_squeeze %dma_start3A_396 : memref<1x128xi32, #tpu.memory_space<vmem>> -> memref<128xi32, #tpu.memory_space<vmem>>
      %dma_start3A_398 = arith.constant 0 : i32
      %dma_start3A_399 = tpu.memref_slice %arg19[%dma_start3A_394, %dma_start3A_398] : memref<8x128xi32, #tpu.memory_space<vmem>> -> memref<1x128xi32, #tpu.memory_space<vmem>>
      %dma_start3A_400 = tpu.memref_squeeze %dma_start3A_399 : memref<1x128xi32, #tpu.memory_space<vmem>> -> memref<128xi32, #tpu.memory_space<vmem>>
      %dma_start3A_401 = arith.constant 0 : i32
      %dma_start3A_402 = tpu.memref_slice %arg6[%dma_start3A_401] : memref<131072xi32, #tpu.memory_space<vmem_shared>> -> memref<131072xi32, #tpu.memory_space<vmem_shared>>
      tpu.enqueue_indirect_dma source(%dma_start3A_397 : memref<128xi32, #tpu.memory_space<vmem>>) target(%dma_start3A_402 : memref<131072xi32, #tpu.memory_space<vmem_shared>>) offsets(%dma_start3A_400 : memref<128xi32, #tpu.memory_space<vmem>>) semaphore(%arg20 : memref<!tpu.dma_semaphore, #tpu.memory_space<semaphore_mem>>)
      %dma_wait3A = arith.constant 0 : i32
      %dma_wait3A_403 = arith.constant 0 : i32
      %dma_wait3A_404 = arith.constant 0 : i32
      %dma_wait3A_405 = tpu.memref_slice %arg18[%dma_wait3A, %dma_wait3A_404] : memref<8x128xi32, #tpu.memory_space<vmem>> -> memref<1x128xi32, #tpu.memory_space<vmem>>
      %dma_wait3A_406 = tpu.memref_squeeze %dma_wait3A_405 : memref<1x128xi32, #tpu.memory_space<vmem>> -> memref<128xi32, #tpu.memory_space<vmem>>
      %dma_wait3A_407 = arith.constant 0 : i32
      %dma_wait3A_408 = tpu.memref_slice %arg19[%dma_wait3A_403, %dma_wait3A_407] : memref<8x128xi32, #tpu.memory_space<vmem>> -> memref<1x128xi32, #tpu.memory_space<vmem>>
      %dma_wait3A_409 = tpu.memref_squeeze %dma_wait3A_408 : memref<1x128xi32, #tpu.memory_space<vmem>> -> memref<128xi32, #tpu.memory_space<vmem>>
      %dma_wait3A_410 = arith.constant 0 : i32
      %dma_wait3A_411 = tpu.memref_slice %arg6[%dma_wait3A_410] : memref<131072xi32, #tpu.memory_space<vmem_shared>> -> memref<131072xi32, #tpu.memory_space<vmem_shared>>
      tpu.wait_indirect_dma semaphore(%arg20 : memref<!tpu.dma_semaphore, #tpu.memory_space<semaphore_mem>>) src(%dma_wait3A_406 : memref<128xi32, #tpu.memory_space<vmem>>) dst(%dma_wait3A_411 : memref<131072xi32, #tpu.memory_space<vmem_shared>>)
      %dma_wait3A_412 = arith.constant 1 : i32
      %dma_wait3A_413 = arith.constant 1 : i32
      %dma_wait3A_414 = arith.constant 0 : i32
      %dma_wait3A_415 = tpu.memref_slice %arg18[%dma_wait3A_412, %dma_wait3A_414] : memref<8x128xi32, #tpu.memory_space<vmem>> -> memref<1x128xi32, #tpu.memory_space<vmem>>
      %dma_wait3A_416 = tpu.memref_squeeze %dma_wait3A_415 : memref<1x128xi32, #tpu.memory_space<vmem>> -> memref<128xi32, #tpu.memory_space<vmem>>
      %dma_wait3A_417 = arith.constant 0 : i32
      %dma_wait3A_418 = tpu.memref_slice %arg19[%dma_wait3A_413, %dma_wait3A_417] : memref<8x128xi32, #tpu.memory_space<vmem>> -> memref<1x128xi32, #tpu.memory_space<vmem>>
      %dma_wait3A_419 = tpu.memref_squeeze %dma_wait3A_418 : memref<1x128xi32, #tpu.memory_space<vmem>> -> memref<128xi32, #tpu.memory_space<vmem>>
      %dma_wait3A_420 = arith.constant 0 : i32
      %dma_wait3A_421 = tpu.memref_slice %arg6[%dma_wait3A_420] : memref<131072xi32, #tpu.memory_space<vmem_shared>> -> memref<131072xi32, #tpu.memory_space<vmem_shared>>
      tpu.wait_indirect_dma semaphore(%arg20 : memref<!tpu.dma_semaphore, #tpu.memory_space<semaphore_mem>>) src(%dma_wait3A_416 : memref<128xi32, #tpu.memory_space<vmem>>) dst(%dma_wait3A_421 : memref<131072xi32, #tpu.memory_space<vmem_shared>>)
      %dma_wait3A_422 = arith.constant 2 : i32
      %dma_wait3A_423 = arith.constant 2 : i32
      %dma_wait3A_424 = arith.constant 0 : i32
      %dma_wait3A_425 = tpu.memref_slice %arg18[%dma_wait3A_422, %dma_wait3A_424] : memref<8x128xi32, #tpu.memory_space<vmem>> -> memref<1x128xi32, #tpu.memory_space<vmem>>
      %dma_wait3A_426 = tpu.memref_squeeze %dma_wait3A_425 : memref<1x128xi32, #tpu.memory_space<vmem>> -> memref<128xi32, #tpu.memory_space<vmem>>
      %dma_wait3A_427 = arith.constant 0 : i32
      %dma_wait3A_428 = tpu.memref_slice %arg19[%dma_wait3A_423, %dma_wait3A_427] : memref<8x128xi32, #tpu.memory_space<vmem>> -> memref<1x128xi32, #tpu.memory_space<vmem>>
      %dma_wait3A_429 = tpu.memref_squeeze %dma_wait3A_428 : memref<1x128xi32, #tpu.memory_space<vmem>> -> memref<128xi32, #tpu.memory_space<vmem>>
      %dma_wait3A_430 = arith.constant 0 : i32
      %dma_wait3A_431 = tpu.memref_slice %arg6[%dma_wait3A_430] : memref<131072xi32, #tpu.memory_space<vmem_shared>> -> memref<131072xi32, #tpu.memory_space<vmem_shared>>
      tpu.wait_indirect_dma semaphore(%arg20 : memref<!tpu.dma_semaphore, #tpu.memory_space<semaphore_mem>>) src(%dma_wait3A_426 : memref<128xi32, #tpu.memory_space<vmem>>) dst(%dma_wait3A_431 : memref<131072xi32, #tpu.memory_space<vmem_shared>>)
      %dma_wait3A_432 = arith.constant 3 : i32
      %dma_wait3A_433 = arith.constant 3 : i32
      %dma_wait3A_434 = arith.constant 0 : i32
      %dma_wait3A_435 = tpu.memref_slice %arg18[%dma_wait3A_432, %dma_wait3A_434] : memref<8x128xi32, #tpu.memory_space<vmem>> -> memref<1x128xi32, #tpu.memory_space<vmem>>
      %dma_wait3A_436 = tpu.memref_squeeze %dma_wait3A_435 : memref<1x128xi32, #tpu.memory_space<vmem>> -> memref<128xi32, #tpu.memory_space<vmem>>
      %dma_wait3A_437 = arith.constant 0 : i32
      %dma_wait3A_438 = tpu.memref_slice %arg19[%dma_wait3A_433, %dma_wait3A_437] : memref<8x128xi32, #tpu.memory_space<vmem>> -> memref<1x128xi32, #tpu.memory_space<vmem>>
      %dma_wait3A_439 = tpu.memref_squeeze %dma_wait3A_438 : memref<1x128xi32, #tpu.memory_space<vmem>> -> memref<128xi32, #tpu.memory_space<vmem>>
      %dma_wait3A_440 = arith.constant 0 : i32
      %dma_wait3A_441 = tpu.memref_slice %arg6[%dma_wait3A_440] : memref<131072xi32, #tpu.memory_space<vmem_shared>> -> memref<131072xi32, #tpu.memory_space<vmem_shared>>
      tpu.wait_indirect_dma semaphore(%arg20 : memref<!tpu.dma_semaphore, #tpu.memory_space<semaphore_mem>>) src(%dma_wait3A_436 : memref<128xi32, #tpu.memory_space<vmem>>) dst(%dma_wait3A_441 : memref<131072xi32, #tpu.memory_space<vmem_shared>>)
      %dma_wait3A_442 = arith.constant 4 : i32
      %dma_wait3A_443 = arith.constant 4 : i32
      %dma_wait3A_444 = arith.constant 0 : i32
      %dma_wait3A_445 = tpu.memref_slice %arg18[%dma_wait3A_442, %dma_wait3A_444] : memref<8x128xi32, #tpu.memory_space<vmem>> -> memref<1x128xi32, #tpu.memory_space<vmem>>
      %dma_wait3A_446 = tpu.memref_squeeze %dma_wait3A_445 : memref<1x128xi32, #tpu.memory_space<vmem>> -> memref<128xi32, #tpu.memory_space<vmem>>
      %dma_wait3A_447 = arith.constant 0 : i32
      %dma_wait3A_448 = tpu.memref_slice %arg19[%dma_wait3A_443, %dma_wait3A_447] : memref<8x128xi32, #tpu.memory_space<vmem>> -> memref<1x128xi32, #tpu.memory_space<vmem>>
      %dma_wait3A_449 = tpu.memref_squeeze %dma_wait3A_448 : memref<1x128xi32, #tpu.memory_space<vmem>> -> memref<128xi32, #tpu.memory_space<vmem>>
      %dma_wait3A_450 = arith.constant 0 : i32
      %dma_wait3A_451 = tpu.memref_slice %arg6[%dma_wait3A_450] : memref<131072xi32, #tpu.memory_space<vmem_shared>> -> memref<131072xi32, #tpu.memory_space<vmem_shared>>
      tpu.wait_indirect_dma semaphore(%arg20 : memref<!tpu.dma_semaphore, #tpu.memory_space<semaphore_mem>>) src(%dma_wait3A_446 : memref<128xi32, #tpu.memory_space<vmem>>) dst(%dma_wait3A_451 : memref<131072xi32, #tpu.memory_space<vmem_shared>>)
      %dma_wait3A_452 = arith.constant 5 : i32
      %dma_wait3A_453 = arith.constant 5 : i32
      %dma_wait3A_454 = arith.constant 0 : i32
      %dma_wait3A_455 = tpu.memref_slice %arg18[%dma_wait3A_452, %dma_wait3A_454] : memref<8x128xi32, #tpu.memory_space<vmem>> -> memref<1x128xi32, #tpu.memory_space<vmem>>
      %dma_wait3A_456 = tpu.memref_squeeze %dma_wait3A_455 : memref<1x128xi32, #tpu.memory_space<vmem>> -> memref<128xi32, #tpu.memory_space<vmem>>
      %dma_wait3A_457 = arith.constant 0 : i32
      %dma_wait3A_458 = tpu.memref_slice %arg19[%dma_wait3A_453, %dma_wait3A_457] : memref<8x128xi32, #tpu.memory_space<vmem>> -> memref<1x128xi32, #tpu.memory_space<vmem>>
      %dma_wait3A_459 = tpu.memref_squeeze %dma_wait3A_458 : memref<1x128xi32, #tpu.memory_space<vmem>> -> memref<128xi32, #tpu.memory_space<vmem>>
      %dma_wait3A_460 = arith.constant 0 : i32
      %dma_wait3A_461 = tpu.memref_slice %arg6[%dma_wait3A_460] : memref<131072xi32, #tpu.memory_space<vmem_shared>> -> memref<131072xi32, #tpu.memory_space<vmem_shared>>
      tpu.wait_indirect_dma semaphore(%arg20 : memref<!tpu.dma_semaphore, #tpu.memory_space<semaphore_mem>>) src(%dma_wait3A_456 : memref<128xi32, #tpu.memory_space<vmem>>) dst(%dma_wait3A_461 : memref<131072xi32, #tpu.memory_space<vmem_shared>>)
      %dma_wait3A_462 = arith.constant 6 : i32
      %dma_wait3A_463 = arith.constant 6 : i32
      %dma_wait3A_464 = arith.constant 0 : i32
      %dma_wait3A_465 = tpu.memref_slice %arg18[%dma_wait3A_462, %dma_wait3A_464] : memref<8x128xi32, #tpu.memory_space<vmem>> -> memref<1x128xi32, #tpu.memory_space<vmem>>
      %dma_wait3A_466 = tpu.memref_squeeze %dma_wait3A_465 : memref<1x128xi32, #tpu.memory_space<vmem>> -> memref<128xi32, #tpu.memory_space<vmem>>
      %dma_wait3A_467 = arith.constant 0 : i32
      %dma_wait3A_468 = tpu.memref_slice %arg19[%dma_wait3A_463, %dma_wait3A_467] : memref<8x128xi32, #tpu.memory_space<vmem>> -> memref<1x128xi32, #tpu.memory_space<vmem>>
      %dma_wait3A_469 = tpu.memref_squeeze %dma_wait3A_468 : memref<1x128xi32, #tpu.memory_space<vmem>> -> memref<128xi32, #tpu.memory_space<vmem>>
      %dma_wait3A_470 = arith.constant 0 : i32
      %dma_wait3A_471 = tpu.memref_slice %arg6[%dma_wait3A_470] : memref<131072xi32, #tpu.memory_space<vmem_shared>> -> memref<131072xi32, #tpu.memory_space<vmem_shared>>
      tpu.wait_indirect_dma semaphore(%arg20 : memref<!tpu.dma_semaphore, #tpu.memory_space<semaphore_mem>>) src(%dma_wait3A_466 : memref<128xi32, #tpu.memory_space<vmem>>) dst(%dma_wait3A_471 : memref<131072xi32, #tpu.memory_space<vmem_shared>>)
      %dma_wait3A_472 = arith.constant 7 : i32
      %dma_wait3A_473 = arith.constant 7 : i32
      %dma_wait3A_474 = arith.constant 0 : i32
      %dma_wait3A_475 = tpu.memref_slice %arg18[%dma_wait3A_472, %dma_wait3A_474] : memref<8x128xi32, #tpu.memory_space<vmem>> -> memref<1x128xi32, #tpu.memory_space<vmem>>
      %dma_wait3A_476 = tpu.memref_squeeze %dma_wait3A_475 : memref<1x128xi32, #tpu.memory_space<vmem>> -> memref<128xi32, #tpu.memory_space<vmem>>
      %dma_wait3A_477 = arith.constant 0 : i32
      %dma_wait3A_478 = tpu.memref_slice %arg19[%dma_wait3A_473, %dma_wait3A_477] : memref<8x128xi32, #tpu.memory_space<vmem>> -> memref<1x128xi32, #tpu.memory_space<vmem>>
      %dma_wait3A_479 = tpu.memref_squeeze %dma_wait3A_478 : memref<1x128xi32, #tpu.memory_space<vmem>> -> memref<128xi32, #tpu.memory_space<vmem>>
      %dma_wait3A_480 = arith.constant 0 : i32
      %dma_wait3A_481 = tpu.memref_slice %arg6[%dma_wait3A_480] : memref<131072xi32, #tpu.memory_space<vmem_shared>> -> memref<131072xi32, #tpu.memory_space<vmem_shared>>
      tpu.wait_indirect_dma semaphore(%arg20 : memref<!tpu.dma_semaphore, #tpu.memory_space<semaphore_mem>>) src(%dma_wait3A_476 : memref<128xi32, #tpu.memory_space<vmem>>) dst(%dma_wait3A_481 : memref<131072xi32, #tpu.memory_space<vmem_shared>>)
      %scan3A_482 = arith.constant 0 : i32
      scf.yield %scan3A_482 : i32
    }
    %scan3A_248 = arith.constant 8 : i32
    %barrier3A_249 = arith.constant 0 : index
    tpu.barrier barrier_id(%barrier3A_249)
    %mul3A_250 = arith.constant 32768 : i32
    %mul3A_251 = arith.muli %and3A_2, %mul3A_250 : i32
    %add3A_252 = arith.addi %mul3A_251, %mul3A_9 : i32
    "tpu.region"() ({
      %run_scoped3A_315 = tpu.sem_alloc : memref<!tpu.dma_semaphore, #tpu.memory_space<semaphore_mem>>
      %dma_start3A = tpu.memref_slice %arg6[%add3A_252] : memref<131072xi32, #tpu.memory_space<vmem_shared>> -> memref<8192xi32, #tpu.memory_space<vmem_shared>>
      %dma_start3A_316 = tpu.memref_slice %arg6[%add3A_252] : memref<131072xi32, #tpu.memory_space<vmem_shared>> -> memref<8192xi32, #tpu.memory_space<vmem_shared>>
      tpu.enqueue_dma source(%dma_start3A_316 : memref<8192xi32, #tpu.memory_space<vmem_shared>>) target(%arg13 : memref<8192xi32, #tpu.memory_space<vmem>>) target_semaphore(%run_scoped3A_315 : memref<!tpu.dma_semaphore, #tpu.memory_space<semaphore_mem>>)
      %dma_wait3A = tpu.memref_slice %arg6[%add3A_252] : memref<131072xi32, #tpu.memory_space<vmem_shared>> -> memref<8192xi32, #tpu.memory_space<vmem_shared>>
      %dma_wait3A_317 = tpu.memref_slice %arg6[%add3A_252] : memref<131072xi32, #tpu.memory_space<vmem_shared>> -> memref<8192xi32, #tpu.memory_space<vmem_shared>>
      tpu.wait_dma2 semaphore(%run_scoped3A_315 : memref<!tpu.dma_semaphore, #tpu.memory_space<semaphore_mem>>) src(%dma_wait3A_317 : memref<8192xi32, #tpu.memory_space<vmem_shared>>) dst(%arg13 : memref<8192xi32, #tpu.memory_space<vmem>>)
      tpu.yield
    }) : () -> ()
    %scan3A_253 = arith.constant 0 : i32
    %scan3A_254 = arith.constant 0 : i32
    %scan3A_255 = arith.constant 512 : i32
    %scan3A_256 = arith.addi %scan3A_254, %scan3A_255 : i32
    %scan3A_257 = arith.constant 1 : i32
    %scan3A_258 = scf.for %scan3A_315 = %scan3A_254 to %scan3A_256 step %scan3A_257 iter_args(%scan3A_316 = %scan3A_253) -> (i32)  : i32 {
      %mul3A_317 = arith.constant 16 : i32
      %mul3A_318 = arith.muli %scan3A_315, %mul3A_317 : i32
      %get3A_319 = arith.index_cast %mul3A_318 : i32 to index
      %get3A_320 = tpu.vector_load %arg13[%get3A_319] {strides = array<i32>} : memref<8192xi32, #tpu.memory_space<vmem>>, vector<16xi32>,
      %gather3A = tpu.vector_load_idx %arg9[%get3A_320] : memref<32768xi32, #tpu.memory_space<vmem>>[vector<16xi32>], vector<16xi32>,
      %swap3A_321 = arith.index_cast %mul3A_318 : i32 to index
      %swap3A_322 = tpu.vector_load %arg12[%swap3A_321] {strides = array<i32>} : memref<8192xi32, #tpu.memory_space<vmem>>, vector<16xi32>,
      tpu.vector_store %arg12[%swap3A_321], %gather3A {strides = array<i32>} : memref<8192xi32, #tpu.memory_space<vmem>>, vector<16xi32>,
      %shift_right_arithmetic3A_323 = arith.constant 20 : i32
      %shift_right_arithmetic3A_324 = vector.broadcast %shift_right_arithmetic3A_323 : i32 to vector<16xi32>
      %shift_right_arithmetic3A_325 = arith.shrsi %gather3A, %shift_right_arithmetic3A_324 : vector<16xi32>
      %and3A_326 = arith.constant 1023 : i32
      %and3A_327 = vector.broadcast %and3A_326 : i32 to vector<16xi32>
      %and3A_328 = arith.andi %shift_right_arithmetic3A_325, %and3A_327 : vector<16xi32>
      tpu.vector_store_idx %arg14[%and3A_328], %broadcast_in_dim3A_7 {add = true} : memref<1024xi32, #tpu.memory_space<vmem>>[vector<16xi32>], vector<16xi32>,
      %scan3A_329 = arith.constant 0 : i32
      scf.yield %scan3A_329 : i32
    }
    %scan3A_259 = arith.constant 512 : i32
    %mul3A_260 = arith.constant 4 : i32
    %mul3A_261 = arith.muli %and3A_2, %mul3A_260 : i32
    %add3A_262 = arith.addi %mul3A_261, %and3A_4 : i32
    %mul3A_263 = arith.constant 1024 : i32
    %mul3A_264 = arith.muli %add3A_262, %mul3A_263 : i32
    "tpu.region"() ({
      %run_scoped3A_315 = tpu.sem_alloc : memref<!tpu.dma_semaphore, #tpu.memory_space<semaphore_mem>>
      %dma_start3A = tpu.memref_slice %arg7[%mul3A_264] : memref<16384xi32, #tpu.memory_space<vmem_shared>> -> memref<1024xi32, #tpu.memory_space<vmem_shared>>
      %dma_start3A_316 = tpu.memref_slice %arg7[%mul3A_264] : memref<16384xi32, #tpu.memory_space<vmem_shared>> -> memref<1024xi32, #tpu.memory_space<vmem_shared>>
      tpu.enqueue_dma source(%arg14 : memref<1024xi32, #tpu.memory_space<vmem>>) target(%dma_start3A_316 : memref<1024xi32, #tpu.memory_space<vmem_shared>>) target_semaphore(%run_scoped3A_315 : memref<!tpu.dma_semaphore, #tpu.memory_space<semaphore_mem>>)
      %dma_wait3A = tpu.memref_slice %arg7[%mul3A_264] : memref<16384xi32, #tpu.memory_space<vmem_shared>> -> memref<1024xi32, #tpu.memory_space<vmem_shared>>
      %dma_wait3A_317 = tpu.memref_slice %arg7[%mul3A_264] : memref<16384xi32, #tpu.memory_space<vmem_shared>> -> memref<1024xi32, #tpu.memory_space<vmem_shared>>
      tpu.wait_dma2 semaphore(%run_scoped3A_315 : memref<!tpu.dma_semaphore, #tpu.memory_space<semaphore_mem>>) src(%arg14 : memref<1024xi32, #tpu.memory_space<vmem>>) dst(%dma_wait3A_317 : memref<1024xi32, #tpu.memory_space<vmem_shared>>)
      tpu.yield
    }) : () -> ()
    %barrier3A_265 = arith.constant 0 : index
    tpu.barrier barrier_id(%barrier3A_265)
    %mul3A_266 = arith.constant 4 : i32
    %mul3A_267 = arith.muli %and3A_2, %mul3A_266 : i32
    %mul3A_268 = arith.constant 1024 : i32
    %mul3A_269 = arith.muli %mul3A_267, %mul3A_268 : i32
    "tpu.region"() ({
      %run_scoped3A_315 = tpu.sem_alloc : memref<!tpu.dma_semaphore, #tpu.memory_space<semaphore_mem>>
      %dma_start3A = tpu.memref_slice %arg7[%mul3A_269] : memref<16384xi32, #tpu.memory_space<vmem_shared>> -> memref<4096xi32, #tpu.memory_space<vmem_shared>>
      %dma_start3A_316 = tpu.memref_slice %arg7[%mul3A_269] : memref<16384xi32, #tpu.memory_space<vmem_shared>> -> memref<4096xi32, #tpu.memory_space<vmem_shared>>
      tpu.enqueue_dma source(%dma_start3A_316 : memref<4096xi32, #tpu.memory_space<vmem_shared>>) target(%arg16 : memref<4096xi32, #tpu.memory_space<vmem>>) target_semaphore(%run_scoped3A_315 : memref<!tpu.dma_semaphore, #tpu.memory_space<semaphore_mem>>)
      %dma_wait3A = tpu.memref_slice %arg7[%mul3A_269] : memref<16384xi32, #tpu.memory_space<vmem_shared>> -> memref<4096xi32, #tpu.memory_space<vmem_shared>>
      %dma_wait3A_317 = tpu.memref_slice %arg7[%mul3A_269] : memref<16384xi32, #tpu.memory_space<vmem_shared>> -> memref<4096xi32, #tpu.memory_space<vmem_shared>>
      tpu.wait_dma2 semaphore(%run_scoped3A_315 : memref<!tpu.dma_semaphore, #tpu.memory_space<semaphore_mem>>) src(%dma_wait3A_317 : memref<4096xi32, #tpu.memory_space<vmem_shared>>) dst(%arg16 : memref<4096xi32, #tpu.memory_space<vmem>>)
      tpu.yield
    }) : () -> ()
    %scan3A_270 = arith.constant 0 : i32
    %scan3A_271 = arith.constant 0 : i32
    %scan3A_272 = arith.constant 64 : i32
    %scan3A_273 = arith.addi %scan3A_271, %scan3A_272 : i32
    %scan3A_274 = arith.constant 1 : i32
    %scan3A_275 = scf.for %scan3A_315 = %scan3A_271 to %scan3A_273 step %scan3A_274 iter_args(%scan3A_316 = %scan3A_270) -> (i32)  : i32 {
      %mul3A_317 = arith.constant 16 : i32
      %mul3A_318 = arith.muli %scan3A_315, %mul3A_317 : i32
      %get3A_319 = arith.index_cast %mul3A_318 : i32 to index
      %get3A_320 = tpu.vector_load %arg16[%get3A_319] {strides = array<i32>} : memref<4096xi32, #tpu.memory_space<vmem>>, vector<16xi32>,
      %add3A_321 = arith.constant 1024 : i32
      %add3A_322 = arith.addi %add3A_321, %mul3A_318 : i32
      %get3A_323 = arith.index_cast %add3A_322 : i32 to index
      %get3A_324 = tpu.vector_load %arg16[%get3A_323] {strides = array<i32>} : memref<4096xi32, #tpu.memory_space<vmem>>, vector<16xi32>,
      %add3A_325 = arith.constant 2048 : i32
      %add3A_326 = arith.addi %add3A_325, %mul3A_318 : i32
      %get3A_327 = arith.index_cast %add3A_326 : i32 to index
      %get3A_328 = tpu.vector_load %arg16[%get3A_327] {strides = array<i32>} : memref<4096xi32, #tpu.memory_space<vmem>>, vector<16xi32>,
      %add3A_329 = arith.constant 3072 : i32
      %add3A_330 = arith.addi %add3A_329, %mul3A_318 : i32
      %get3A_331 = arith.index_cast %add3A_330 : i32 to index
      %get3A_332 = tpu.vector_load %arg16[%get3A_331] {strides = array<i32>} : memref<4096xi32, #tpu.memory_space<vmem>>, vector<16xi32>,
      %add3A_333 = arith.addi %get3A_320, %get3A_324 : vector<16xi32>
      %add3A_334 = arith.addi %add3A_333, %get3A_328 : vector<16xi32>
      %add3A_335 = arith.addi %add3A_334, %get3A_332 : vector<16xi32>
      %gt3A = arith.constant 0 : i32
      %gt3A_336 = vector.broadcast %gt3A : i32 to vector<16xi32>
      %gt3A_337 = arith.cmpi sgt, %broadcast_in_dim3A_189, %gt3A_336 : vector<16xi32>
      %select_n3A = arith.select %gt3A_337, %get3A_320, %broadcast_in_dim3A_5 : vector<16xi1>, vector<16xi32>
      %gt3A_338 = arith.constant 1 : i32
      %gt3A_339 = vector.broadcast %gt3A_338 : i32 to vector<16xi32>
      %gt3A_340 = arith.cmpi sgt, %broadcast_in_dim3A_189, %gt3A_339 : vector<16xi32>
      %select_n3A_341 = arith.select %gt3A_340, %get3A_324, %broadcast_in_dim3A_5 : vector<16xi1>, vector<16xi32>
      %add3A_342 = arith.addi %select_n3A, %select_n3A_341 : vector<16xi32>
      %gt3A_343 = arith.constant 2 : i32
      %gt3A_344 = vector.broadcast %gt3A_343 : i32 to vector<16xi32>
      %gt3A_345 = arith.cmpi sgt, %broadcast_in_dim3A_189, %gt3A_344 : vector<16xi32>
      %select_n3A_346 = arith.select %gt3A_345, %get3A_328, %broadcast_in_dim3A_5 : vector<16xi1>, vector<16xi32>
      %add3A_347 = arith.addi %add3A_342, %select_n3A_346 : vector<16xi32>
      %broadcast_in_dim3A_348 = arith.constant true
      %broadcast_in_dim3A_349 = vector.broadcast %broadcast_in_dim3A_348 : i1 to vector<16xi1>
      %masked_cumsum3A = tpu.scan <sum>, %add3A_335 masked %broadcast_in_dim3A_349 : vector<16xi32>, vector<16xi1> -> vector<16xi32>
      %sub3A_350 = arith.subi %masked_cumsum3A, %add3A_335 : vector<16xi32>
      %add3A_351 = arith.addi %sub3A_350, %add3A_347 : vector<16xi32>
      %broadcast_in_dim3A_352 = vector.broadcast %scan3A_316 : i32 to vector<16xi32>
      %add3A_353 = arith.addi %add3A_351, %broadcast_in_dim3A_352 : vector<16xi32>
      %swap3A_354 = arith.index_cast %mul3A_318 : i32 to index
      %swap3A_355 = tpu.vector_load %arg15[%swap3A_354] {strides = array<i32>} : memref<1024xi32, #tpu.memory_space<vmem>>, vector<16xi32>,
      tpu.vector_store %arg15[%swap3A_354], %add3A_353 {strides = array<i32>} : memref<1024xi32, #tpu.memory_space<vmem>>, vector<16xi32>,
      %swap3A_356 = arith.index_cast %mul3A_318 : i32 to index
      %swap3A_357 = tpu.vector_load %arg14[%swap3A_356] {strides = array<i32>} : memref<1024xi32, #tpu.memory_space<vmem>>, vector<16xi32>,
      tpu.vector_store %arg14[%swap3A_356], %broadcast_in_dim3A_5 {strides = array<i32>} : memref<1024xi32, #tpu.memory_space<vmem>>, vector<16xi32>,
      %reduce_max3A_358 = arith.constant true
      %reduce_max3A_359 = vector.broadcast %reduce_max3A_358 : i1 to vector<16xi1>
      %reduce_max3A_360 = arith.constant -2147483648 : i32
      %reduce_max3A_361 = vector.broadcast %reduce_max3A_360 : i32 to vector<16xi32>
      %reduce_max3A_362 = arith.xori %masked_cumsum3A, %reduce_max3A_361 : vector<16xi32>
      %reduce_max3A_363 = tpu.scan <max>, %reduce_max3A_362 masked %reduce_max3A_359 : vector<16xi32>, vector<16xi1> -> vector<16xi32>
      %reduce_max3A_364 = arith.xori %reduce_max3A_363, %reduce_max3A_361 : vector<16xi32>
      %reduce_max3A_365 = vector.extract %reduce_max3A_364[15] : i32 from vector<16xi32>
      %add3A_366 = arith.addi %scan3A_316, %reduce_max3A_365 : i32
      scf.yield %add3A_366 : i32
    }
    %scan3A_276 = arith.constant 64 : i32
    %scan3A_277 = arith.constant 0 : i32
    %scan3A_278 = arith.constant 0 : i32
    %scan3A_279 = arith.constant 8 : i32
    %scan3A_280 = arith.addi %scan3A_278, %scan3A_279 : i32
    %scan3A_281 = arith.constant 1 : i32
    %scan3A_282 = scf.for %scan3A_315 = %scan3A_278 to %scan3A_280 step %scan3A_281 iter_args(%scan3A_316 = %scan3A_277) -> (i32)  : i32 {
      %scan3A_317 = arith.constant 0 : i32
      %scan3A_318 = arith.constant 0 : i32
      %scan3A_319 = arith.constant 64 : i32
      %scan3A_320 = arith.addi %scan3A_318, %scan3A_319 : i32
      %scan3A_321 = arith.constant 1 : i32
      %scan3A_322 = scf.for %scan3A_483 = %scan3A_318 to %scan3A_320 step %scan3A_321 iter_args(%scan3A_484 = %scan3A_317) -> (i32)  : i32 {
        %mul3A_485 = arith.constant 64 : i32
        %mul3A_486 = arith.muli %scan3A_315, %mul3A_485 : i32
        %add3A_487 = arith.addi %mul3A_486, %scan3A_483 : i32
        %mul3A_488 = arith.constant 16 : i32
        %mul3A_489 = arith.muli %add3A_487, %mul3A_488 : i32
        %get3A_490 = arith.index_cast %mul3A_489 : i32 to index
        %get3A_491 = tpu.vector_load %arg13[%get3A_490] {strides = array<i32>} : memref<8192xi32, #tpu.memory_space<vmem>>, vector<16xi32>,
        %get3A_492 = arith.index_cast %mul3A_489 : i32 to index
        %get3A_493 = tpu.vector_load %arg12[%get3A_492] {strides = array<i32>} : memref<8192xi32, #tpu.memory_space<vmem>>, vector<16xi32>,
        %shift_right_arithmetic3A_494 = arith.constant 20 : i32
        %shift_right_arithmetic3A_495 = vector.broadcast %shift_right_arithmetic3A_494 : i32 to vector<16xi32>
        %shift_right_arithmetic3A_496 = arith.shrsi %get3A_493, %shift_right_arithmetic3A_495 : vector<16xi32>
        %and3A_497 = arith.constant 1023 : i32
        %and3A_498 = vector.broadcast %and3A_497 : i32 to vector<16xi32>
        %and3A_499 = arith.andi %shift_right_arithmetic3A_496, %and3A_498 : vector<16xi32>
        %gather3A = tpu.vector_load_idx %arg15[%and3A_499] : memref<1024xi32, #tpu.memory_space<vmem>>[vector<16xi32>], vector<16xi32>,
        %broadcast_in_dim3A_500 = arith.constant true
        %broadcast_in_dim3A_501 = vector.broadcast %broadcast_in_dim3A_500 : i1 to vector<16xi1>
        %unique3A, %unique3A_502 = tpu.scan_count mask(%broadcast_in_dim3A_501 : vector<16xi1>) value(%and3A_499 : vector<16xi32>) : vector<16xi1>, vector<16xi32>
        %add3A_503 = arith.addi %gather3A, %unique3A_502 : vector<16xi32>
        %sub3A_504 = arith.constant 1 : i32
        %sub3A_505 = vector.broadcast %sub3A_504 : i32 to vector<16xi32>
        %sub3A_506 = arith.subi %add3A_503, %sub3A_505 : vector<16xi32>
        %shift_right_arithmetic3A_507 = arith.constant 3 : i32
        %shift_right_arithmetic3A_508 = arith.shrsi %scan3A_483, %shift_right_arithmetic3A_507 : i32
        %and3A_509 = arith.constant 7 : i32
        %and3A_510 = arith.andi %scan3A_483, %and3A_509 : i32
        %mul3A_511 = arith.constant 16 : i32
        %mul3A_512 = arith.muli %and3A_510, %mul3A_511 : i32
        %swap3A_513 = arith.index_cast %shift_right_arithmetic3A_508 : i32 to index
        %swap3A_514 = arith.index_cast %mul3A_512 : i32 to index
        %swap3A_515 = tpu.vector_load %arg18[%swap3A_513, %swap3A_514] {strides = array<i32>} : memref<8x128xi32, #tpu.memory_space<vmem>>, vector<16xi32>,
        tpu.vector_store %arg18[%swap3A_513, %swap3A_514], %get3A_491 {strides = array<i32>} : memref<8x128xi32, #tpu.memory_space<vmem>>, vector<16xi32>,
        %mul3A_516 = arith.constant 32768 : i32
        %mul3A_517 = arith.muli %and3A_2, %mul3A_516 : i32
        %add3A_518 = vector.broadcast %mul3A_517 : i32 to vector<16xi32>
        %add3A_519 = arith.addi %sub3A_506, %add3A_518 : vector<16xi32>
        %swap3A_520 = arith.index_cast %shift_right_arithmetic3A_508 : i32 to index
        %swap3A_521 = arith.index_cast %mul3A_512 : i32 to index
        %swap3A_522 = tpu.vector_load %arg19[%swap3A_520, %swap3A_521] {strides = array<i32>} : memref<8x128xi32, #tpu.memory_space<vmem>>, vector<16xi32>,
        tpu.vector_store %arg19[%swap3A_520, %swap3A_521], %add3A_519 {strides = array<i32>} : memref<8x128xi32, #tpu.memory_space<vmem>>, vector<16xi32>,
        %add3A_523 = arith.constant 1 : i32
        %add3A_524 = vector.broadcast %add3A_523 : i32 to vector<16xi32>
        %add3A_525 = arith.addi %sub3A_506, %add3A_524 : vector<16xi32>
        tpu.vector_store_idx %arg15[%and3A_499], %add3A_525 masked %unique3A : memref<1024xi32, #tpu.memory_space<vmem>>[vector<16xi32>], vector<16xi32>, vector<16xi1>
        %scan3A_526 = arith.constant 0 : i32
        scf.yield %scan3A_526 : i32
      }
      %scan3A_323 = arith.constant 64 : i32
      %dma_start3A = arith.constant 0 : i32
      %dma_start3A_324 = arith.constant 0 : i32
      %dma_start3A_325 = arith.constant 0 : i32
      %dma_start3A_326 = tpu.memref_slice %arg18[%dma_start3A, %dma_start3A_325] : memref<8x128xi32, #tpu.memory_space<vmem>> -> memref<1x128xi32, #tpu.memory_space<vmem>>
      %dma_start3A_327 = tpu.memref_squeeze %dma_start3A_326 : memref<1x128xi32, #tpu.memory_space<vmem>> -> memref<128xi32, #tpu.memory_space<vmem>>
      %dma_start3A_328 = arith.constant 0 : i32
      %dma_start3A_329 = tpu.memref_slice %arg19[%dma_start3A_324, %dma_start3A_328] : memref<8x128xi32, #tpu.memory_space<vmem>> -> memref<1x128xi32, #tpu.memory_space<vmem>>
      %dma_start3A_330 = tpu.memref_squeeze %dma_start3A_329 : memref<1x128xi32, #tpu.memory_space<vmem>> -> memref<128xi32, #tpu.memory_space<vmem>>
      %dma_start3A_331 = arith.constant 0 : i32
      %dma_start3A_332 = tpu.memref_slice %arg5[%dma_start3A_331] : memref<131072xi32, #tpu.memory_space<vmem_shared>> -> memref<131072xi32, #tpu.memory_space<vmem_shared>>
      tpu.enqueue_indirect_dma source(%dma_start3A_327 : memref<128xi32, #tpu.memory_space<vmem>>) target(%dma_start3A_332 : memref<131072xi32, #tpu.memory_space<vmem_shared>>) offsets(%dma_start3A_330 : memref<128xi32, #tpu.memory_space<vmem>>) semaphore(%arg20 : memref<!tpu.dma_semaphore, #tpu.memory_space<semaphore_mem>>)
      %dma_start3A_333 = arith.constant 1 : i32
      %dma_start3A_334 = arith.constant 1 : i32
      %dma_start3A_335 = arith.constant 0 : i32
      %dma_start3A_336 = tpu.memref_slice %arg18[%dma_start3A_333, %dma_start3A_335] : memref<8x128xi32, #tpu.memory_space<vmem>> -> memref<1x128xi32, #tpu.memory_space<vmem>>
      %dma_start3A_337 = tpu.memref_squeeze %dma_start3A_336 : memref<1x128xi32, #tpu.memory_space<vmem>> -> memref<128xi32, #tpu.memory_space<vmem>>
      %dma_start3A_338 = arith.constant 0 : i32
      %dma_start3A_339 = tpu.memref_slice %arg19[%dma_start3A_334, %dma_start3A_338] : memref<8x128xi32, #tpu.memory_space<vmem>> -> memref<1x128xi32, #tpu.memory_space<vmem>>
      %dma_start3A_340 = tpu.memref_squeeze %dma_start3A_339 : memref<1x128xi32, #tpu.memory_space<vmem>> -> memref<128xi32, #tpu.memory_space<vmem>>
      %dma_start3A_341 = arith.constant 0 : i32
      %dma_start3A_342 = tpu.memref_slice %arg5[%dma_start3A_341] : memref<131072xi32, #tpu.memory_space<vmem_shared>> -> memref<131072xi32, #tpu.memory_space<vmem_shared>>
      tpu.enqueue_indirect_dma source(%dma_start3A_337 : memref<128xi32, #tpu.memory_space<vmem>>) target(%dma_start3A_342 : memref<131072xi32, #tpu.memory_space<vmem_shared>>) offsets(%dma_start3A_340 : memref<128xi32, #tpu.memory_space<vmem>>) semaphore(%arg20 : memref<!tpu.dma_semaphore, #tpu.memory_space<semaphore_mem>>)
      %dma_start3A_343 = arith.constant 2 : i32
      %dma_start3A_344 = arith.constant 2 : i32
      %dma_start3A_345 = arith.constant 0 : i32
      %dma_start3A_346 = tpu.memref_slice %arg18[%dma_start3A_343, %dma_start3A_345] : memref<8x128xi32, #tpu.memory_space<vmem>> -> memref<1x128xi32, #tpu.memory_space<vmem>>
      %dma_start3A_347 = tpu.memref_squeeze %dma_start3A_346 : memref<1x128xi32, #tpu.memory_space<vmem>> -> memref<128xi32, #tpu.memory_space<vmem>>
      %dma_start3A_348 = arith.constant 0 : i32
      %dma_start3A_349 = tpu.memref_slice %arg19[%dma_start3A_344, %dma_start3A_348] : memref<8x128xi32, #tpu.memory_space<vmem>> -> memref<1x128xi32, #tpu.memory_space<vmem>>
      %dma_start3A_350 = tpu.memref_squeeze %dma_start3A_349 : memref<1x128xi32, #tpu.memory_space<vmem>> -> memref<128xi32, #tpu.memory_space<vmem>>
      %dma_start3A_351 = arith.constant 0 : i32
      %dma_start3A_352 = tpu.memref_slice %arg5[%dma_start3A_351] : memref<131072xi32, #tpu.memory_space<vmem_shared>> -> memref<131072xi32, #tpu.memory_space<vmem_shared>>
      tpu.enqueue_indirect_dma source(%dma_start3A_347 : memref<128xi32, #tpu.memory_space<vmem>>) target(%dma_start3A_352 : memref<131072xi32, #tpu.memory_space<vmem_shared>>) offsets(%dma_start3A_350 : memref<128xi32, #tpu.memory_space<vmem>>) semaphore(%arg20 : memref<!tpu.dma_semaphore, #tpu.memory_space<semaphore_mem>>)
      %dma_start3A_353 = arith.constant 3 : i32
      %dma_start3A_354 = arith.constant 3 : i32
      %dma_start3A_355 = arith.constant 0 : i32
      %dma_start3A_356 = tpu.memref_slice %arg18[%dma_start3A_353, %dma_start3A_355] : memref<8x128xi32, #tpu.memory_space<vmem>> -> memref<1x128xi32, #tpu.memory_space<vmem>>
      %dma_start3A_357 = tpu.memref_squeeze %dma_start3A_356 : memref<1x128xi32, #tpu.memory_space<vmem>> -> memref<128xi32, #tpu.memory_space<vmem>>
      %dma_start3A_358 = arith.constant 0 : i32
      %dma_start3A_359 = tpu.memref_slice %arg19[%dma_start3A_354, %dma_start3A_358] : memref<8x128xi32, #tpu.memory_space<vmem>> -> memref<1x128xi32, #tpu.memory_space<vmem>>
      %dma_start3A_360 = tpu.memref_squeeze %dma_start3A_359 : memref<1x128xi32, #tpu.memory_space<vmem>> -> memref<128xi32, #tpu.memory_space<vmem>>
      %dma_start3A_361 = arith.constant 0 : i32
      %dma_start3A_362 = tpu.memref_slice %arg5[%dma_start3A_361] : memref<131072xi32, #tpu.memory_space<vmem_shared>> -> memref<131072xi32, #tpu.memory_space<vmem_shared>>
      tpu.enqueue_indirect_dma source(%dma_start3A_357 : memref<128xi32, #tpu.memory_space<vmem>>) target(%dma_start3A_362 : memref<131072xi32, #tpu.memory_space<vmem_shared>>) offsets(%dma_start3A_360 : memref<128xi32, #tpu.memory_space<vmem>>) semaphore(%arg20 : memref<!tpu.dma_semaphore, #tpu.memory_space<semaphore_mem>>)
      %dma_start3A_363 = arith.constant 4 : i32
      %dma_start3A_364 = arith.constant 4 : i32
      %dma_start3A_365 = arith.constant 0 : i32
      %dma_start3A_366 = tpu.memref_slice %arg18[%dma_start3A_363, %dma_start3A_365] : memref<8x128xi32, #tpu.memory_space<vmem>> -> memref<1x128xi32, #tpu.memory_space<vmem>>
      %dma_start3A_367 = tpu.memref_squeeze %dma_start3A_366 : memref<1x128xi32, #tpu.memory_space<vmem>> -> memref<128xi32, #tpu.memory_space<vmem>>
      %dma_start3A_368 = arith.constant 0 : i32
      %dma_start3A_369 = tpu.memref_slice %arg19[%dma_start3A_364, %dma_start3A_368] : memref<8x128xi32, #tpu.memory_space<vmem>> -> memref<1x128xi32, #tpu.memory_space<vmem>>
      %dma_start3A_370 = tpu.memref_squeeze %dma_start3A_369 : memref<1x128xi32, #tpu.memory_space<vmem>> -> memref<128xi32, #tpu.memory_space<vmem>>
      %dma_start3A_371 = arith.constant 0 : i32
      %dma_start3A_372 = tpu.memref_slice %arg5[%dma_start3A_371] : memref<131072xi32, #tpu.memory_space<vmem_shared>> -> memref<131072xi32, #tpu.memory_space<vmem_shared>>
      tpu.enqueue_indirect_dma source(%dma_start3A_367 : memref<128xi32, #tpu.memory_space<vmem>>) target(%dma_start3A_372 : memref<131072xi32, #tpu.memory_space<vmem_shared>>) offsets(%dma_start3A_370 : memref<128xi32, #tpu.memory_space<vmem>>) semaphore(%arg20 : memref<!tpu.dma_semaphore, #tpu.memory_space<semaphore_mem>>)
      %dma_start3A_373 = arith.constant 5 : i32
      %dma_start3A_374 = arith.constant 5 : i32
      %dma_start3A_375 = arith.constant 0 : i32
      %dma_start3A_376 = tpu.memref_slice %arg18[%dma_start3A_373, %dma_start3A_375] : memref<8x128xi32, #tpu.memory_space<vmem>> -> memref<1x128xi32, #tpu.memory_space<vmem>>
      %dma_start3A_377 = tpu.memref_squeeze %dma_start3A_376 : memref<1x128xi32, #tpu.memory_space<vmem>> -> memref<128xi32, #tpu.memory_space<vmem>>
      %dma_start3A_378 = arith.constant 0 : i32
      %dma_start3A_379 = tpu.memref_slice %arg19[%dma_start3A_374, %dma_start3A_378] : memref<8x128xi32, #tpu.memory_space<vmem>> -> memref<1x128xi32, #tpu.memory_space<vmem>>
      %dma_start3A_380 = tpu.memref_squeeze %dma_start3A_379 : memref<1x128xi32, #tpu.memory_space<vmem>> -> memref<128xi32, #tpu.memory_space<vmem>>
      %dma_start3A_381 = arith.constant 0 : i32
      %dma_start3A_382 = tpu.memref_slice %arg5[%dma_start3A_381] : memref<131072xi32, #tpu.memory_space<vmem_shared>> -> memref<131072xi32, #tpu.memory_space<vmem_shared>>
      tpu.enqueue_indirect_dma source(%dma_start3A_377 : memref<128xi32, #tpu.memory_space<vmem>>) target(%dma_start3A_382 : memref<131072xi32, #tpu.memory_space<vmem_shared>>) offsets(%dma_start3A_380 : memref<128xi32, #tpu.memory_space<vmem>>) semaphore(%arg20 : memref<!tpu.dma_semaphore, #tpu.memory_space<semaphore_mem>>)
      %dma_start3A_383 = arith.constant 6 : i32
      %dma_start3A_384 = arith.constant 6 : i32
      %dma_start3A_385 = arith.constant 0 : i32
      %dma_start3A_386 = tpu.memref_slice %arg18[%dma_start3A_383, %dma_start3A_385] : memref<8x128xi32, #tpu.memory_space<vmem>> -> memref<1x128xi32, #tpu.memory_space<vmem>>
      %dma_start3A_387 = tpu.memref_squeeze %dma_start3A_386 : memref<1x128xi32, #tpu.memory_space<vmem>> -> memref<128xi32, #tpu.memory_space<vmem>>
      %dma_start3A_388 = arith.constant 0 : i32
      %dma_start3A_389 = tpu.memref_slice %arg19[%dma_start3A_384, %dma_start3A_388] : memref<8x128xi32, #tpu.memory_space<vmem>> -> memref<1x128xi32, #tpu.memory_space<vmem>>
      %dma_start3A_390 = tpu.memref_squeeze %dma_start3A_389 : memref<1x128xi32, #tpu.memory_space<vmem>> -> memref<128xi32, #tpu.memory_space<vmem>>
      %dma_start3A_391 = arith.constant 0 : i32
      %dma_start3A_392 = tpu.memref_slice %arg5[%dma_start3A_391] : memref<131072xi32, #tpu.memory_space<vmem_shared>> -> memref<131072xi32, #tpu.memory_space<vmem_shared>>
      tpu.enqueue_indirect_dma source(%dma_start3A_387 : memref<128xi32, #tpu.memory_space<vmem>>) target(%dma_start3A_392 : memref<131072xi32, #tpu.memory_space<vmem_shared>>) offsets(%dma_start3A_390 : memref<128xi32, #tpu.memory_space<vmem>>) semaphore(%arg20 : memref<!tpu.dma_semaphore, #tpu.memory_space<semaphore_mem>>)
      %dma_start3A_393 = arith.constant 7 : i32
      %dma_start3A_394 = arith.constant 7 : i32
      %dma_start3A_395 = arith.constant 0 : i32
      %dma_start3A_396 = tpu.memref_slice %arg18[%dma_start3A_393, %dma_start3A_395] : memref<8x128xi32, #tpu.memory_space<vmem>> -> memref<1x128xi32, #tpu.memory_space<vmem>>
      %dma_start3A_397 = tpu.memref_squeeze %dma_start3A_396 : memref<1x128xi32, #tpu.memory_space<vmem>> -> memref<128xi32, #tpu.memory_space<vmem>>
      %dma_start3A_398 = arith.constant 0 : i32
      %dma_start3A_399 = tpu.memref_slice %arg19[%dma_start3A_394, %dma_start3A_398] : memref<8x128xi32, #tpu.memory_space<vmem>> -> memref<1x128xi32, #tpu.memory_space<vmem>>
      %dma_start3A_400 = tpu.memref_squeeze %dma_start3A_399 : memref<1x128xi32, #tpu.memory_space<vmem>> -> memref<128xi32, #tpu.memory_space<vmem>>
      %dma_start3A_401 = arith.constant 0 : i32
      %dma_start3A_402 = tpu.memref_slice %arg5[%dma_start3A_401] : memref<131072xi32, #tpu.memory_space<vmem_shared>> -> memref<131072xi32, #tpu.memory_space<vmem_shared>>
      tpu.enqueue_indirect_dma source(%dma_start3A_397 : memref<128xi32, #tpu.memory_space<vmem>>) target(%dma_start3A_402 : memref<131072xi32, #tpu.memory_space<vmem_shared>>) offsets(%dma_start3A_400 : memref<128xi32, #tpu.memory_space<vmem>>) semaphore(%arg20 : memref<!tpu.dma_semaphore, #tpu.memory_space<semaphore_mem>>)
      %dma_wait3A = arith.constant 0 : i32
      %dma_wait3A_403 = arith.constant 0 : i32
      %dma_wait3A_404 = arith.constant 0 : i32
      %dma_wait3A_405 = tpu.memref_slice %arg18[%dma_wait3A, %dma_wait3A_404] : memref<8x128xi32, #tpu.memory_space<vmem>> -> memref<1x128xi32, #tpu.memory_space<vmem>>
      %dma_wait3A_406 = tpu.memref_squeeze %dma_wait3A_405 : memref<1x128xi32, #tpu.memory_space<vmem>> -> memref<128xi32, #tpu.memory_space<vmem>>
      %dma_wait3A_407 = arith.constant 0 : i32
      %dma_wait3A_408 = tpu.memref_slice %arg19[%dma_wait3A_403, %dma_wait3A_407] : memref<8x128xi32, #tpu.memory_space<vmem>> -> memref<1x128xi32, #tpu.memory_space<vmem>>
      %dma_wait3A_409 = tpu.memref_squeeze %dma_wait3A_408 : memref<1x128xi32, #tpu.memory_space<vmem>> -> memref<128xi32, #tpu.memory_space<vmem>>
      %dma_wait3A_410 = arith.constant 0 : i32
      %dma_wait3A_411 = tpu.memref_slice %arg5[%dma_wait3A_410] : memref<131072xi32, #tpu.memory_space<vmem_shared>> -> memref<131072xi32, #tpu.memory_space<vmem_shared>>
      tpu.wait_indirect_dma semaphore(%arg20 : memref<!tpu.dma_semaphore, #tpu.memory_space<semaphore_mem>>) src(%dma_wait3A_406 : memref<128xi32, #tpu.memory_space<vmem>>) dst(%dma_wait3A_411 : memref<131072xi32, #tpu.memory_space<vmem_shared>>)
      %dma_wait3A_412 = arith.constant 1 : i32
      %dma_wait3A_413 = arith.constant 1 : i32
      %dma_wait3A_414 = arith.constant 0 : i32
      %dma_wait3A_415 = tpu.memref_slice %arg18[%dma_wait3A_412, %dma_wait3A_414] : memref<8x128xi32, #tpu.memory_space<vmem>> -> memref<1x128xi32, #tpu.memory_space<vmem>>
      %dma_wait3A_416 = tpu.memref_squeeze %dma_wait3A_415 : memref<1x128xi32, #tpu.memory_space<vmem>> -> memref<128xi32, #tpu.memory_space<vmem>>
      %dma_wait3A_417 = arith.constant 0 : i32
      %dma_wait3A_418 = tpu.memref_slice %arg19[%dma_wait3A_413, %dma_wait3A_417] : memref<8x128xi32, #tpu.memory_space<vmem>> -> memref<1x128xi32, #tpu.memory_space<vmem>>
      %dma_wait3A_419 = tpu.memref_squeeze %dma_wait3A_418 : memref<1x128xi32, #tpu.memory_space<vmem>> -> memref<128xi32, #tpu.memory_space<vmem>>
      %dma_wait3A_420 = arith.constant 0 : i32
      %dma_wait3A_421 = tpu.memref_slice %arg5[%dma_wait3A_420] : memref<131072xi32, #tpu.memory_space<vmem_shared>> -> memref<131072xi32, #tpu.memory_space<vmem_shared>>
      tpu.wait_indirect_dma semaphore(%arg20 : memref<!tpu.dma_semaphore, #tpu.memory_space<semaphore_mem>>) src(%dma_wait3A_416 : memref<128xi32, #tpu.memory_space<vmem>>) dst(%dma_wait3A_421 : memref<131072xi32, #tpu.memory_space<vmem_shared>>)
      %dma_wait3A_422 = arith.constant 2 : i32
      %dma_wait3A_423 = arith.constant 2 : i32
      %dma_wait3A_424 = arith.constant 0 : i32
      %dma_wait3A_425 = tpu.memref_slice %arg18[%dma_wait3A_422, %dma_wait3A_424] : memref<8x128xi32, #tpu.memory_space<vmem>> -> memref<1x128xi32, #tpu.memory_space<vmem>>
      %dma_wait3A_426 = tpu.memref_squeeze %dma_wait3A_425 : memref<1x128xi32, #tpu.memory_space<vmem>> -> memref<128xi32, #tpu.memory_space<vmem>>
      %dma_wait3A_427 = arith.constant 0 : i32
      %dma_wait3A_428 = tpu.memref_slice %arg19[%dma_wait3A_423, %dma_wait3A_427] : memref<8x128xi32, #tpu.memory_space<vmem>> -> memref<1x128xi32, #tpu.memory_space<vmem>>
      %dma_wait3A_429 = tpu.memref_squeeze %dma_wait3A_428 : memref<1x128xi32, #tpu.memory_space<vmem>> -> memref<128xi32, #tpu.memory_space<vmem>>
      %dma_wait3A_430 = arith.constant 0 : i32
      %dma_wait3A_431 = tpu.memref_slice %arg5[%dma_wait3A_430] : memref<131072xi32, #tpu.memory_space<vmem_shared>> -> memref<131072xi32, #tpu.memory_space<vmem_shared>>
      tpu.wait_indirect_dma semaphore(%arg20 : memref<!tpu.dma_semaphore, #tpu.memory_space<semaphore_mem>>) src(%dma_wait3A_426 : memref<128xi32, #tpu.memory_space<vmem>>) dst(%dma_wait3A_431 : memref<131072xi32, #tpu.memory_space<vmem_shared>>)
      %dma_wait3A_432 = arith.constant 3 : i32
      %dma_wait3A_433 = arith.constant 3 : i32
      %dma_wait3A_434 = arith.constant 0 : i32
      %dma_wait3A_435 = tpu.memref_slice %arg18[%dma_wait3A_432, %dma_wait3A_434] : memref<8x128xi32, #tpu.memory_space<vmem>> -> memref<1x128xi32, #tpu.memory_space<vmem>>
      %dma_wait3A_436 = tpu.memref_squeeze %dma_wait3A_435 : memref<1x128xi32, #tpu.memory_space<vmem>> -> memref<128xi32, #tpu.memory_space<vmem>>
      %dma_wait3A_437 = arith.constant 0 : i32
      %dma_wait3A_438 = tpu.memref_slice %arg19[%dma_wait3A_433, %dma_wait3A_437] : memref<8x128xi32, #tpu.memory_space<vmem>> -> memref<1x128xi32, #tpu.memory_space<vmem>>
      %dma_wait3A_439 = tpu.memref_squeeze %dma_wait3A_438 : memref<1x128xi32, #tpu.memory_space<vmem>> -> memref<128xi32, #tpu.memory_space<vmem>>
      %dma_wait3A_440 = arith.constant 0 : i32
      %dma_wait3A_441 = tpu.memref_slice %arg5[%dma_wait3A_440] : memref<131072xi32, #tpu.memory_space<vmem_shared>> -> memref<131072xi32, #tpu.memory_space<vmem_shared>>
      tpu.wait_indirect_dma semaphore(%arg20 : memref<!tpu.dma_semaphore, #tpu.memory_space<semaphore_mem>>) src(%dma_wait3A_436 : memref<128xi32, #tpu.memory_space<vmem>>) dst(%dma_wait3A_441 : memref<131072xi32, #tpu.memory_space<vmem_shared>>)
      %dma_wait3A_442 = arith.constant 4 : i32
      %dma_wait3A_443 = arith.constant 4 : i32
      %dma_wait3A_444 = arith.constant 0 : i32
      %dma_wait3A_445 = tpu.memref_slice %arg18[%dma_wait3A_442, %dma_wait3A_444] : memref<8x128xi32, #tpu.memory_space<vmem>> -> memref<1x128xi32, #tpu.memory_space<vmem>>
      %dma_wait3A_446 = tpu.memref_squeeze %dma_wait3A_445 : memref<1x128xi32, #tpu.memory_space<vmem>> -> memref<128xi32, #tpu.memory_space<vmem>>
      %dma_wait3A_447 = arith.constant 0 : i32
      %dma_wait3A_448 = tpu.memref_slice %arg19[%dma_wait3A_443, %dma_wait3A_447] : memref<8x128xi32, #tpu.memory_space<vmem>> -> memref<1x128xi32, #tpu.memory_space<vmem>>
      %dma_wait3A_449 = tpu.memref_squeeze %dma_wait3A_448 : memref<1x128xi32, #tpu.memory_space<vmem>> -> memref<128xi32, #tpu.memory_space<vmem>>
      %dma_wait3A_450 = arith.constant 0 : i32
      %dma_wait3A_451 = tpu.memref_slice %arg5[%dma_wait3A_450] : memref<131072xi32, #tpu.memory_space<vmem_shared>> -> memref<131072xi32, #tpu.memory_space<vmem_shared>>
      tpu.wait_indirect_dma semaphore(%arg20 : memref<!tpu.dma_semaphore, #tpu.memory_space<semaphore_mem>>) src(%dma_wait3A_446 : memref<128xi32, #tpu.memory_space<vmem>>) dst(%dma_wait3A_451 : memref<131072xi32, #tpu.memory_space<vmem_shared>>)
      %dma_wait3A_452 = arith.constant 5 : i32
      %dma_wait3A_453 = arith.constant 5 : i32
      %dma_wait3A_454 = arith.constant 0 : i32
      %dma_wait3A_455 = tpu.memref_slice %arg18[%dma_wait3A_452, %dma_wait3A_454] : memref<8x128xi32, #tpu.memory_space<vmem>> -> memref<1x128xi32, #tpu.memory_space<vmem>>
      %dma_wait3A_456 = tpu.memref_squeeze %dma_wait3A_455 : memref<1x128xi32, #tpu.memory_space<vmem>> -> memref<128xi32, #tpu.memory_space<vmem>>
      %dma_wait3A_457 = arith.constant 0 : i32
      %dma_wait3A_458 = tpu.memref_slice %arg19[%dma_wait3A_453, %dma_wait3A_457] : memref<8x128xi32, #tpu.memory_space<vmem>> -> memref<1x128xi32, #tpu.memory_space<vmem>>
      %dma_wait3A_459 = tpu.memref_squeeze %dma_wait3A_458 : memref<1x128xi32, #tpu.memory_space<vmem>> -> memref<128xi32, #tpu.memory_space<vmem>>
      %dma_wait3A_460 = arith.constant 0 : i32
      %dma_wait3A_461 = tpu.memref_slice %arg5[%dma_wait3A_460] : memref<131072xi32, #tpu.memory_space<vmem_shared>> -> memref<131072xi32, #tpu.memory_space<vmem_shared>>
      tpu.wait_indirect_dma semaphore(%arg20 : memref<!tpu.dma_semaphore, #tpu.memory_space<semaphore_mem>>) src(%dma_wait3A_456 : memref<128xi32, #tpu.memory_space<vmem>>) dst(%dma_wait3A_461 : memref<131072xi32, #tpu.memory_space<vmem_shared>>)
      %dma_wait3A_462 = arith.constant 6 : i32
      %dma_wait3A_463 = arith.constant 6 : i32
      %dma_wait3A_464 = arith.constant 0 : i32
      %dma_wait3A_465 = tpu.memref_slice %arg18[%dma_wait3A_462, %dma_wait3A_464] : memref<8x128xi32, #tpu.memory_space<vmem>> -> memref<1x128xi32, #tpu.memory_space<vmem>>
      %dma_wait3A_466 = tpu.memref_squeeze %dma_wait3A_465 : memref<1x128xi32, #tpu.memory_space<vmem>> -> memref<128xi32, #tpu.memory_space<vmem>>
      %dma_wait3A_467 = arith.constant 0 : i32
      %dma_wait3A_468 = tpu.memref_slice %arg19[%dma_wait3A_463, %dma_wait3A_467] : memref<8x128xi32, #tpu.memory_space<vmem>> -> memref<1x128xi32, #tpu.memory_space<vmem>>
      %dma_wait3A_469 = tpu.memref_squeeze %dma_wait3A_468 : memref<1x128xi32, #tpu.memory_space<vmem>> -> memref<128xi32, #tpu.memory_space<vmem>>
      %dma_wait3A_470 = arith.constant 0 : i32
      %dma_wait3A_471 = tpu.memref_slice %arg5[%dma_wait3A_470] : memref<131072xi32, #tpu.memory_space<vmem_shared>> -> memref<131072xi32, #tpu.memory_space<vmem_shared>>
      tpu.wait_indirect_dma semaphore(%arg20 : memref<!tpu.dma_semaphore, #tpu.memory_space<semaphore_mem>>) src(%dma_wait3A_466 : memref<128xi32, #tpu.memory_space<vmem>>) dst(%dma_wait3A_471 : memref<131072xi32, #tpu.memory_space<vmem_shared>>)
      %dma_wait3A_472 = arith.constant 7 : i32
      %dma_wait3A_473 = arith.constant 7 : i32
      %dma_wait3A_474 = arith.constant 0 : i32
      %dma_wait3A_475 = tpu.memref_slice %arg18[%dma_wait3A_472, %dma_wait3A_474] : memref<8x128xi32, #tpu.memory_space<vmem>> -> memref<1x128xi32, #tpu.memory_space<vmem>>
      %dma_wait3A_476 = tpu.memref_squeeze %dma_wait3A_475 : memref<1x128xi32, #tpu.memory_space<vmem>> -> memref<128xi32, #tpu.memory_space<vmem>>
      %dma_wait3A_477 = arith.constant 0 : i32
      %dma_wait3A_478 = tpu.memref_slice %arg19[%dma_wait3A_473, %dma_wait3A_477] : memref<8x128xi32, #tpu.memory_space<vmem>> -> memref<1x128xi32, #tpu.memory_space<vmem>>
      %dma_wait3A_479 = tpu.memref_squeeze %dma_wait3A_478 : memref<1x128xi32, #tpu.memory_space<vmem>> -> memref<128xi32, #tpu.memory_space<vmem>>
      %dma_wait3A_480 = arith.constant 0 : i32
      %dma_wait3A_481 = tpu.memref_slice %arg5[%dma_wait3A_480] : memref<131072xi32, #tpu.memory_space<vmem_shared>> -> memref<131072xi32, #tpu.memory_space<vmem_shared>>
      tpu.wait_indirect_dma semaphore(%arg20 : memref<!tpu.dma_semaphore, #tpu.memory_space<semaphore_mem>>) src(%dma_wait3A_476 : memref<128xi32, #tpu.memory_space<vmem>>) dst(%dma_wait3A_481 : memref<131072xi32, #tpu.memory_space<vmem_shared>>)
      %scan3A_482 = arith.constant 0 : i32
      scf.yield %scan3A_482 : i32
    }
    %scan3A_283 = arith.constant 8 : i32
    %barrier3A_284 = arith.constant 0 : index
    tpu.barrier barrier_id(%barrier3A_284)
    %mul3A_285 = arith.constant 32768 : i32
    %mul3A_286 = arith.muli %and3A_2, %mul3A_285 : i32
    %add3A_287 = arith.addi %mul3A_286, %mul3A_9 : i32
    "tpu.region"() ({
      %run_scoped3A_315 = tpu.sem_alloc : memref<!tpu.dma_semaphore, #tpu.memory_space<semaphore_mem>>
      %dma_start3A = tpu.memref_slice %arg5[%add3A_287] : memref<131072xi32, #tpu.memory_space<vmem_shared>> -> memref<8192xi32, #tpu.memory_space<vmem_shared>>
      %dma_start3A_316 = tpu.memref_slice %arg5[%add3A_287] : memref<131072xi32, #tpu.memory_space<vmem_shared>> -> memref<8192xi32, #tpu.memory_space<vmem_shared>>
      tpu.enqueue_dma source(%dma_start3A_316 : memref<8192xi32, #tpu.memory_space<vmem_shared>>) target(%arg13 : memref<8192xi32, #tpu.memory_space<vmem>>) target_semaphore(%run_scoped3A_315 : memref<!tpu.dma_semaphore, #tpu.memory_space<semaphore_mem>>)
      %dma_wait3A = tpu.memref_slice %arg5[%add3A_287] : memref<131072xi32, #tpu.memory_space<vmem_shared>> -> memref<8192xi32, #tpu.memory_space<vmem_shared>>
      %dma_wait3A_317 = tpu.memref_slice %arg5[%add3A_287] : memref<131072xi32, #tpu.memory_space<vmem_shared>> -> memref<8192xi32, #tpu.memory_space<vmem_shared>>
      tpu.wait_dma2 semaphore(%run_scoped3A_315 : memref<!tpu.dma_semaphore, #tpu.memory_space<semaphore_mem>>) src(%dma_wait3A_317 : memref<8192xi32, #tpu.memory_space<vmem_shared>>) dst(%arg13 : memref<8192xi32, #tpu.memory_space<vmem>>)
      tpu.yield
    }) : () -> ()
    %run_scoped3A_288 = arith.constant 0 : i32
    "tpu.region"() ({
      %run_scoped3A_315 = tpu.sem_alloc : memref<!tpu.dma_semaphore, #tpu.memory_space<semaphore_mem>>
      %dma_start3A = arith.constant 0 : i32
      %dma_start3A_316 = tpu.memref_slice %arg2[%shift_right_arithmetic3A_1, %run_scoped3A_288, %dma_start3A] : memref<8x3x32768xi32, #tpu.memory_space<hbm>> -> memref<1x1x32768xi32, #tpu.memory_space<hbm>>
      %dma_start3A_317 = tpu.memref_squeeze %dma_start3A_316 : memref<1x1x32768xi32, #tpu.memory_space<hbm>> -> memref<32768xi32, #tpu.memory_space<hbm>>
      %dma_start3A_318 = arith.constant 0 : i32
      %dma_start3A_319 = tpu.memref_slice %arg2[%shift_right_arithmetic3A_1, %run_scoped3A_288, %dma_start3A_318] : memref<8x3x32768xi32, #tpu.memory_space<hbm>> -> memref<1x1x32768xi32, #tpu.memory_space<hbm>>
      %dma_start3A_320 = tpu.memref_squeeze %dma_start3A_319 : memref<1x1x32768xi32, #tpu.memory_space<hbm>> -> memref<32768xi32, #tpu.memory_space<hbm>>
      tpu.enqueue_dma source(%dma_start3A_320 : memref<32768xi32, #tpu.memory_space<hbm>>) target(%arg9 : memref<32768xi32, #tpu.memory_space<vmem>>) target_semaphore(%run_scoped3A_315 : memref<!tpu.dma_semaphore, #tpu.memory_space<semaphore_mem>>)
      %dma_wait3A = arith.constant 0 : i32
      %dma_wait3A_321 = tpu.memref_slice %arg2[%shift_right_arithmetic3A_1, %run_scoped3A_288, %dma_wait3A] : memref<8x3x32768xi32, #tpu.memory_space<hbm>> -> memref<1x1x32768xi32, #tpu.memory_space<hbm>>
      %dma_wait3A_322 = tpu.memref_squeeze %dma_wait3A_321 : memref<1x1x32768xi32, #tpu.memory_space<hbm>> -> memref<32768xi32, #tpu.memory_space<hbm>>
      %dma_wait3A_323 = arith.constant 0 : i32
      %dma_wait3A_324 = tpu.memref_slice %arg2[%shift_right_arithmetic3A_1, %run_scoped3A_288, %dma_wait3A_323] : memref<8x3x32768xi32, #tpu.memory_space<hbm>> -> memref<1x1x32768xi32, #tpu.memory_space<hbm>>
      %dma_wait3A_325 = tpu.memref_squeeze %dma_wait3A_324 : memref<1x1x32768xi32, #tpu.memory_space<hbm>> -> memref<32768xi32, #tpu.memory_space<hbm>>
      tpu.wait_dma2 semaphore(%run_scoped3A_315 : memref<!tpu.dma_semaphore, #tpu.memory_space<semaphore_mem>>) src(%dma_wait3A_325 : memref<32768xi32, #tpu.memory_space<hbm>>) dst(%arg9 : memref<32768xi32, #tpu.memory_space<vmem>>)
      tpu.yield
    }) : () -> ()
    %scan3A_289 = arith.constant 0 : i32
    %scan3A_290 = arith.constant 0 : i32
    %scan3A_291 = arith.constant 512 : i32
    %scan3A_292 = arith.addi %scan3A_290, %scan3A_291 : i32
    %scan3A_293 = arith.constant 1 : i32
    %scan3A_294 = scf.for %scan3A_315 = %scan3A_290 to %scan3A_292 step %scan3A_293 iter_args(%scan3A_316 = %scan3A_289) -> (i32)  : i32 {
      %mul3A_317 = arith.constant 16 : i32
      %mul3A_318 = arith.muli %scan3A_315, %mul3A_317 : i32
      %get3A_319 = arith.index_cast %mul3A_318 : i32 to index
      %get3A_320 = tpu.vector_load %arg13[%get3A_319] {strides = array<i32>} : memref<8192xi32, #tpu.memory_space<vmem>>, vector<16xi32>,
      %gather3A = tpu.vector_load_idx %arg9[%get3A_320] : memref<32768xi32, #tpu.memory_space<vmem>>[vector<16xi32>], vector<16xi32>,
      %swap3A_321 = arith.index_cast %mul3A_318 : i32 to index
      %swap3A_322 = tpu.vector_load %arg11[%swap3A_321] {strides = array<i32>} : memref<8192xi32, #tpu.memory_space<vmem>>, vector<16xi32>,
      tpu.vector_store %arg11[%swap3A_321], %gather3A {strides = array<i32>} : memref<8192xi32, #tpu.memory_space<vmem>>, vector<16xi32>,
      %scan3A_323 = arith.constant 0 : i32
      scf.yield %scan3A_323 : i32
    }
    %scan3A_295 = arith.constant 512 : i32
    %run_scoped3A_296 = arith.constant 0 : i32
    "tpu.region"() ({
      %run_scoped3A_315 = tpu.sem_alloc : memref<!tpu.dma_semaphore, #tpu.memory_space<semaphore_mem>>
      %dma_start3A = tpu.memref_slice %arg3[%shift_right_arithmetic3A_1, %run_scoped3A_296, %mul3A_9] : memref<8x3x32768xi32, #tpu.memory_space<hbm>> -> memref<1x1x8192xi32, #tpu.memory_space<hbm>>
      %dma_start3A_316 = tpu.memref_squeeze %dma_start3A : memref<1x1x8192xi32, #tpu.memory_space<hbm>> -> memref<8192xi32, #tpu.memory_space<hbm>>
      %dma_start3A_317 = tpu.memref_slice %arg3[%shift_right_arithmetic3A_1, %run_scoped3A_296, %mul3A_9] : memref<8x3x32768xi32, #tpu.memory_space<hbm>> -> memref<1x1x8192xi32, #tpu.memory_space<hbm>>
      %dma_start3A_318 = tpu.memref_squeeze %dma_start3A_317 : memref<1x1x8192xi32, #tpu.memory_space<hbm>> -> memref<8192xi32, #tpu.memory_space<hbm>>
      tpu.enqueue_dma source(%arg11 : memref<8192xi32, #tpu.memory_space<vmem>>) target(%dma_start3A_318 : memref<8192xi32, #tpu.memory_space<hbm>>) target_semaphore(%run_scoped3A_315 : memref<!tpu.dma_semaphore, #tpu.memory_space<semaphore_mem>>)
      %dma_wait3A = tpu.memref_slice %arg3[%shift_right_arithmetic3A_1, %run_scoped3A_296, %mul3A_9] : memref<8x3x32768xi32, #tpu.memory_space<hbm>> -> memref<1x1x8192xi32, #tpu.memory_space<hbm>>
      %dma_wait3A_319 = tpu.memref_squeeze %dma_wait3A : memref<1x1x8192xi32, #tpu.memory_space<hbm>> -> memref<8192xi32, #tpu.memory_space<hbm>>
      %dma_wait3A_320 = tpu.memref_slice %arg3[%shift_right_arithmetic3A_1, %run_scoped3A_296, %mul3A_9] : memref<8x3x32768xi32, #tpu.memory_space<hbm>> -> memref<1x1x8192xi32, #tpu.memory_space<hbm>>
      %dma_wait3A_321 = tpu.memref_squeeze %dma_wait3A_320 : memref<1x1x8192xi32, #tpu.memory_space<hbm>> -> memref<8192xi32, #tpu.memory_space<hbm>>
      tpu.wait_dma2 semaphore(%run_scoped3A_315 : memref<!tpu.dma_semaphore, #tpu.memory_space<semaphore_mem>>) src(%arg11 : memref<8192xi32, #tpu.memory_space<vmem>>) dst(%dma_wait3A_321 : memref<8192xi32, #tpu.memory_space<hbm>>)
      tpu.yield
    }) : () -> ()
    %run_scoped3A_297 = arith.constant 1 : i32
    "tpu.region"() ({
      %run_scoped3A_315 = tpu.sem_alloc : memref<!tpu.dma_semaphore, #tpu.memory_space<semaphore_mem>>
      %dma_start3A = arith.constant 0 : i32
      %dma_start3A_316 = tpu.memref_slice %arg2[%shift_right_arithmetic3A_1, %run_scoped3A_297, %dma_start3A] : memref<8x3x32768xi32, #tpu.memory_space<hbm>> -> memref<1x1x32768xi32, #tpu.memory_space<hbm>>
      %dma_start3A_317 = tpu.memref_squeeze %dma_start3A_316 : memref<1x1x32768xi32, #tpu.memory_space<hbm>> -> memref<32768xi32, #tpu.memory_space<hbm>>
      %dma_start3A_318 = arith.constant 0 : i32
      %dma_start3A_319 = tpu.memref_slice %arg2[%shift_right_arithmetic3A_1, %run_scoped3A_297, %dma_start3A_318] : memref<8x3x32768xi32, #tpu.memory_space<hbm>> -> memref<1x1x32768xi32, #tpu.memory_space<hbm>>
      %dma_start3A_320 = tpu.memref_squeeze %dma_start3A_319 : memref<1x1x32768xi32, #tpu.memory_space<hbm>> -> memref<32768xi32, #tpu.memory_space<hbm>>
      tpu.enqueue_dma source(%dma_start3A_320 : memref<32768xi32, #tpu.memory_space<hbm>>) target(%arg9 : memref<32768xi32, #tpu.memory_space<vmem>>) target_semaphore(%run_scoped3A_315 : memref<!tpu.dma_semaphore, #tpu.memory_space<semaphore_mem>>)
      %dma_wait3A = arith.constant 0 : i32
      %dma_wait3A_321 = tpu.memref_slice %arg2[%shift_right_arithmetic3A_1, %run_scoped3A_297, %dma_wait3A] : memref<8x3x32768xi32, #tpu.memory_space<hbm>> -> memref<1x1x32768xi32, #tpu.memory_space<hbm>>
      %dma_wait3A_322 = tpu.memref_squeeze %dma_wait3A_321 : memref<1x1x32768xi32, #tpu.memory_space<hbm>> -> memref<32768xi32, #tpu.memory_space<hbm>>
      %dma_wait3A_323 = arith.constant 0 : i32
      %dma_wait3A_324 = tpu.memref_slice %arg2[%shift_right_arithmetic3A_1, %run_scoped3A_297, %dma_wait3A_323] : memref<8x3x32768xi32, #tpu.memory_space<hbm>> -> memref<1x1x32768xi32, #tpu.memory_space<hbm>>
      %dma_wait3A_325 = tpu.memref_squeeze %dma_wait3A_324 : memref<1x1x32768xi32, #tpu.memory_space<hbm>> -> memref<32768xi32, #tpu.memory_space<hbm>>
      tpu.wait_dma2 semaphore(%run_scoped3A_315 : memref<!tpu.dma_semaphore, #tpu.memory_space<semaphore_mem>>) src(%dma_wait3A_325 : memref<32768xi32, #tpu.memory_space<hbm>>) dst(%arg9 : memref<32768xi32, #tpu.memory_space<vmem>>)
      tpu.yield
    }) : () -> ()
    %scan3A_298 = arith.constant 0 : i32
    %scan3A_299 = arith.constant 0 : i32
    %scan3A_300 = arith.constant 512 : i32
    %scan3A_301 = arith.addi %scan3A_299, %scan3A_300 : i32
    %scan3A_302 = arith.constant 1 : i32
    %scan3A_303 = scf.for %scan3A_315 = %scan3A_299 to %scan3A_301 step %scan3A_302 iter_args(%scan3A_316 = %scan3A_298) -> (i32)  : i32 {
      %mul3A_317 = arith.constant 16 : i32
      %mul3A_318 = arith.muli %scan3A_315, %mul3A_317 : i32
      %get3A_319 = arith.index_cast %mul3A_318 : i32 to index
      %get3A_320 = tpu.vector_load %arg13[%get3A_319] {strides = array<i32>} : memref<8192xi32, #tpu.memory_space<vmem>>, vector<16xi32>,
      %gather3A = tpu.vector_load_idx %arg9[%get3A_320] : memref<32768xi32, #tpu.memory_space<vmem>>[vector<16xi32>], vector<16xi32>,
      %swap3A_321 = arith.index_cast %mul3A_318 : i32 to index
      %swap3A_322 = tpu.vector_load %arg11[%swap3A_321] {strides = array<i32>} : memref<8192xi32, #tpu.memory_space<vmem>>, vector<16xi32>,
      tpu.vector_store %arg11[%swap3A_321], %gather3A {strides = array<i32>} : memref<8192xi32, #tpu.memory_space<vmem>>, vector<16xi32>,
      %scan3A_323 = arith.constant 0 : i32
      scf.yield %scan3A_323 : i32
    }
    %scan3A_304 = arith.constant 512 : i32
    %run_scoped3A_305 = arith.constant 1 : i32
    "tpu.region"() ({
      %run_scoped3A_315 = tpu.sem_alloc : memref<!tpu.dma_semaphore, #tpu.memory_space<semaphore_mem>>
      %dma_start3A = tpu.memref_slice %arg3[%shift_right_arithmetic3A_1, %run_scoped3A_305, %mul3A_9] : memref<8x3x32768xi32, #tpu.memory_space<hbm>> -> memref<1x1x8192xi32, #tpu.memory_space<hbm>>
      %dma_start3A_316 = tpu.memref_squeeze %dma_start3A : memref<1x1x8192xi32, #tpu.memory_space<hbm>> -> memref<8192xi32, #tpu.memory_space<hbm>>
      %dma_start3A_317 = tpu.memref_slice %arg3[%shift_right_arithmetic3A_1, %run_scoped3A_305, %mul3A_9] : memref<8x3x32768xi32, #tpu.memory_space<hbm>> -> memref<1x1x8192xi32, #tpu.memory_space<hbm>>
      %dma_start3A_318 = tpu.memref_squeeze %dma_start3A_317 : memref<1x1x8192xi32, #tpu.memory_space<hbm>> -> memref<8192xi32, #tpu.memory_space<hbm>>
      tpu.enqueue_dma source(%arg11 : memref<8192xi32, #tpu.memory_space<vmem>>) target(%dma_start3A_318 : memref<8192xi32, #tpu.memory_space<hbm>>) target_semaphore(%run_scoped3A_315 : memref<!tpu.dma_semaphore, #tpu.memory_space<semaphore_mem>>)
      %dma_wait3A = tpu.memref_slice %arg3[%shift_right_arithmetic3A_1, %run_scoped3A_305, %mul3A_9] : memref<8x3x32768xi32, #tpu.memory_space<hbm>> -> memref<1x1x8192xi32, #tpu.memory_space<hbm>>
      %dma_wait3A_319 = tpu.memref_squeeze %dma_wait3A : memref<1x1x8192xi32, #tpu.memory_space<hbm>> -> memref<8192xi32, #tpu.memory_space<hbm>>
      %dma_wait3A_320 = tpu.memref_slice %arg3[%shift_right_arithmetic3A_1, %run_scoped3A_305, %mul3A_9] : memref<8x3x32768xi32, #tpu.memory_space<hbm>> -> memref<1x1x8192xi32, #tpu.memory_space<hbm>>
      %dma_wait3A_321 = tpu.memref_squeeze %dma_wait3A_320 : memref<1x1x8192xi32, #tpu.memory_space<hbm>> -> memref<8192xi32, #tpu.memory_space<hbm>>
      tpu.wait_dma2 semaphore(%run_scoped3A_315 : memref<!tpu.dma_semaphore, #tpu.memory_space<semaphore_mem>>) src(%arg11 : memref<8192xi32, #tpu.memory_space<vmem>>) dst(%dma_wait3A_321 : memref<8192xi32, #tpu.memory_space<hbm>>)
      tpu.yield
    }) : () -> ()
    %run_scoped3A_306 = arith.constant 2 : i32
    "tpu.region"() ({
      %run_scoped3A_315 = tpu.sem_alloc : memref<!tpu.dma_semaphore, #tpu.memory_space<semaphore_mem>>
      %dma_start3A = arith.constant 0 : i32
      %dma_start3A_316 = tpu.memref_slice %arg2[%shift_right_arithmetic3A_1, %run_scoped3A_306, %dma_start3A] : memref<8x3x32768xi32, #tpu.memory_space<hbm>> -> memref<1x1x32768xi32, #tpu.memory_space<hbm>>
      %dma_start3A_317 = tpu.memref_squeeze %dma_start3A_316 : memref<1x1x32768xi32, #tpu.memory_space<hbm>> -> memref<32768xi32, #tpu.memory_space<hbm>>
      %dma_start3A_318 = arith.constant 0 : i32
      %dma_start3A_319 = tpu.memref_slice %arg2[%shift_right_arithmetic3A_1, %run_scoped3A_306, %dma_start3A_318] : memref<8x3x32768xi32, #tpu.memory_space<hbm>> -> memref<1x1x32768xi32, #tpu.memory_space<hbm>>
      %dma_start3A_320 = tpu.memref_squeeze %dma_start3A_319 : memref<1x1x32768xi32, #tpu.memory_space<hbm>> -> memref<32768xi32, #tpu.memory_space<hbm>>
      tpu.enqueue_dma source(%dma_start3A_320 : memref<32768xi32, #tpu.memory_space<hbm>>) target(%arg9 : memref<32768xi32, #tpu.memory_space<vmem>>) target_semaphore(%run_scoped3A_315 : memref<!tpu.dma_semaphore, #tpu.memory_space<semaphore_mem>>)
      %dma_wait3A = arith.constant 0 : i32
      %dma_wait3A_321 = tpu.memref_slice %arg2[%shift_right_arithmetic3A_1, %run_scoped3A_306, %dma_wait3A] : memref<8x3x32768xi32, #tpu.memory_space<hbm>> -> memref<1x1x32768xi32, #tpu.memory_space<hbm>>
      %dma_wait3A_322 = tpu.memref_squeeze %dma_wait3A_321 : memref<1x1x32768xi32, #tpu.memory_space<hbm>> -> memref<32768xi32, #tpu.memory_space<hbm>>
      %dma_wait3A_323 = arith.constant 0 : i32
      %dma_wait3A_324 = tpu.memref_slice %arg2[%shift_right_arithmetic3A_1, %run_scoped3A_306, %dma_wait3A_323] : memref<8x3x32768xi32, #tpu.memory_space<hbm>> -> memref<1x1x32768xi32, #tpu.memory_space<hbm>>
      %dma_wait3A_325 = tpu.memref_squeeze %dma_wait3A_324 : memref<1x1x32768xi32, #tpu.memory_space<hbm>> -> memref<32768xi32, #tpu.memory_space<hbm>>
      tpu.wait_dma2 semaphore(%run_scoped3A_315 : memref<!tpu.dma_semaphore, #tpu.memory_space<semaphore_mem>>) src(%dma_wait3A_325 : memref<32768xi32, #tpu.memory_space<hbm>>) dst(%arg9 : memref<32768xi32, #tpu.memory_space<vmem>>)
      tpu.yield
    }) : () -> ()
    %scan3A_307 = arith.constant 0 : i32
    %scan3A_308 = arith.constant 0 : i32
    %scan3A_309 = arith.constant 512 : i32
    %scan3A_310 = arith.addi %scan3A_308, %scan3A_309 : i32
    %scan3A_311 = arith.constant 1 : i32
    %scan3A_312 = scf.for %scan3A_315 = %scan3A_308 to %scan3A_310 step %scan3A_311 iter_args(%scan3A_316 = %scan3A_307) -> (i32)  : i32 {
      %mul3A_317 = arith.constant 16 : i32
      %mul3A_318 = arith.muli %scan3A_315, %mul3A_317 : i32
      %get3A_319 = arith.index_cast %mul3A_318 : i32 to index
      %get3A_320 = tpu.vector_load %arg13[%get3A_319] {strides = array<i32>} : memref<8192xi32, #tpu.memory_space<vmem>>, vector<16xi32>,
      %gather3A = tpu.vector_load_idx %arg9[%get3A_320] : memref<32768xi32, #tpu.memory_space<vmem>>[vector<16xi32>], vector<16xi32>,
      %swap3A_321 = arith.index_cast %mul3A_318 : i32 to index
      %swap3A_322 = tpu.vector_load %arg11[%swap3A_321] {strides = array<i32>} : memref<8192xi32, #tpu.memory_space<vmem>>, vector<16xi32>,
      tpu.vector_store %arg11[%swap3A_321], %gather3A {strides = array<i32>} : memref<8192xi32, #tpu.memory_space<vmem>>, vector<16xi32>,
      %scan3A_323 = arith.constant 0 : i32
      scf.yield %scan3A_323 : i32
    }
    %scan3A_313 = arith.constant 512 : i32
    %run_scoped3A_314 = arith.constant 2 : i32
    "tpu.region"() ({
      %run_scoped3A_315 = tpu.sem_alloc : memref<!tpu.dma_semaphore, #tpu.memory_space<semaphore_mem>>
      %dma_start3A = tpu.memref_slice %arg3[%shift_right_arithmetic3A_1, %run_scoped3A_314, %mul3A_9] : memref<8x3x32768xi32, #tpu.memory_space<hbm>> -> memref<1x1x8192xi32, #tpu.memory_space<hbm>>
      %dma_start3A_316 = tpu.memref_squeeze %dma_start3A : memref<1x1x8192xi32, #tpu.memory_space<hbm>> -> memref<8192xi32, #tpu.memory_space<hbm>>
      %dma_start3A_317 = tpu.memref_slice %arg3[%shift_right_arithmetic3A_1, %run_scoped3A_314, %mul3A_9] : memref<8x3x32768xi32, #tpu.memory_space<hbm>> -> memref<1x1x8192xi32, #tpu.memory_space<hbm>>
      %dma_start3A_318 = tpu.memref_squeeze %dma_start3A_317 : memref<1x1x8192xi32, #tpu.memory_space<hbm>> -> memref<8192xi32, #tpu.memory_space<hbm>>
      tpu.enqueue_dma source(%arg11 : memref<8192xi32, #tpu.memory_space<vmem>>) target(%dma_start3A_318 : memref<8192xi32, #tpu.memory_space<hbm>>) target_semaphore(%run_scoped3A_315 : memref<!tpu.dma_semaphore, #tpu.memory_space<semaphore_mem>>)
      %dma_wait3A = tpu.memref_slice %arg3[%shift_right_arithmetic3A_1, %run_scoped3A_314, %mul3A_9] : memref<8x3x32768xi32, #tpu.memory_space<hbm>> -> memref<1x1x8192xi32, #tpu.memory_space<hbm>>
      %dma_wait3A_319 = tpu.memref_squeeze %dma_wait3A : memref<1x1x8192xi32, #tpu.memory_space<hbm>> -> memref<8192xi32, #tpu.memory_space<hbm>>
      %dma_wait3A_320 = tpu.memref_slice %arg3[%shift_right_arithmetic3A_1, %run_scoped3A_314, %mul3A_9] : memref<8x3x32768xi32, #tpu.memory_space<hbm>> -> memref<1x1x8192xi32, #tpu.memory_space<hbm>>
      %dma_wait3A_321 = tpu.memref_squeeze %dma_wait3A_320 : memref<1x1x8192xi32, #tpu.memory_space<hbm>> -> memref<8192xi32, #tpu.memory_space<hbm>>
      tpu.wait_dma2 semaphore(%run_scoped3A_315 : memref<!tpu.dma_semaphore, #tpu.memory_space<semaphore_mem>>) src(%arg11 : memref<8192xi32, #tpu.memory_space<vmem>>) dst(%dma_wait3A_321 : memref<8192xi32, #tpu.memory_space<hbm>>)
      tpu.yield
    }) : () -> ()
    return
  }
}

</mosaic_0001>

<sc_bundles>
// kernel: kernel.3.cloned.1.call-start
scs
__scs_entry_jumppad:
0x0: {  	(pc) =	sbr.rel $0x88, $3  }
0x1: {  	(tag) =	ssettag $0x0;
	lr =	simm.s32 $0x1  }
0x2: {  	[smem:$0x3FA0] =	sst lr;
	_ =	strace $0xD0000000  }
0x3: {  	_ = 	snop  }
0x4: {  	_ = 	snop  }
0x5: {  	_ = 	snop  }
0x6: {  	_ = 	snop  }
0x7: {  	_ = 	snop  }
__scs_overlays_trampoline_lowered:
0x8: {  	[smem:$0x3FAF] =	sst s0  }
0x9: {  	[smem:$0x3FB0] =	sst s1  }
0xa: {  	[smem:$0x3FB1] =	sst s2  }
0xb: {  	[smem:$0x3FB2] =	sst s3  }
0xc: {  	[smem:$0x3FB3] =	sst s4  }
0xd: {  	[smem:$0x3FB4] =	sst s5  }
0xe: {  	[smem:$0x3FB5] =	sst s6  }
0xf: {  	[smem:$0x3FB6] =	sst s7  }
0x10: {  	[smem:$0x3FB7] =	sst s8  }
0x11: {  	[smem:$0x3FB8] =	sst s9;
	s0 =	simm.s32 @!p0 $0x0  }
0x12: {  	s1 =	sld [smem:$0x3F9E];
	s0 =	simm.s32 @p0 $0x1  }
0x13: {  	[smem:$0x3FB9] =	sst s0;
	s0 =	simm.s32 @!p1 $0x0  }
0x14: {  	s2 =	sld [smem:$0x3F9D];
	s0 =	simm.s32 @p1 $0x1  }
0x15: {  	[smem:$0x3FBA] =	sst s0;
	s0 =	simm.s32 @!p2 $0x0  }
0x16: {  	s3 =	sld [smem:$0x3FDB];
	s0 =	simm.s32 @p2 $0x1  }
0x17: {  	s4 =	simm.s32 $0x1BF5;
	[smem:$0x3FBC] =	sst s0  }
0x18: {  	s0 =	sld [smem:$0x3F9F];
	_ =	swait.ge [sflag:s4], $0x0  }
0x19: {  	s7 =	sld [smem:$0x3FA0]  }
0x1a: {  	s8 =	sadd.s32 $0xFFFFE003, lr  }
0x1b: {  	s9 =	sadd.s32 $0xFFFFFEF7, lr;
	s5 =	simm.s32 $0xFFFFFFFF;
	p2 =	slt.u32 s8, $0xFFFFF086  }
0x1c: {  	p1 =	slt.u32 s9, $0xF7A;
	s5 =	simm.s32 @!p2 $0x0  }
0x1d: {  	s5 =	simm.s32 @p1 $0x1;
	p0 =	seq.s32 s7, s2  }
0x1e: {  	s7 =	smul.u32 @!p0 $0xF7A, s2;
	p2 =	seq.s32 @!p0 s5, $0x0  }
0x1f: {  	s9 =	smul.u32 $0xF7A, s1;
	s8 =	simm.s32 @!p0 $0x1BF5;
	p2 =	por !p2, p0  }
0x20: {  	[sflag:s8] =	ssyncset.s32 @!p0 $0xFFFFF086;
	s6 =	sadd.s32 @!p0 s3, s7;
	s7 =	simm.s32 @!p0 $0x108  }
0x21: {  	s3 =	sadd.s32 s3, s9;
	s6 =	sadd.s32 @!p0 $0x88, s6;
	s7 =	simm.s32 @p2 $0x1082  }
0x22: {  	[simem:s7], [sflag:s8] =	dma.local @!p0 [hbm:s6], $0xF7A  }
0x23: {  	s9 =	sor.u32 $0xD0000000, s2;
	s6 =	simm.s32 $0x108;
	_ =	swait.ge @!p0 [sflag:s8], $0x0  }
0x24: {  	s3 =	sadd.s32 $0x88, s3;
	s6 =	simm.s32 @!p1 $0x1082;
	[sflag:s4] =	ssyncset.s32 $0xFFFFF086  }
0x25: {  	[simem:s6], [sflag:s4] =	dma.local [hbm:s3], $0xF7A  }
0x26: {  	[smem:$0x3FA0] =	sst s1;
	(tag) =	ssettag s2;
	_ =	strace s9  }
0x27: {  	s1 =	sld [smem:$0x3FB0]  }
0x28: {  	s2 =	sld [smem:$0x3FB1]  }
0x29: {  	s4 =	sld [smem:$0x3FB3]  }
0x2a: {  	p0 =	seq.s32 s5, $0x0;
	s5 =	sld [smem:$0x3FB4]  }
0x2b: {  	s6 =	sld [smem:$0x3FB5]  }
0x2c: {  	s7 =	sld [smem:$0x3FB6]  }
0x2d: {  	s3 =	simm.s32 $0x108;
	s8 =	sld [smem:$0x3FB7]  }
0x2e: {  	s3 =	simm.s32 @!p0 $0x1082;
	s9 =	sld [smem:$0x3FB8]  }
0x2f: {  	lr =	sadd.s32 s0, s3;
	s0 =	sld [smem:$0x3FAF]  }
0x30: {  	s3 =	sld [smem:$0x3FB2]  }
0x31: {  	[smem:$0x3FBB] =	sst s10  }
0x32: {  	s10 =	sld [smem:$0x3FB9];
	_ =	sdelay $0x3  }
0x33: {  	p0 =	seq.s32 s10, $0x1;
	s10 =	sld [smem:$0x3FBB];
	_ =	sdelay $0x3  }
0x34: {  	[smem:$0x3FBB] =	sst s10  }
0x35: {  	s10 =	sld [smem:$0x3FBA];
	_ =	sdelay $0x3  }
0x36: {  	p1 =	seq.s32 s10, $0x1;
	s10 =	sld [smem:$0x3FBB];
	_ =	sdelay $0x3  }
0x37: {  	[smem:$0x3FBB] =	sst s10  }
0x38: {  	s10 =	sld [smem:$0x3FBC]  }
0x39: {  	_ = 	snop;
	(pc) =	sbr.ind lr, $3  }
0x3a: {  	_ = 	snop  }
0x3b: {  	_ = 	snop  }
0x3c: {  	p2 =	seq.s32 s10, $0x1;
	s10 =	sld [smem:$0x3FBB]  }
0x3d: {  	_ =	shalt  }
0x3e: {  	_ =	shalt  }
0x3f: {  	_ =	shalt  }
0x40: {  	_ =	shalt  }
0x41: {  	_ =	shalt  }
0x42: {  	_ =	shalt  }
0x43: {  	_ =	shalt  }
0x44: {  	_ =	shalt  }
0x45: {  	_ =	shalt  }
0x46: {  	_ =	shalt  }
0x47: {  	_ =	shalt  }
0x48: {  	_ =	shalt  }
0x49: {  	_ =	shalt  }
0x4a: {  	_ =	shalt  }
0x4b: {  	_ =	shalt  }
0x4c: {  	_ =	shalt  }
0x4d: {  	_ =	shalt  }
0x4e: {  	_ =	shalt  }
0x4f: {  	_ =	shalt  }
0x50: {  	_ =	shalt  }
0x51: {  	_ =	shalt  }
0x52: {  	_ =	shalt  }
0x53: {  	_ =	shalt  }
0x54: {  	_ =	shalt  }
0x55: {  	_ =	shalt  }
0x56: {  	_ =	shalt  }
0x57: {  	_ =	shalt  }
0x58: {  	_ =	shalt  }
0x59: {  	_ =	shalt  }
0x5a: {  	_ =	shalt  }
0x5b: {  	_ =	shalt  }
0x5c: {  	_ =	shalt  }
0x5d: {  	_ =	shalt  }
0x5e: {  	_ =	shalt  }
0x5f: {  	_ =	shalt  }
0x60: {  	_ =	shalt  }
0x61: {  	_ =	shalt  }
0x62: {  	_ =	shalt  }
0x63: {  	_ =	shalt  }
0x64: {  	_ =	shalt  }
0x65: {  	_ =	shalt  }
0x66: {  	_ =	shalt  }
0x67: {  	_ =	shalt  }
0x68: {  	_ =	shalt  }
0x69: {  	_ =	shalt  }
0x6a: {  	_ =	shalt  }
0x6b: {  	_ =	shalt  }
0x6c: {  	_ =	shalt  }
0x6d: {  	_ =	shalt  }
0x6e: {  	_ =	shalt  }
0x6f: {  	_ =	shalt  }
0x70: {  	_ =	shalt  }
0x71: {  	_ =	shalt  }
0x72: {  	_ =	shalt  }
0x73: {  	_ =	shalt  }
0x74: {  	_ =	shalt  }
0x75: {  	_ =	shalt  }
0x76: {  	_ =	shalt  }
0x77: {  	_ =	shalt  }
0x78: {  	_ =	shalt  }
0x79: {  	_ =	shalt  }
0x7a: {  	_ =	shalt  }
0x7b: {  	_ =	shalt  }
0x7c: {  	_ =	shalt  }
0x7d: {  	_ =	shalt  }
0x7e: {  	_ =	shalt  }
0x7f: {  	_ =	shalt  }
0x80: {  	_ =	shalt  }
0x81: {  	_ =	shalt  }
0x82: {  	_ =	shalt  }
0x83: {  	_ =	shalt  }
0x84: {  	_ =	shalt  }
0x85: {  	_ =	shalt  }
0x86: {  	_ =	shalt  }
0x87: {  	_ =	shalt  }
.Lfunc_end0:
.L_simem_size_0:
called_computation_lowered:
.L_overlay_start_0:
0x88: {  	s2 =	sld [smem:$0x3FD9]  }
0x89: {  	s3 =	sld [smem:$0x3FFE];
	_ =	sdelay $0x1  }
0x8a: {  	s1 =	srdreg.scid  }
0x8b: {  	s0 =	sand.u32 $0x1, s1  }
0x8c: {  	s17 =	sshll.u32 s0, $0xA;
	s2 =	sadd.s32 s3, s2  }
0x8d: {  	s2 =	sadd.s32 s2, s17  }
0x8e: {  	[smem:$0x3FC7] =	sst s2  }
0x8f: {  	_ = 	snop  }
0x90: {  	s2 =	sld [smem:$0x3FD0];
	(tm) =	ssettm $0x1  }
0x91: {  	s18 =	sld [smem:$0x3FFB];
	_ =	sdelay $0x3  }
0x92: {  	_ =	strace s18  }
0x93: {  	s3 =	sld [smem:$0x3FFC];
	_ =	sdelay $0x3  }
0x94: {  	_ =	strace s3  }
0x95: {  	s3 =	sld [smem:$0x3FFD];
	_ =	sdelay $0x3  }
0x96: {  	_ =	strace s3  }
0x97: {  	_ =	strace $0x8FFFFFFF  }
0x98: {  	s19 =	sld [smem:$0x3FDB];
	_ =	sdelay $0x1  }
0x99: {  	s4 =	simm.s32 $_scs_section_size  }
0x9a: {  	s5 =	simm.s32 $_size__tile_overlayer_lowered;
	s6 =	simm.s32 $_tile_overlayer_lowered  }
0x9b: {  	s22 =	simm.s32 $0x1BFF;
	s21 =	sshll.u32 s6, $0x1;
	s3 =	sadd.s32 s4, s19  }
0x9c: {  	s7 =	simm.s32 $0x0;
	s20 =	sshll.u32 s5, $0x1;
	s5 =	sadd.s32 s21, s3  }
0x9d: {  	[timem:s7], [sflag:s22] =	dma.local [hbm:s5], s20  }
0x9e: {  	_ =	swait.ge [sflag:s22], s20  }
0x9f: {  	s4 =	ssub.s32 $0x0, s20;
	[sflag:s22] =	ssyncset.done $0x0  }
0xa0: {  	[sflag:s22] =	ssyncadd.s32 s4;
	_ =	sdelay $0x1  }
0xa1: {  	s23 =	simm.s32 $0x1B8B  }
0xa2: {  	_ =	swait.ge [sflag:s23], $0x1  }
0xa3: {  	[sflag:s23] =	ssyncset.done $0x0  }
0xa4: {  	s25 =	simm.s32 $0x1B8E;
	s24 =	sld [smem:$0x3FFE];
	[sflag:s23] =	ssyncadd.s32 $0xFFFFFFFF  }
0xa5: {  	s26 =	simm.s32 $execute0_lowered;
	[smem:$0x3FD2] =	sst s25  }
0xa6: {  	s5 =	sshll.u32 s26, $0x1;
	_ =	strace $0x80000046;
	[dreg:$0x1] =	wrdreg $0xFFFFFFFF  }
0xa7: {  	s28 =	simm.s32 $_size_execute0_lowered;
	s3 =	sadd.s32 s3, s5;
	[dreg:$0x0] =	wrdreg $0x0  }
0xa8: {  	s5 =	sshll.u32 s28, $0x1;
	[dreg:$0x2] =	wrdreg s3  }
0xa9: {  	[dreg:$0x3] =	wrdreg s5  }
0xaa: {  	[dreg:$0x4] =	wrdreg $0xC0  }
0xab: {  	_ =	task [dreg:s7], $0x5FFFF  }
0xac: {  	[dreg:$0x1] =	wrdreg $0xFFFFFFFF  }
0xad: {  	[dreg:$0x0] =	wrdreg $0x60  }
0xae: {  	[dreg:$0x2] =	wrdreg s2  }
0xaf: {  	[dreg:$0x3] =	wrdreg s24  }
0xb0: {  	[dreg:$0x4] =	wrdreg $0x64000  }
0xb1: {  	[dreg:$0x5] =	wrdreg $0x0  }
0xb2: {  	[dreg:$0x6] =	wrdreg $0x60000  }
0xb3: {  	[dreg:$0x7] =	wrdreg $0x20000  }
0xb4: {  	[dreg:$0x8] =	wrdreg $0x40000  }
0xb5: {  	[dreg:$0x9] =	wrdreg $0x9  }
0xb6: {  	_ =	task.clear_ibuf [dreg:s7], $0xAFFFF;
	_ =	strace $0x90000046  }
0xb7: {  	s29 =	simm.s32 $0x9;
	_ =	strace $0x80000048  }
0xb8: {  	_ =	swait.ge [sflag:s29], $0x1  }
0xb9: {  	[sflag:s29] =	ssyncadd.s32 $0xFFFFFFFF  }
0xba: {  	_ =	strace $0x90000048  }
0xbb: {  	_ =	sfence  }
0xbc: {  	s30 =	sld [smem:$0x0];
	_ =	sdelay $0x2  }
0xbd: {  	s31 =	sshll.u32 s1, $0xD;
	s1 =	sshrl.u32 s1, $0x2  }
0xbe: {  	s3 =	sand.u32 $0x4000, s31;
	s1 =	sadd.s32 s1, s30  }
0xbf: {  	s0 =	sor.u32 s3, s0;
	s1 =	sshll.u32 s1, $0x11  }
0xc0: {  	s0 =	sor.u32 s1, s0  }
0xc1: {  	s0 =	sadd.s32 $0x8F2B, s0  }
0xc2: {  	[sflag:s0] =	ssyncadd.remote.s32 $0x1  }
0xc3: {  	_ =	sfence.sel $0xFFFF  }
0xc4: {  	[dreg:$0x0] =	wrdreg $0xFFFFFFFF;
	(pc) =	sbr.abs _section_cstart, $3  }
0xc5: {  	[dreg:$0x1] =	wrdreg $0xFFFFFFFF  }
0xc6: {  	_ =	task.clear_ibuf [dreg:s7], $0x2FFFF;
	_ =	strace $0x9FFFFFFF  }
0xc7: {  	(tm) =	ssettm $0x7FFFFFFF  }
tec
execute0_lowered:
.L_overlay_start_1:
0x0: {  	(tag) =	ssettag $0x1  }
0x1: {  	s0 =	rddreg [dreg:$0x0]  }
0x2: {  	s3 =	rddreg [dreg:$0x1]  }
0x3: {  	s4 =	rddreg [dreg:$0x2]  }
0x4: {  	s5 =	rddreg [dreg:$0x3]  }
0x5: {  	s6 =	rddreg [dreg:$0x4]  }
0x6: {  	s1 =	rddreg [dreg:$0x5]  }
0x7: {  	s2 =	rddreg [dreg:$0x6];
	s7 =	srdreg.scid;
	s25 =	simm.s32 $0x0  }
0x8: {  	s10 =	stileid.u32;
	s31 =	simm.s32 $0x16460;
	s28 =	simm.s32 $0x80  }
0x9: {  	s7 =	sand.u32 $0x1, s7;
	[smem:$0x7FF] =	sst s25;
	s3 =	sadd.s32 $0x400, s3  }
0xa: {  	s13 =	sand.u32 $0x3, s10;
	s8 =	sshll.u32 s7, $0x4;
	_ =	strace $0x80000047  }
0xb: {  	s7 =	ssub.s32 $0x2, s7;
	s18 =	sshll.u32 s13, $0xD;
	s8 =	sor.u32 s10, s8  }
0xc: {  	s11 =	sshrl.u32 s7, $0x1;
	[dreg:$0x8] =	wrdreg s18;
	s8 =	sshrl.u32 s8, $0x2  }
0xd: {  	s7 =	ssub.s32 s7, s11;
	s9 =	sand.u32 $0x3, s8;
	s8 =	smul.u32 $0x18000, s8  }
0xe: {  	s11 =	simm.s32 $0x17E40;
	s23 =	sshll.u32 s9, $0x2;
	s16 =	smul.u32 $0x600, s9  }
0xf: {  	s22 =	sshll.u32 s9, $0xC;
	s12 =	sor.u32 s18, s8;
	s10 =	sor.u32 s13, s23  }
0x10: {  	v3 =	vmov s13;
	s8 =	sshrl.u32 s8, $0x3;
	s13 =	simm.s32 $0x0;
	s24 =	sshrl.u32 s12, $0x3  }
0x11: {  	s26 =	smul.u32 $0x180, s10;
	s16 =	sshrl.u32 s16, $0x2;
	s21 =	sshll.u32 s10, $0xA  }
0x12: {  	s10 =	simm.s32 $0x18240;
	s14 =	sadd.s32 $0x1000, s24;
	s17 =	sadd.s32 s0, s24  }
0x13: {  	s15 =	sadd.s32 $0x2000, s24;
	s24 =	sadd.s32 s3, s24;
	[dreg:$0x9] =	wrdreg s17  }
0x14: {  	s29 =	sadd.s32 s0, s14;
	s30 =	sadd.s32 s0, s15;
	[dreg:$0x15] =	wrdreg s24  }
0x15: {  	s12 =	sshrl.u32 s26, $0x2;
	s17 =	sshll.u32 s9, $0xF;
	[dreg:$0xa] =	wrdreg s29  }
0x16: {  	s0 =	sadd.s32 s0, s8;
	s24 =	simm.s32 $0x18140;
	[dreg:$0xb] =	wrdreg s30  }
0x17: {  	s8 =	simm.s32 $0x181C0;
	s12 =	sadd.s32 s12, s4;
	[dreg:$0x13] =	wrdreg s0  }
0x18: {  	s9 =	simm.s32 $0x17DC0;
	s4 =	sadd.s32 s16, s4;
	[dreg:$0xc] =	wrdreg s12  }
0x19: {  	s19 =	sor.u32 s18, s17;
	s26 =	sadd.s32 $0x1000, s0;
	[dreg:$0xd] =	wrdreg s4  }
0x1a: {  	s29 =	sadd.s32 s3, s14;
	s3 =	sadd.s32 s3, s15;
	[dreg:$0x16] =	wrdreg s26  }
0x1b: {  	s0 =	sadd.s32 $0x2000, s0;
	s30 =	smax.u32 s7, $0x1;
	[dreg:$0x17] =	wrdreg s29  }
0x1c: {  	s15 =	simm.s32 $0x10460;
	s7 =	simm.s32 $0x17D40;
	[dreg:$0x18] =	wrdreg s3  }
0x1d: {  	s18 =	simm.s32 $0x18340;
	s20 =	sadd.s32 s19, s5;
	[dreg:$0x19] =	wrdreg s0  }
0x1e: {  	s5 =	sadd.s32 s17, s5;
	s23 =	sadd.s32 s19, s1;
	[dreg:$0x1a] =	wrdreg s30  }
0x1f: {  	s4 =	sadd.s32 s19, s2;
	s26 =	simm.s32 $0x2;
	[dreg:$0xe] =	wrdreg s20  }
0x20: {  	s0 =	simm.s32 $0x6460;
	s3 =	simm.s32 $0x16860;
	[dreg:$0xf] =	wrdreg s5  }
0x21: {  	v0 =	vmov s17;
	s12 =	simm.s32 $0x182C0;
	s17 =	simm.s32 $0x17EC0;
	[dreg:$0x12] =	wrdreg s23  }
0x22: {  	s19 =	simm.s32 $0x17F40;
	s5 =	sadd.s32 s21, s6;
	[dreg:$0x14] =	wrdreg s4  }
0x23: {  	v1 =	vimm.s32 $0x0;
	v2 =	vimm.s32 $0x1;
	s20 =	simm.s32 $0x183C0;
	s21 =	simm.s32 $0x17FC0;
	s23 =	simm.s32 $0x18040  }
0x24: {  	vm0 =	veq.s32 v3, $0x3;
	vm1 =	vgt.u32 v3, $0x1;
	v0 =	vadd.s32 $0xFFFFFFFF, v0;
	[dreg:$0x10] =	wrdreg s5;
	s5 =	sadd.s32 s22, s6;
	s6 =	simm.s32 $0xE460  }
0x25: {  	vm2 =	veq.s32 v3, $0x0;
	v3 =	vlaneseq.u32;
	v0 =	vbroadcast v0, $0x0;
	s22 =	simm.s32 $0x18440;
	[dreg:$0x11] =	wrdreg s5;
	s5 =	simm.s32 $0x1  }
.LBB2_1:
0x26: {  	[dreg:$0x1b] =	wrdreg s13  }
0x27: {  	s4 =	rddreg [dreg:$0x9]  }
0x28: {  	[tilespmem:s6], [sflag:$0x2] =	stream.linear.gather [hbm4b:s4+s25], $0x2000, $0x38;
	[tilespmem:$0x184C0] =	vst v63  }
0x29: {  	_ =	swait.ge [sflag:s26], $0x2000  }
0x2a: {  	[sflag:s26] =	ssyncset.done $0x0  }
0x2b: {  	s14 =	rddreg [dreg:$0xa];
	[sflag:s26] =	ssyncadd.s32 $0xFFFFE000  }
0x2c: {  	[tilespmem:s15], [sflag:$0x2] =	stream.linear.gather [hbm4b:s14+s25], $0x2000, $0x38;
	[tilespmem:$0x184C0] =	vst v63  }
0x2d: {  	_ =	swait.ge [sflag:s26], $0x2000  }
0x2e: {  	[sflag:s26] =	ssyncset.done $0x0  }
0x2f: {  	s29 =	simm.s32 $0x12460;
	s16 =	rddreg [dreg:$0xb];
	[sflag:s26] =	ssyncadd.s32 $0xFFFFE000  }
0x30: {  	[tilespmem:s29], [sflag:$0x2] =	stream.linear.gather [hbm4b:s16+s25], $0x2000, $0x38;
	[tilespmem:$0x184C0] =	vst v63  }
0x31: {  	_ =	swait.ge [sflag:s26], $0x2000  }
0x32: {  	[sflag:s26] =	ssyncset.done $0x0  }
0x33: {  	s30 =	simm.s32 $0x0;
	[sflag:s26] =	ssyncadd.s32 $0xFFFFE000  }
0x34: {  	v4 =	vld [tilespmem:s30+$0x12460]  }
0x35: {  	v6 =	vimm.f32 $+Inf;
	v5 =	vimm.f32 $-Inf;
	v8 =	vimm.f32 $+Inf;
	v9 =	vld [tilespmem:s30+$0xE460]  }
0x36: {  	v12 =	vimm.f32 $-Inf;
	v11 =	vimm.f32 $+Inf;
	v10 =	vimm.f32 $-Inf;
	s4 =	simm.s32 $0x40;
	v7 =	vld [tilespmem:s30+$0x10460]  }
.LBB2_2:
0x37: {  	p0 =	sne.s32 s4, $0x7FC0  }
.Ltmp0:
0x38: {  	_ = 	snop;
	(pc) =	sbr.rel @p0 .LBB2_2-.Ltmp0, $4  }
0x39: {  	s13 =	sshra.s32 s4, $0x2  }
0x3a: {  	v6 =	vmin.f32 v6, v4;
	v5 =	vmax.f32 v5, v4;
	v4 =	vld [tilespmem:s13+$0x12460]  }
0x3b: {  	v8 =	vmin.f32 v8, v9;
	v12 =	vmax.f32 v12, v9;
	v9 =	vld [tilespmem:s13+$0xE460]  }
0x3c: {  	s4 =	sadd.s32 $0x40, s4;
	v11 =	vmin.f32 v11, v7;
	v10 =	vmax.f32 v10, v7;
	v7 =	vld [tilespmem:s13+$0x10460]  }
0x3d: {  	_ =	sdelay $0x1  }
0x3e: {  	v6 =	vmin.f32 v6, v4  }
0x3f: {  	v4 =	vmax.f32 v5, v4;
	[tilespmem:$0x17CA0] =	vst v6  }
0x40: {  	v8 =	vmin.f32 v8, v9;
	[tilespmem:$0x17CB0] =	vst v4  }
0x41: {  	v9 =	vmax.f32 v12, v9;
	[tilespmem:$0x17C60] =	vst v8  }
0x42: {  	v8 =	vmin.f32 v11, v7;
	[tilespmem:$0x17C70] =	vst v9  }
0x43: {  	v7 =	vmax.f32 v10, v7;
	[tilespmem:$0x17C80] =	vst v8  }
0x44: {  	s4 =	rddreg [dreg:$0xc];
	s13 =	simm.s32 $0x17C60;
	[tilespmem:$0x17C90] =	vst v7  }
0x45: {  	[spmem:s4] =	stream.linear.scatter [tilespmem:s13], [sflag:$0x2], $0x60, $0x38;
	[tilespmem:$0x184C0] =	vst v63  }
0x46: {  	_ =	swait.ge [sflag:s26], $0x60  }
0x47: {  	[sflag:s26] =	ssyncset.done $0x0  }
0x48: {  	[sflag:s26] =	ssyncadd.s32 $0xFFFFFFA0  }
0x49: {  	[bflag:$0x0] =	sbarrier.arrive $0xFFFF  }
0x4a: {  	s30 =	simm.s32 $0x16C60;
	s29 =	rddreg [dreg:$0xd]  }
0x4b: {  	[tilespmem:s30], [sflag:$0x2] =	stream.linear.gather [spmem:s29], $0x180, $0x38;
	[tilespmem:$0x184C0] =	vst v63  }
0x4c: {  	_ =	swait.ge [sflag:s26], $0x180  }
0x4d: {  	[sflag:s26] =	ssyncset.done $0x0  }
0x4e: {  	[sflag:s26] =	ssyncadd.s32 $0xFFFFFE80  }
0x4f: {  	v4 =	vld [tilespmem:$0x16C60]  }
0x50: {  	v10 =	vld [tilespmem:$0x16CC0]  }
0x51: {  	v11 =	vld [tilespmem:$0x16D20]  }
0x52: {  	v5 =	vld [tilespmem:$0x16D80]  }
0x53: {  	v13 =	vld [tilespmem:$0x16C70]  }
0x54: {  	v19 =	vld [tilespmem:$0x16CD0]  }
0x55: {  	v14 =	vld [tilespmem:$0x16D30]  }
0x56: {  	v6 =	vld [tilespmem:$0x16D90]  }
0x57: {  	v20 =	vld [tilespmem:$0x16C80]  }
0x58: {  	v24 =	vld [tilespmem:$0x16CE0]  }
0x59: {  	v15 =	vld [tilespmem:$0x16D40]  }
0x5a: {  	v7 =	vld [tilespmem:$0x16DA0]  }
0x5b: {  	v21 =	vld [tilespmem:$0x16C90]  }
0x5c: {  	v25 =	vld [tilespmem:$0x16CF0]  }
0x5d: {  	v16 =	vld [tilespmem:$0x16D50]  }
0x5e: {  	v8 =	vld [tilespmem:$0x16DB0]  }
0x5f: {  	v22 =	vld [tilespmem:$0x16CA0]  }
0x60: {  	v26 =	vld [tilespmem:$0x16D00]  }
0x61: {  	v17 =	vld [tilespmem:$0x16D60]  }
0x62: {  	v9 =	vld [tilespmem:$0x16DC0]  }
0x63: {  	v23 =	vld [tilespmem:$0x16CB0]  }
0x64: {  	v27 =	vld [tilespmem:$0x16D10]  }
0x65: {  	v18 =	vld [tilespmem:$0x16D70]  }
0x66: {  	s4 =	simm.s32 $0x40;
	s13 =	simm.s32 $0x0;
	v12 =	vld [tilespmem:$0x16DD0]  }
.LBB2_4:
0x67: {  	p0 =	seq.s32 s4, $0xFC0;
	[tilespmem:s13+$0x16460] =	vst v1;
	s13 =	smov.u32 s4;
	s4 =	sadd.s32 $0x40, s4  }
.Ltmp1:
0x68: {  	(pc) =	sbr.rel @!p0 .LBB2_4-.Ltmp1, $2  }
0x69: {  	_ =	sdelay $0x2  }
0x6a: {  	s13 =	sshra.s32 s13, $0x2  }
0x6b: {  	v4 =	vmin.f32 v4, v10  }
0x6c: {  	v10 =	vmax.f32 v13, v19;
	v4 =	vmin.f32 v4, v11  }
0x6d: {  	v4 =	vmin.f32 v4, v5;
	v5 =	vmax.f32 v10, v14;
	v10 =	vmin.f32 v20, v24  }
0x6e: {  	(xrf0) =	vmin.scan.msk.f32 $0xffff, v4;
	v4 =	vmax.f32 v5, v6;
	v5 =	vmin.f32 v10, v15;
	v6 =	vmax.f32 v21, v25  }
0x6f: {  	(xrf0) =	vmax.scan.msk.f32 $0xffff, v4;
	v4 =	vmin.f32 v5, v7;
	v5 =	vmax.f32 v6, v16;
	v6 =	vmin.f32 v22, v26  }
0x70: {  	(xrf0) =	vmin.scan.msk.f32 $0xffff, v4;
	v4 =	vmax.f32 v5, v8;
	v5 =	vmin.f32 v6, v17;
	v6 =	vmax.f32 v23, v27  }
0x71: {  	(xrf0) =	vmax.scan.msk.f32 $0xffff, v4;
	v4 =	vmin.f32 v5, v9;
	v5 =	vmax.f32 v6, v18  }
0x72: {  	(xrf0) =	vmin.scan.msk.f32 $0xffff, v4;
	v4 =	vmax.f32 v5, v12  }
0x73: {  	(xrf0) =	vmax.scan.msk.f32 $0xffff, v4  }
0x74: {  	v6, _, _ =	vpop (xrf0)  }
0x75: {  	v4, _, _ =	vpop (xrf0);
	(v2sf) =	vpush v6, $0xF  }
0x76: {  	v8, _, _ =	vpop (xrf0);
	(v2sf) =	vpush v4, $0xF  }
0x77: {  	v4, _, _ =	vpop (xrf0);
	(v2sf) =	vpush v8, $0xF  }
0x78: {  	v9, _, _ =	vpop (xrf0);
	(v2sf) =	vpush v4, $0xF  }
0x79: {  	(v2sf) =	vpush v9, $0xF;
	v4, _, _ =	vpop (xrf0)  }
0x7a: {  	(v2sf) =	vpush v4, $0xF;
	_ =	sdelay $0x9  }
0x7b: {  	s4 =	spop (v2sf)  }
0x7c: {  	s25 =	spop (v2sf)  }
0x7d: {  	s14 =	spop (v2sf)  }
0x7e: {  	s15 =	spop (v2sf)  }
0x7f: {  	s4 =	ssub.f32 s25, s4;
	s16 =	spop (v2sf)  }
0x80: {  	s14 =	ssub.f32 s15, s14;
	s29 =	spop (v2sf)  }
0x81: {  	v4 =	vmov s4;
	s30 =	ssub.f32 s29, s16  }
0x82: {  	(erf) = vrcp.f32 v4;
	v5 =	vmov s14  }
0x83: {  	(erf) = vrcp.f32 v5;
	v4 =	vmov s30  }
0x84: {  	(erf) = vrcp.f32 v4;
	_ =	sdelay $0x6  }
0x85: {  	[tilespmem:s13+$0x16460] =	vst v1;
	s4 =	simm.s32 $0x0;
	v4 =	vpop (erf)  }
0x86: {  	v7 =	vbroadcast v6, $0xF;
	v10 =	vld [tilespmem:s4+$0x12460];
	v5 =	vpop (erf)  }
0x87: {  	s13 =	simm.s32 $0x40;
	v8 =	vbroadcast v8, $0xF;
	v9 =	vbroadcast v9, $0xF;
	v11 =	vld [tilespmem:s4+$0x10460];
	v6 =	vpop (erf)  }
.LBB2_6:
0x88: {  	p0 =	sne.s32 s13, $0x7FC0;
	v12 =	vld [tilespmem:s4+$0xE460];
	_ =	sdelay $0x2  }
0x89: {  	v10 =	vsub.f32 v10, v9  }
0x8a: {  	v11 =	vsub.f32 v11, v8  }
0x8b: {  	v12 =	vsub.f32 v12, v7;
	v10 =	vmul.f32 $1.023000000e+03, v10  }
0x8c: {  	v11 =	vmul.f32 $1.023000000e+03, v11  }
0x8d: {  	v12 =	vmul.f32 $1.023000000e+03, v12;
	v10 =	vmul.f32 v10, v6  }
0x8e: {  	v11 =	vmul.f32 v11, v5  }
0x8f: {  	v12 =	vmul.f32 v12, v4;
	v10 =	vtrunc.f32 v10  }
0x90: {  	v11 =	vtrunc.f32 v11;
	v10 =	vcvt.f32.s32 v10  }
0x91: {  	v12 =	vtrunc.f32 v12;
	v11 =	vcvt.f32.s32 v11  }
0x92: {  	v12 =	vcvt.f32.s32 v12;
	v13 =	vand.u32 $0x3FF, v10;
	v14 =	vshll.u32 v10, $0x8  }
0x93: {  	v10 =	vshll.u32 v10, $0x10;
	v15 =	vand.u32 $0x3FF, v11;
	v14 =	vand.u32 $0xF000, v14  }
0x94: {  	v17 =	vshll.u32 v11, $0x10;
	v11 =	vshll.u32 v11, $0x8;
	v16 =	vshll.u32 v12, $0x8  }
0x95: {  	v18 =	vshll.u32 v12, $0x10;
	v11 =	vand.u32 $0xF000, v11;
	v16 =	vand.u32 $0xF000, v16  }
0x96: {  	v12 =	vand.u32 $0x3FF, v12;
	v11 =	vor.u32 v11, v17;
	v16 =	vor.u32 v16, v18  }
0x97: {  	v10 =	vor.u32 v14, v10;
	v11 =	vor.u32 v15, v11;
	v12 =	vor.u32 v12, v16  }
0x98: {  	v10 =	vor.u32 v13, v10;
	v11 =	vand.u32 $0x300F00F, v11;
	v12 =	vand.u32 $0x300F00F, v12  }
0x99: {  	v10 =	vand.u32 $0x300F00F, v10;
	v11 =	vmul.u32 $0x11, v11;
	v12 =	vmul.u32 $0x11, v12  }
0x9a: {  	v10 =	vmul.u32 $0x11, v10  }
0x9b: {  	v11 =	vand.u32 $0x30C30C3, v11;
	v12 =	vand.u32 $0x30C30C3, v12  }
0x9c: {  	v10 =	vand.u32 $0x30C30C3, v10;
	v11 =	vmul.u32 $0xA, v11;
	v12 =	vmul.u32 $0x5, v12  }
0x9d: {  	v10 =	vmul.u32 $0x14, v10  }
0x9e: {  	v11 =	vand.u32 $0x12492492, v11;
	v12 =	vand.u32 $0x9249249, v12  }
0x9f: {  	v10 =	vand.u32 $0x24924924, v10;
	v11 =	vor.u32 v12, v11  }
0xa0: {  	v10 =	vor.u32 v10, v11  }
0xa1: {  	v11 =	vand.u32 $0x3FF, v10;
	_ =	sdelay $0x2  }
.Ltmp2:
0xa2: {  	(pc) =	sbr.rel @p0 .LBB2_6-.Ltmp2, $4  }
0xa3: {  	[tilespmem:s4+$0xE460] =	vst v10  }
0xa4: {  	s4 =	sshra.s32 s13, $0x2;
	[tilespmem:v11+s31+$0x0] =	vst.idx.add.s32.msk $0xffff, v2  }
0xa5: {  	v10 =	vld [tilespmem:s4+$0x12460]  }
0xa6: {  	s13 =	sadd.s32 $0x40, s13;
	v11 =	vld [tilespmem:s4+$0x10460]  }
0xa7: {  	v12 =	vld [tilespmem:s4+$0xE460];
	_ =	sdelay $0x2  }
0xa8: {  	v9 =	vsub.f32 v10, v9  }
0xa9: {  	v8 =	vsub.f32 v11, v8  }
0xaa: {  	v7 =	vsub.f32 v12, v7;
	v9 =	vmul.f32 $1.023000000e+03, v9  }
0xab: {  	v8 =	vmul.f32 $1.023000000e+03, v8  }
0xac: {  	v7 =	vmul.f32 $1.023000000e+03, v7;
	v6 =	vmul.f32 v9, v6  }
0xad: {  	v5 =	vmul.f32 v8, v5  }
0xae: {  	v4 =	vmul.f32 v7, v4;
	v6 =	vtrunc.f32 v6  }
0xaf: {  	v5 =	vtrunc.f32 v5;
	v6 =	vcvt.f32.s32 v6  }
0xb0: {  	v4 =	vtrunc.f32 v4;
	v5 =	vcvt.f32.s32 v5  }
0xb1: {  	v4 =	vcvt.f32.s32 v4;
	v7 =	vand.u32 $0x3FF, v6;
	v8 =	vshll.u32 v6, $0x8  }
0xb2: {  	v6 =	vshll.u32 v6, $0x10;
	v9 =	vand.u32 $0x3FF, v5;
	v8 =	vand.u32 $0xF000, v8  }
0xb3: {  	v11 =	vshll.u32 v5, $0x10;
	v5 =	vshll.u32 v5, $0x8;
	v10 =	vshll.u32 v4, $0x8  }
0xb4: {  	v12 =	vshll.u32 v4, $0x10;
	v5 =	vand.u32 $0xF000, v5;
	v10 =	vand.u32 $0xF000, v10  }
0xb5: {  	v4 =	vand.u32 $0x3FF, v4;
	v5 =	vor.u32 v5, v11;
	v10 =	vor.u32 v10, v12  }
0xb6: {  	v6 =	vor.u32 v8, v6;
	v5 =	vor.u32 v9, v5;
	v4 =	vor.u32 v4, v10  }
0xb7: {  	v6 =	vor.u32 v7, v6;
	v5 =	vand.u32 $0x300F00F, v5;
	v4 =	vand.u32 $0x300F00F, v4  }
0xb8: {  	v6 =	vand.u32 $0x300F00F, v6;
	v5 =	vmul.u32 $0x11, v5;
	v4 =	vmul.u32 $0x11, v4  }
0xb9: {  	v6 =	vmul.u32 $0x11, v6  }
0xba: {  	v5 =	vand.u32 $0x30C30C3, v5;
	v4 =	vand.u32 $0x30C30C3, v4  }
0xbb: {  	v6 =	vand.u32 $0x30C30C3, v6;
	v5 =	vmul.u32 $0xA, v5;
	v4 =	vmul.u32 $0x5, v4  }
0xbc: {  	v6 =	vmul.u32 $0x14, v6  }
0xbd: {  	v5 =	vand.u32 $0x12492492, v5;
	v4 =	vand.u32 $0x9249249, v4  }
0xbe: {  	v4 =	vor.u32 v4, v5;
	v5 =	vand.u32 $0x24924924, v6  }
0xbf: {  	v4 =	vor.u32 v5, v4  }
0xc0: {  	v5 =	vand.u32 $0x3FF, v4;
	_ =	sdelay $0x3  }
0xc1: {  	[tilespmem:s4+$0xE460] =	vst v4  }
0xc2: {  	s13 =	rddreg [dreg:$0xe];
	[tilespmem:v5+s31+$0x0] =	vst.idx.add.s32.msk $0xffff, v2  }
0xc3: {  	[spmem:s13] =	stream.linear.scatter [tilespmem:s6], [sflag:$0x2], $0x2000, $0x38;
	[tilespmem:$0x184C0] =	vst v63  }
0xc4: {  	_ =	swait.ge [sflag:s26], $0x2000  }
0xc5: {  	[sflag:s26] =	ssyncset.done $0x0  }
0xc6: {  	[sflag:s26] =	ssyncadd.s32 $0xFFFFE000  }
0xc7: {  	[bflag:$0x0] =	sbarrier.arrive $0xFFFF  }
0xc8: {  	s14 =	rddreg [dreg:$0xf]  }
0xc9: {  	[tilespmem:s0], [sflag:$0x2] =	stream.linear.gather [spmem:s14], $0x8000, $0x38;
	[tilespmem:$0x184C0] =	vst v63  }
0xca: {  	_ =	swait.ge [sflag:s26], $0x8000  }
0xcb: {  	[sflag:s26] =	ssyncset.done $0x0  }
0xcc: {  	s15 =	rddreg [dreg:$0x10];
	[sflag:s26] =	ssyncadd.s32 $0xFFFF8000  }
0xcd: {  	[spmem:s15] =	stream.linear.scatter [tilespmem:s31], [sflag:$0x2], $0x400, $0x38;
	[tilespmem:$0x184C0] =	vst v63  }
0xce: {  	_ =	swait.ge [sflag:s26], $0x400  }
0xcf: {  	[sflag:s26] =	ssyncset.done $0x0  }
0xd0: {  	[sflag:s26] =	ssyncadd.s32 $0xFFFFFC00  }
0xd1: {  	[bflag:$0x0] =	sbarrier.arrive $0xFFFF  }
0xd2: {  	s25 =	simm.s32 $0x16C60;
	s16 =	rddreg [dreg:$0x11]  }
0xd3: {  	[tilespmem:s25], [sflag:$0x2] =	stream.linear.gather [spmem:s16], $0x1000, $0x38;
	[tilespmem:$0x184C0] =	vst v63  }
0xd4: {  	_ =	swait.ge [sflag:s26], $0x1000  }
0xd5: {  	[sflag:s26] =	ssyncset.done $0x0  }
0xd6: {  	s15 =	simm.s32 $0x0;
	[sflag:s26] =	ssyncadd.s32 $0xFFFFF000  }
0xd7: {  	v9 =	vld [tilespmem:s15+$0x16C60]  }
0xd8: {  	v10 =	vld [tilespmem:s15+$0x17060]  }
0xd9: {  	v11 =	vld [tilespmem:s15+$0x17460]  }
0xda: {  	s26 =	simm.s32 $0x10;
	[tilespmem:s15+$0x16460] =	vst v1;
	v4 =	vld [tilespmem:s15+$0x17860]  }
0xdb: {  	v12 =	vld [tilespmem:s26+$0x16C60]  }
0xdc: {  	v13 =	vld [tilespmem:s26+$0x17060]  }
0xdd: {  	v14 =	vld [tilespmem:s26+$0x17460]  }
0xde: {  	v6 =	vld [tilespmem:s26+$0x17860];
	v5 =	vadd.s32 v9, v10  }
0xdf: {  	v5 =	vadd.s32 v11, v5  }
0xe0: {  	v5 =	vadd.s32 v4, v5  }
0xe1: {  	s30 =	simm.s32 $0x20;
	[tilespmem:s26+$0x16460] =	vst v1;
	v4 =	vadd.s32 v12, v13;
	(xrf0) =	vadd.scan.msk.s32 $0xffff, v5  }
0xe2: {  	v16 =	vld [tilespmem:s30+$0x16C60];
	v4 =	vadd.s32 v14, v4  }
0xe3: {  	v22 =	vld [tilespmem:s30+$0x17060];
	v4 =	vadd.s32 v6, v4  }
0xe4: {  	v23 =	vld [tilespmem:s30+$0x17460];
	(xrf0) =	vadd.scan.msk.s32 $0xffff, v4  }
0xe5: {  	v6 =	vld [tilespmem:s30+$0x17860];
	_ =	sdelay $0x1  }
0xe6: {  	v8, _, _ =	vpop (xrf0)  }
0xe7: {  	v7 =	vadd.s32 v16, v22;
	v15 =	vxor.u32 $0x80000000, v8  }
0xe8: {  	v7 =	vadd.s32 v23, v7;
	(xrf0) =	vmax.scan.msk.u32 $0xffff, v15  }
0xe9: {  	v7 =	vadd.s32 v6, v7;
	v6, _, _ =	vpop (xrf0)  }
0xea: {  	s13 =	simm.s32 $0x30;
	[tilespmem:s30+$0x16460] =	vst v1;
	(xrf0) =	vadd.scan.msk.s32 $0xffff, v7;
	v15 =	vxor.u32 $0x80000000, v6  }
0xeb: {  	v24 =	vld [tilespmem:s13+$0x16C60];
	(xrf0) =	vmax.scan.msk.u32 $0xffff, v15  }
0xec: {  	v25 =	vld [tilespmem:s13+$0x17060]  }
0xed: {  	v26 =	vld [tilespmem:s13+$0x17460]  }
0xee: {  	v27 =	vld [tilespmem:s13+$0x17860];
	v29 =	vsel vm2, $0x0, v9;
	v9, _, _ =	vpop (xrf0)  }
0xef: {  	(v2sf) =	vpush v9, $0xF  }
0xf0: {  	v20 =	vnsel vm1, $0x0, v10;
	v17 =	vsel vm2, $0x0, v12;
	v12, _, _ =	vpop (xrf0)  }
0xf1: {  	s14 =	simm.s32 $0x40;
	v21 =	vnsel vm0, $0x0, v14;
	v10 =	vadd.s32 v24, v25;
	v14 =	vnsel vm0, $0x0, v23;
	[tilespmem:s13+$0x16460] =	vst v1;
	v23, _, _ =	vpop (xrf0)  }
0xf2: {  	v28 =	vld [tilespmem:s14+$0x16C60];
	v9 =	vadd.s32 v26, v10;
	(v2sf) =	vpush v23, $0xF  }
0xf3: {  	v30 =	vld [tilespmem:s14+$0x17060];
	v9 =	vadd.s32 v27, v9  }
0xf4: {  	v18 =	vsel vm2, $0x0, v16;
	v15 =	vnsel vm1, $0x0, v13;
	v13 =	vnsel vm1, $0x0, v22;
	v22 =	vld [tilespmem:s14+$0x17460];
	(xrf0) =	vadd.scan.msk.s32 $0xffff, v9  }
0xf5: {  	v16 =	vsel vm2, $0x0, v24;
	v10 =	vnsel vm0, $0x0, v26;
	v26 =	vld [tilespmem:s14+$0x17860];
	v24 =	vxor.u32 $0x80000000, v12  }
0xf6: {  	(xrf0) =	vmax.scan.msk.u32 $0xffff, v24  }
0xf7: {  	v19 =	vnsel vm0, $0x0, v11;
	v11 =	vnsel vm1, $0x0, v25  }
0xf8: {  	s4 =	simm.s32 $0x0;
	s16 =	simm.s32 $0x50;
	[tilespmem:s14+$0x16460] =	vst v1;
	v25 =	vnsel vm1, $0x0, v30;
	v27 =	vadd.s32 v28, v30;
	v23 =	vsel vm2, $0x0, v28  }
0xf9: {  	s29 =	simm.s32 $0x180;
	s25 =	simm.s32 $0x0;
	[tilespmem:s16+$0x16460] =	vst v1;
	v28 =	vadd.s32 v22, v27;
	v22 =	vnsel vm0, $0x0, v22;
	v27 =	vadd.s32 s4, v29;
	v24 =	vld [tilespmem:s16+$0x16C60]  }
.LBB2_8:
0xfa: {  	v28 =	vadd.s32 v26, v28;
	v30, _, _ =	vpop (xrf0);
	v26 =	vadd.s32 v20, v27;
	v31 =	vmov v16  }
0xfb: {  	p0 =	sne.s32 s29, $0xFC0;
	v29 =	vld [tilespmem:s16+$0x17060];
	v16 =	vmovc v23;
	v20 =	vmovc v15;
	v15 =	vmov v13;
	v13 =	vmov v11;
	v11 =	vmov v25;
	s6 =	smov.u32 s16  }
0xfc: {  	v27 =	vld [tilespmem:s6+$0x17460];
	(xrf0) =	vadd.scan.msk.s32 $0xffff, v28;
	v23 =	vxor.u32 $0x80000000, v30;
	v25, _, _ =	vpop (xrf0);
	v32 =	vadd.s32 v19, v26;
	v19 =	vmov v21  }
.Ltmp3:
0xfd: {  	v26 =	vld [tilespmem:s6+$0x17860];
	(xrf0) =	vmax.scan.msk.u32 $0xffff, v23;
	(v2sf) =	vpush v25, $0xF;
	v32 =	vsub.s32 v32, v5;
	v5 =	vmovc v4;
	v4 =	vmov v7;
	(pc) =	sbr.rel @p0 .LBB2_8-.Ltmp3, $4  }
0xfe: {  	v7 =	vmovc v9;
	v9 =	vmovc v28;
	v25 =	vadd.s32 v8, v32;
	s16 =	spop (v2sf);
	v8 =	vmov v6;
	v6 =	vmov v12  }
0xff: {  	v21 =	vmovc v14;
	v14 =	vmovc v10;
	v10 =	vmov v22;
	v12 =	vmov v30;
	v23 =	vsel vm2, $0x0, v24;
	[tilespmem:s15+$0x16860] =	vst v25;
	s25 =	sadd.s32 s16, s25;
	s15 =	smov.u32 s26;
	s26 =	smov.u32 s30  }
0x100: {  	s16 =	sshra.s32 s29, $0x2;
	s30 =	smov.u32 s13;
	v22 =	vadd.s32 v24, v29;
	v25 =	vnsel vm1, $0x0, v29;
	s25 =	sadd.s32 $0x80000000, s25  }
0x101: {  	s29 =	sadd.s32 $0x40, s29;
	s13 =	smov.u32 s14;
	s14 =	smov.u32 s6;
	v24 =	vld [tilespmem:s16+$0x16C60];
	[tilespmem:s16+$0x16460] =	vst v1;
	v28 =	vadd.s32 v27, v22;
	v22 =	vnsel vm0, $0x0, v27;
	v27 =	vadd.s32 s25, v17;
	v17 =	vmovc v18;
	v18 =	vmovc v31  }
0x102: {  	v29 =	vld [tilespmem:s16+$0x17060];
	v26 =	vadd.s32 v26, v28  }
0x103: {  	v46 =	vld [tilespmem:s16+$0x17460];
	(xrf0) =	vadd.scan.msk.s32 $0xffff, v26  }
0x104: {  	v30 =	vld [tilespmem:s16+$0x17860];
	_ =	sdelay $0x2  }
0x105: {  	v31, _, _ =	vpop (xrf0);
	v32 =	vadd.s32 v24, v29  }
0x106: {  	v33 =	vxor.u32 $0x80000000, v31;
	v34, _, _ =	vpop (xrf0);
	v32 =	vadd.s32 v46, v32  }
0x107: {  	(xrf0) =	vmax.scan.msk.u32 $0xffff, v33;
	v30 =	vadd.s32 v30, v32;
	v47, _, _ =	vpop (xrf0)  }
0x108: {  	(xrf0) =	vadd.scan.msk.s32 $0xffff, v30;
	v48 =	vxor.u32 $0x80000000, v47  }
0x109: {  	(xrf0) =	vmax.scan.msk.u32 $0xffff, v48;
	_ =	sdelay $0x2  }
0x10a: {  	(v2sf) =	vpush v34, $0xF  }
0x10b: {  	v49, _, _ =	vpop (xrf0)  }
0x10c: {  	(v2sf) =	vpush v49, $0xF;
	v50, _, _ =	vpop (xrf0)  }
0x10d: {  	v51, _, _ =	vpop (xrf0);
	v52 =	vxor.u32 $0x80000000, v50  }
0x10e: {  	(v2sf) =	vpush v51, $0xF;
	(xrf0) =	vmax.scan.msk.u32 $0xffff, v52;
	_ =	sdelay $0x5  }
0x10f: {  	v34, _, _ =	vpop (xrf0)  }
0x110: {  	s6 =	spop (v2sf);
	(v2sf) =	vpush v34, $0xF  }
0x111: {  	s6 =	sadd.s32 s6, s25  }
0x112: {  	v20 =	vadd.s32 v20, v27;
	s6 =	sadd.s32 $0x80000000, s6;
	s25 =	spop (v2sf)  }
0x113: {  	v19 =	vadd.s32 v19, v20;
	s25 =	sadd.s32 s25, s6  }
0x114: {  	v5 =	vsub.s32 v19, v5;
	s25 =	sadd.s32 $0x80000000, s25;
	s29 =	spop (v2sf)  }
0x115: {  	v17 =	vadd.s32 s6, v17;
	v5 =	vadd.s32 v8, v5;
	s6 =	sadd.s32 s29, s25  }
0x116: {  	v53 =	vsel vm2, $0x0, v24;
	v15 =	vadd.s32 v15, v17;
	v54 =	vadd.s32 s25, v18;
	s6 =	sadd.s32 $0x80000000, s6;
	s25 =	spop (v2sf)  }
0x117: {  	v55 =	vnsel vm1, $0x0, v29;
	v15 =	vadd.s32 v21, v15;
	v13 =	vadd.s32 v13, v54;
	s25 =	sadd.s32 s25, s6  }
0x118: {  	v4 =	vsub.s32 v15, v4;
	v13 =	vadd.s32 v14, v13;
	v56 =	vadd.s32 s6, v16;
	s6 =	sadd.s32 $0x80000000, s25;
	s25 =	spop (v2sf)  }
0x119: {  	v57 =	vnsel vm0, $0x0, v46;
	v4 =	vadd.s32 v6, v4;
	v58 =	vsub.s32 v13, v7;
	s25 =	sadd.s32 s25, s6  }
0x11a: {  	v6 =	vadd.s32 v12, v58;
	v59 =	vadd.s32 v11, v56;
	v60 =	vadd.s32 s6, v23;
	s25 =	sadd.s32 $0x80000000, s25  }
0x11b: {  	[tilespmem:s15+$0x16860] =	vst v5;
	v5 =	vadd.s32 v10, v59;
	v61 =	vadd.s32 v25, v60;
	v8 =	vadd.s32 s25, v53  }
0x11c: {  	[tilespmem:s26+$0x16860] =	vst v4;
	v4 =	vsub.s32 v5, v9;
	v5 =	vadd.s32 v22, v61;
	v62 =	vadd.s32 v55, v8  }
0x11d: {  	[tilespmem:s30+$0x16860] =	vst v6;
	v4 =	vadd.s32 v31, v4;
	v5 =	vsub.s32 v5, v26;
	v63 =	vadd.s32 v57, v62  }
0x11e: {  	[tilespmem:s13+$0x16860] =	vst v4;
	v4 =	vadd.s32 v47, v5;
	v5 =	vsub.s32 v63, v30  }
0x11f: {  	s29 =	simm.s32 $0x180C0;
	s30 =	simm.s32 $0x17CC0;
	[tilespmem:s14+$0x16860] =	vst v4;
	v4 =	vadd.s32 v50, v5;
	s26 =	spop (v2sf)  }
0x120: {  	s13 =	simm.s32 $0xE460;
	s14 =	rddreg [dreg:$0x8];
	[tilespmem:s16+$0x16860] =	vst v4;
	s26 =	simm.s32 $0x2  }
.LBB2_10:
0x121: {  	v4 =	vmov s13;
	_ =	sdelay $0x3  }
0x122: {  	s6 =	simm.s32 $0x0  }
0x123: {  	v5 =	vld.idx.msk [tilespmem:v4+s6+$0x0 ss:$0x1], $0xffff;
	_ =	sdelay $0x4  }
0x124: {  	v5 =	vand.u32 $0x3FF, v5  }
0x125: {  	(xrf1) =	vunique.msk.u32 $0xffff, v5;
	_ =	sdelay $0xb  }
0x126: {  	v6 =	vld.idx.msk [tilespmem:v5+s3+$0x0], $0xffff;
	_ =	sdelay $0x1  }
0x127: {  	_, v7, vm3 =	vpop (xrf1);
	_ =	sdelay $0x2  }
0x128: {  	v6 =	vadd.s32 v6, v7;
	v7 =	vor.u32 s14, v3  }
0x129: {  	[tilespmem:s6+$0x17CC0] =	vst v7;
	v7 =	vadd.s32 v0, v6  }
0x12a: {  	[tilespmem:s6+$0x180C0] =	vst v7  }
0x12b: {  	s15 =	simm.s32 $0x10;
	s25 =	simm.s32 $0x80;
	s16 =	smov.u32 s14;
	[tilespmem:v5+s3+$0x0] =	vst.idx.msk vm3, v6  }
.LBB2_11:
0x12c: {  	p0 =	sne.s32 s25, $0xFC0;
	v5 =	vld.idx.msk [tilespmem:v4+s15+$0x0 ss:$0x1], $0xffff;
	_ =	sdelay $0x5  }
0x12d: {  	v5 =	vand.u32 $0x3FF, v5  }
0x12e: {  	(xrf1) =	vunique.msk.u32 $0xffff, v5;
	_ =	sdelay $0x8  }
0x12f: {  	s16 =	sadd.s32 $0x10, s16  }
0x130: {  	v6 =	vor.u32 s16, v3  }
0x131: {  	v7 =	vld.idx.msk [tilespmem:v5+s3+$0x0], $0xffff;
	[tilespmem:s15+$0x17CC0] =	vst v6;
	_ =	sdelay $0x2  }
0x132: {  	_, v6, vm3 =	vpop (xrf1);
	_ =	sdelay $0x1  }
.Ltmp4:
0x133: {  	(pc) =	sbr.rel @p0 .LBB2_11-.Ltmp4, $4  }
0x134: {  	v6 =	vadd.s32 v7, v6  }
0x135: {  	v7 =	vadd.s32 v0, v6  }
0x136: {  	[tilespmem:s15+$0x180C0] =	vst v7  }
0x137: {  	s15 =	sshra.s32 s25, $0x2;
	s25 =	sadd.s32 $0x40, s25;
	[tilespmem:v5+s3+$0x0] =	vst.idx.msk vm3, v6  }
0x138: {  	_ =	sdelay $0x3  }
0x139: {  	v4 =	vld.idx.msk [tilespmem:v4+s15+$0x0 ss:$0x1], $0xffff;
	_ =	sdelay $0x4  }
0x13a: {  	v4 =	vand.u32 $0x3FF, v4  }
0x13b: {  	(xrf1) =	vunique.msk.u32 $0xffff, v4;
	_ =	sdelay $0xb  }
0x13c: {  	v5 =	vld.idx.msk [tilespmem:v4+s3+$0x0], $0xffff;
	_ =	sdelay $0x1  }
0x13d: {  	_, v6, vm3 =	vpop (xrf1);
	_ =	sdelay $0x1  }
0x13e: {  	s6 =	sadd.s32 $0x10, s16  }
0x13f: {  	v62 =	vor.u32 s6, v3;
	v5 =	vadd.s32 v5, v6  }
0x140: {  	[tilespmem:s15+$0x17CC0] =	vst v62;
	v63 =	vadd.s32 v0, v5  }
0x141: {  	[tilespmem:s15+$0x180C0] =	vst v63  }
0x142: {  	[tilespmem:v4+s3+$0x0] =	vst.idx.msk vm3, v5  }
0x143: {  	[spmem:s1] =	stream.indirect.scatter [tilespmem:s30], [sflag:$0x1], $0x1, s29, s28, $0xb8;
	[tilespmem:$0x184C0] =	vst v63  }
0x144: {  	_ = 	snop  }
0x145: {  	[spmem:s1] =	stream.indirect.scatter [tilespmem:s7], [sflag:$0x1], $0x1, s24, s28, $0xb8;
	[tilespmem:$0x184C0] =	vst v63  }
0x146: {  	_ = 	snop  }
0x147: {  	[spmem:s1] =	stream.indirect.scatter [tilespmem:s9], [sflag:$0x1], $0x1, s8, s28, $0xb8;
	[tilespmem:$0x184C0] =	vst v63  }
0x148: {  	_ = 	snop  }
0x149: {  	[spmem:s1] =	stream.indirect.scatter [tilespmem:s11], [sflag:$0x1], $0x1, s10, s28, $0xb8;
	[tilespmem:$0x184C0] =	vst v63  }
0x14a: {  	_ = 	snop  }
0x14b: {  	[spmem:s1] =	stream.indirect.scatter [tilespmem:s17], [sflag:$0x1], $0x1, s12, s28, $0xb8;
	[tilespmem:$0x184C0] =	vst v63  }
0x14c: {  	_ = 	snop  }
0x14d: {  	[spmem:s1] =	stream.indirect.scatter [tilespmem:s19], [sflag:$0x1], $0x1, s18, s28, $0xb8;
	[tilespmem:$0x184C0] =	vst v63  }
0x14e: {  	_ = 	snop  }
0x14f: {  	[spmem:s1] =	stream.indirect.scatter [tilespmem:s21], [sflag:$0x1], $0x1, s20, s28, $0xb8;
	[tilespmem:$0x184C0] =	vst v63  }
0x150: {  	_ = 	snop  }
0x151: {  	[spmem:s1] =	stream.indirect.scatter [tilespmem:s23], [sflag:$0x1], $0x1, s22, s28, $0xb8;
	[tilespmem:$0x184C0] =	vst v63  }
0x152: {  	_ =	swait.ge [sflag:s5], $0x80  }
0x153: {  	[sflag:s5] =	ssyncset.done $0x0  }
0x154: {  	[sflag:s5] =	ssyncadd.s32 $0xFFFFFF80  }
0x155: {  	_ =	swait.ge [sflag:s5], $0x80  }
0x156: {  	[sflag:s5] =	ssyncset.done $0x0  }
0x157: {  	[sflag:s5] =	ssyncadd.s32 $0xFFFFFF80  }
0x158: {  	_ =	swait.ge [sflag:s5], $0x80  }
0x159: {  	[sflag:s5] =	ssyncset.done $0x0  }
0x15a: {  	[sflag:s5] =	ssyncadd.s32 $0xFFFFFF80  }
0x15b: {  	_ =	swait.ge [sflag:s5], $0x80  }
0x15c: {  	[sflag:s5] =	ssyncset.done $0x0  }
0x15d: {  	[sflag:s5] =	ssyncadd.s32 $0xFFFFFF80  }
0x15e: {  	_ =	swait.ge [sflag:s5], $0x80  }
0x15f: {  	[sflag:s5] =	ssyncset.done $0x0  }
0x160: {  	[sflag:s5] =	ssyncadd.s32 $0xFFFFFF80  }
0x161: {  	_ =	swait.ge [sflag:s5], $0x80  }
0x162: {  	[sflag:s5] =	ssyncset.done $0x0  }
0x163: {  	s4 =	sadd.s32 $0x1, s4;
	[sflag:s5] =	ssyncadd.s32 $0xFFFFFF80  }
0x164: {  	p0 =	sne.s32 s4, $0x8;
	_ =	swait.ge [sflag:s5], $0x80  }
.Ltmp5:
0x165: {  	[sflag:s5] =	ssyncset.done $0x0;
	(pc) =	sbr.rel @p0 .LBB2_10-.Ltmp5, $4  }
0x166: {  	[sflag:s5] =	ssyncadd.s32 $0xFFFFFF80  }
0x167: {  	_ =	swait.ge [sflag:s5], $0x80  }
0x168: {  	[sflag:s5] =	ssyncset.done $0x0  }
0x169: {  	s13 =	sadd.s32 $0x400, s13;
	s14 =	sadd.s32 $0x400, s14;
	[sflag:s5] =	ssyncadd.s32 $0xFFFFFF80  }
0x16a: {  	[bflag:$0x0] =	sbarrier.arrive $0xFFFF  }
0x16b: {  	s6 =	simm.s32 $0x14460;
	s4 =	rddreg [dreg:$0x12]  }
0x16c: {  	[tilespmem:s6], [sflag:$0x2] =	stream.linear.gather [spmem:s4], $0x2000, $0x38;
	[tilespmem:$0x184C0] =	vst v63  }
0x16d: {  	_ =	swait.ge [sflag:s26], $0x2000  }
0x16e: {  	[sflag:s26] =	ssyncset.done $0x0  }
0x16f: {  	s4 =	simm.s32 $0x0;
	[sflag:s26] =	ssyncadd.s32 $0xFFFFE000  }
.LBB2_14:
0x170: {  	s6 =	sshra.s32 s4, $0x2  }
0x171: {  	v4 =	vld [tilespmem:s6+$0x14460];
	_ =	sdelay $0x7  }
0x172: {  	v4 =	vld.idx.msk [tilespmem:v4+s0+$0x0], $0xffff;
	_ =	sdelay $0x4  }
0x173: {  	v5 =	vshrl.u32 v4, $0xA  }
0x174: {  	p0 =	sne.s32 s4, $0x7FC0;
	v5 =	vand.u32 $0x3FF, v5  }
.Ltmp6:
0x175: {  	_ = 	snop;
	(pc) =	sbr.rel @p0 .LBB2_14-.Ltmp6, $3  }
0x176: {  	_ =	sdelay $0x1  }
0x177: {  	[tilespmem:s6+$0x12460] =	vst v4  }
0x178: {  	s4 =	sadd.s32 $0x40, s4;
	[tilespmem:v5+s31+$0x0] =	vst.idx.add.s32.msk $0xffff, v2  }
0x179: {  	s4 =	rddreg [dreg:$0x10]  }
0x17a: {  	[spmem:s4] =	stream.linear.scatter [tilespmem:s31], [sflag:$0x2], $0x400, $0x38;
	[tilespmem:$0x184C0] =	vst v63  }
0x17b: {  	_ =	swait.ge [sflag:s26], $0x400  }
0x17c: {  	[sflag:s26] =	ssyncset.done $0x0  }
0x17d: {  	[sflag:s26] =	ssyncadd.s32 $0xFFFFFC00  }
0x17e: {  	[bflag:$0x0] =	sbarrier.arrive $0xFFFF  }
0x17f: {  	s6 =	simm.s32 $0x16C60;
	s25 =	rddreg [dreg:$0x11]  }
0x180: {  	[tilespmem:s6], [sflag:$0x2] =	stream.linear.gather [spmem:s25], $0x1000, $0x38;
	[tilespmem:$0x184C0] =	vst v63  }
0x181: {  	_ =	swait.ge [sflag:s26], $0x1000  }
0x182: {  	[sflag:s26] =	ssyncset.done $0x0  }
0x183: {  	s15 =	simm.s32 $0x0;
	[sflag:s26] =	ssyncadd.s32 $0xFFFFF000  }
0x184: {  	v9 =	vld [tilespmem:s15+$0x16C60]  }
0x185: {  	v10 =	vld [tilespmem:s15+$0x17060]  }
0x186: {  	v11 =	vld [tilespmem:s15+$0x17460]  }
0x187: {  	s26 =	simm.s32 $0x10;
	[tilespmem:s15+$0x16460] =	vst v1;
	v4 =	vld [tilespmem:s15+$0x17860]  }
0x188: {  	v12 =	vld [tilespmem:s26+$0x16C60]  }
0x189: {  	v13 =	vld [tilespmem:s26+$0x17060]  }
0x18a: {  	v14 =	vld [tilespmem:s26+$0x17460]  }
0x18b: {  	v6 =	vld [tilespmem:s26+$0x17860];
	v5 =	vadd.s32 v9, v10  }
0x18c: {  	v5 =	vadd.s32 v11, v5  }
0x18d: {  	v5 =	vadd.s32 v4, v5  }
0x18e: {  	s30 =	simm.s32 $0x20;
	[tilespmem:s26+$0x16460] =	vst v1;
	v4 =	vadd.s32 v12, v13;
	(xrf0) =	vadd.scan.msk.s32 $0xffff, v5  }
0x18f: {  	v16 =	vld [tilespmem:s30+$0x16C60];
	v4 =	vadd.s32 v14, v4  }
0x190: {  	v22 =	vld [tilespmem:s30+$0x17060];
	v4 =	vadd.s32 v6, v4  }
0x191: {  	v23 =	vld [tilespmem:s30+$0x17460];
	(xrf0) =	vadd.scan.msk.s32 $0xffff, v4  }
0x192: {  	v6 =	vld [tilespmem:s30+$0x17860];
	_ =	sdelay $0x1  }
0x193: {  	v8, _, _ =	vpop (xrf0)  }
0x194: {  	v7 =	vadd.s32 v16, v22;
	v15 =	vxor.u32 $0x80000000, v8  }
0x195: {  	v7 =	vadd.s32 v23, v7;
	(xrf0) =	vmax.scan.msk.u32 $0xffff, v15  }
0x196: {  	v7 =	vadd.s32 v6, v7;
	v6, _, _ =	vpop (xrf0)  }
0x197: {  	s13 =	simm.s32 $0x30;
	[tilespmem:s30+$0x16460] =	vst v1;
	(xrf0) =	vadd.scan.msk.s32 $0xffff, v7;
	v15 =	vxor.u32 $0x80000000, v6  }
0x198: {  	v24 =	vld [tilespmem:s13+$0x16C60];
	(xrf0) =	vmax.scan.msk.u32 $0xffff, v15  }
0x199: {  	v25 =	vld [tilespmem:s13+$0x17060]  }
0x19a: {  	v26 =	vld [tilespmem:s13+$0x17460]  }
0x19b: {  	v27 =	vld [tilespmem:s13+$0x17860];
	v29 =	vsel vm2, $0x0, v9;
	v9, _, _ =	vpop (xrf0)  }
0x19c: {  	(v2sf) =	vpush v9, $0xF  }
0x19d: {  	v20 =	vnsel vm1, $0x0, v10;
	v17 =	vsel vm2, $0x0, v12;
	v12, _, _ =	vpop (xrf0)  }
0x19e: {  	s14 =	simm.s32 $0x40;
	v21 =	vnsel vm0, $0x0, v14;
	v10 =	vadd.s32 v24, v25;
	v14 =	vnsel vm0, $0x0, v23;
	[tilespmem:s13+$0x16460] =	vst v1;
	v23, _, _ =	vpop (xrf0)  }
0x19f: {  	v28 =	vld [tilespmem:s14+$0x16C60];
	v9 =	vadd.s32 v26, v10;
	(v2sf) =	vpush v23, $0xF  }
0x1a0: {  	v30 =	vld [tilespmem:s14+$0x17060];
	v9 =	vadd.s32 v27, v9  }
0x1a1: {  	v18 =	vsel vm2, $0x0, v16;
	v15 =	vnsel vm1, $0x0, v13;
	v13 =	vnsel vm1, $0x0, v22;
	v22 =	vld [tilespmem:s14+$0x17460];
	(xrf0) =	vadd.scan.msk.s32 $0xffff, v9  }
0x1a2: {  	v16 =	vsel vm2, $0x0, v24;
	v10 =	vnsel vm0, $0x0, v26;
	v26 =	vld [tilespmem:s14+$0x17860];
	v24 =	vxor.u32 $0x80000000, v12  }
0x1a3: {  	(xrf0) =	vmax.scan.msk.u32 $0xffff, v24  }
0x1a4: {  	v19 =	vnsel vm0, $0x0, v11;
	v11 =	vnsel vm1, $0x0, v25  }
0x1a5: {  	s16 =	simm.s32 $0x50;
	s4 =	simm.s32 $0x0;
	[tilespmem:s14+$0x16460] =	vst v1;
	v25 =	vnsel vm1, $0x0, v30;
	v27 =	vadd.s32 v28, v30;
	v23 =	vsel vm2, $0x0, v28  }
0x1a6: {  	s29 =	simm.s32 $0x180;
	s25 =	simm.s32 $0x0;
	[tilespmem:s16+$0x16460] =	vst v1;
	v28 =	vadd.s32 v22, v27;
	v22 =	vnsel vm0, $0x0, v22;
	v27 =	vadd.s32 s4, v29;
	v24 =	vld [tilespmem:s16+$0x16C60]  }
.LBB2_16:
0x1a7: {  	v28 =	vadd.s32 v26, v28;
	v30, _, _ =	vpop (xrf0);
	v26 =	vadd.s32 v20, v27;
	v31 =	vmov v16  }
0x1a8: {  	p0 =	sne.s32 s29, $0xFC0;
	v29 =	vld [tilespmem:s16+$0x17060];
	v16 =	vmovc v23;
	v20 =	vmovc v15;
	v15 =	vmov v13;
	v13 =	vmov v11;
	v11 =	vmov v25;
	s6 =	smov.u32 s16  }
0x1a9: {  	v27 =	vld [tilespmem:s6+$0x17460];
	(xrf0) =	vadd.scan.msk.s32 $0xffff, v28;
	v23 =	vxor.u32 $0x80000000, v30;
	v25, _, _ =	vpop (xrf0);
	v32 =	vadd.s32 v19, v26;
	v19 =	vmov v21  }
.Ltmp7:
0x1aa: {  	v26 =	vld [tilespmem:s6+$0x17860];
	(xrf0) =	vmax.scan.msk.u32 $0xffff, v23;
	(v2sf) =	vpush v25, $0xF;
	v32 =	vsub.s32 v32, v5;
	v5 =	vmovc v4;
	v4 =	vmov v7;
	(pc) =	sbr.rel @p0 .LBB2_16-.Ltmp7, $4  }
0x1ab: {  	v7 =	vmovc v9;
	v9 =	vmovc v28;
	v25 =	vadd.s32 v8, v32;
	s16 =	spop (v2sf);
	v8 =	vmov v6;
	v6 =	vmov v12  }
0x1ac: {  	v21 =	vmovc v14;
	v14 =	vmovc v10;
	v10 =	vmov v22;
	v12 =	vmov v30;
	v23 =	vsel vm2, $0x0, v24;
	[tilespmem:s15+$0x16860] =	vst v25;
	s25 =	sadd.s32 s16, s25;
	s15 =	smov.u32 s26;
	s26 =	smov.u32 s30  }
0x1ad: {  	s16 =	sshra.s32 s29, $0x2;
	s30 =	smov.u32 s13;
	v22 =	vadd.s32 v24, v29;
	v25 =	vnsel vm1, $0x0, v29;
	s25 =	sadd.s32 $0x80000000, s25  }
0x1ae: {  	s29 =	sadd.s32 $0x40, s29;
	s13 =	smov.u32 s14;
	s14 =	smov.u32 s6;
	v24 =	vld [tilespmem:s16+$0x16C60];
	[tilespmem:s16+$0x16460] =	vst v1;
	v28 =	vadd.s32 v27, v22;
	v22 =	vnsel vm0, $0x0, v27;
	v27 =	vadd.s32 s25, v17;
	v17 =	vmovc v18;
	v18 =	vmovc v31  }
0x1af: {  	v29 =	vld [tilespmem:s16+$0x17060];
	v26 =	vadd.s32 v26, v28  }
0x1b0: {  	v46 =	vld [tilespmem:s16+$0x17460];
	(xrf0) =	vadd.scan.msk.s32 $0xffff, v26  }
0x1b1: {  	v30 =	vld [tilespmem:s16+$0x17860];
	_ =	sdelay $0x2  }
0x1b2: {  	v31, _, _ =	vpop (xrf0);
	v32 =	vadd.s32 v24, v29  }
0x1b3: {  	v33 =	vxor.u32 $0x80000000, v31;
	v34, _, _ =	vpop (xrf0);
	v32 =	vadd.s32 v46, v32  }
0x1b4: {  	(xrf0) =	vmax.scan.msk.u32 $0xffff, v33;
	v30 =	vadd.s32 v30, v32;
	v47, _, _ =	vpop (xrf0)  }
0x1b5: {  	(xrf0) =	vadd.scan.msk.s32 $0xffff, v30;
	v48 =	vxor.u32 $0x80000000, v47  }
0x1b6: {  	(xrf0) =	vmax.scan.msk.u32 $0xffff, v48;
	_ =	sdelay $0x2  }
0x1b7: {  	(v2sf) =	vpush v34, $0xF  }
0x1b8: {  	v49, _, _ =	vpop (xrf0)  }
0x1b9: {  	(v2sf) =	vpush v49, $0xF;
	v50, _, _ =	vpop (xrf0)  }
0x1ba: {  	v51, _, _ =	vpop (xrf0)  }
0x1bb: {  	v52 =	vxor.u32 $0x80000000, v50;
	(v2sf) =	vpush v51, $0xF  }
0x1bc: {  	(xrf0) =	vmax.scan.msk.u32 $0xffff, v52;
	_ =	sdelay $0x5  }
0x1bd: {  	s6 =	spop (v2sf);
	v34, _, _ =	vpop (xrf0)  }
0x1be: {  	s6 =	sadd.s32 s6, s25;
	(v2sf) =	vpush v34, $0xF  }
0x1bf: {  	v20 =	vadd.s32 v20, v27;
	s6 =	sadd.s32 $0x80000000, s6;
	s29 =	spop (v2sf)  }
0x1c0: {  	v19 =	vadd.s32 v19, v20;
	s25 =	sadd.s32 s29, s6  }
0x1c1: {  	v5 =	vsub.s32 v19, v5;
	s25 =	sadd.s32 $0x80000000, s25;
	s29 =	spop (v2sf)  }
0x1c2: {  	v17 =	vadd.s32 s6, v17;
	v5 =	vadd.s32 v8, v5;
	s29 =	sadd.s32 s29, s25  }
0x1c3: {  	v53 =	vsel vm2, $0x0, v24;
	v15 =	vadd.s32 v15, v17;
	v54 =	vadd.s32 s25, v18;
	s6 =	sadd.s32 $0x80000000, s29;
	s29 =	spop (v2sf)  }
0x1c4: {  	v55 =	vnsel vm1, $0x0, v29;
	v15 =	vadd.s32 v21, v15;
	v13 =	vadd.s32 v13, v54;
	s25 =	sadd.s32 s29, s6  }
0x1c5: {  	v4 =	vsub.s32 v15, v4;
	v13 =	vadd.s32 v14, v13;
	v56 =	vadd.s32 s6, v16;
	s6 =	sadd.s32 $0x80000000, s25;
	s29 =	spop (v2sf)  }
0x1c6: {  	v57 =	vnsel vm0, $0x0, v46;
	v4 =	vadd.s32 v6, v4;
	v58 =	vsub.s32 v13, v7;
	s25 =	sadd.s32 s29, s6  }
0x1c7: {  	v6 =	vadd.s32 v12, v58;
	v59 =	vadd.s32 v11, v56;
	v60 =	vadd.s32 s6, v23;
	s29 =	sadd.s32 $0x80000000, s25  }
0x1c8: {  	[tilespmem:s15+$0x16860] =	vst v5;
	v5 =	vadd.s32 v10, v59;
	v61 =	vadd.s32 v25, v60;
	v8 =	vadd.s32 s29, v53  }
0x1c9: {  	[tilespmem:s26+$0x16860] =	vst v4;
	v4 =	vsub.s32 v5, v9;
	v5 =	vadd.s32 v22, v61;
	v62 =	vadd.s32 v55, v8  }
0x1ca: {  	[tilespmem:s30+$0x16860] =	vst v6;
	v4 =	vadd.s32 v31, v4;
	v5 =	vsub.s32 v5, v26;
	v63 =	vadd.s32 v57, v62  }
0x1cb: {  	[tilespmem:s13+$0x16860] =	vst v4;
	v4 =	vadd.s32 v47, v5;
	v5 =	vsub.s32 v63, v30  }
0x1cc: {  	s26 =	simm.s32 $0x17CC0;
	s13 =	simm.s32 $0x14460;
	[tilespmem:s14+$0x16860] =	vst v4;
	s14 =	simm.s32 $0x12460;
	v4 =	vadd.s32 v50, v5  }
0x1cd: {  	s6 =	simm.s32 $0x180C0;
	s25 =	simm.s32 $0x2;
	s30 =	spop (v2sf);
	[tilespmem:s16+$0x16860] =	vst v4  }
.LBB2_18:
0x1ce: {  	v5 =	vmov s14;
	_ =	sdelay $0x3  }
0x1cf: {  	v4 =	vmov s13;
	s15 =	simm.s32 $0x0;
	s16 =	simm.s32 $0x40  }
.LBB2_19:
0x1d0: {  	p0 =	sne.s32 s16, $0xFC0;
	v6 =	vld.idx.msk [tilespmem:v5+s15+$0x0 ss:$0x1], $0xffff;
	_ =	sdelay $0x5  }
0x1d1: {  	v6 =	vshrl.u32 v6, $0xA  }
0x1d2: {  	v6 =	vand.u32 $0x3FF, v6  }
0x1d3: {  	(xrf1) =	vunique.msk.u32 $0xffff, v6;
	_ =	sdelay $0xa  }
0x1d4: {  	v7 =	vld.idx.msk [tilespmem:v6+s3+$0x0], $0xffff  }
0x1d5: {  	v8 =	vld.idx.msk [tilespmem:v4+s15+$0x0 ss:$0x1], $0xffff;
	_ =	sdelay $0x1  }
0x1d6: {  	_, v9, vm3 =	vpop (xrf1);
	_ =	sdelay $0x1  }
.Ltmp8:
0x1d7: {  	(pc) =	sbr.rel @p0 .LBB2_19-.Ltmp8, $4  }
0x1d8: {  	v7 =	vadd.s32 v7, v9  }
0x1d9: {  	[tilespmem:s15+$0x17CC0] =	vst v8;
	v8 =	vadd.s32 v0, v7  }
0x1da: {  	[tilespmem:s15+$0x180C0] =	vst v8  }
0x1db: {  	s15 =	sshra.s32 s16, $0x2;
	s16 =	sadd.s32 $0x40, s16;
	[tilespmem:v6+s3+$0x0] =	vst.idx.msk vm3, v7  }
0x1dc: {  	_ =	sdelay $0x3  }
0x1dd: {  	v5 =	vld.idx.msk [tilespmem:v5+s15+$0x0 ss:$0x1], $0xffff;
	_ =	sdelay $0x4  }
0x1de: {  	v5 =	vshrl.u32 v5, $0xA  }
0x1df: {  	v5 =	vand.u32 $0x3FF, v5  }
0x1e0: {  	(xrf1) =	vunique.msk.u32 $0xffff, v5;
	_ =	sdelay $0xb  }
0x1e1: {  	v6 =	vld.idx.msk [tilespmem:v5+s3+$0x0], $0xffff  }
0x1e2: {  	v4 =	vld.idx.msk [tilespmem:v4+s15+$0x0 ss:$0x1], $0xffff  }
0x1e3: {  	_, v7, vm3 =	vpop (xrf1);
	_ =	sdelay $0x2  }
0x1e4: {  	v6 =	vadd.s32 v6, v7  }
0x1e5: {  	[tilespmem:s15+$0x17CC0] =	vst v4;
	v4 =	vadd.s32 v0, v6  }
0x1e6: {  	[tilespmem:s15+$0x180C0] =	vst v4  }
0x1e7: {  	[tilespmem:v5+s3+$0x0] =	vst.idx.msk vm3, v6  }
0x1e8: {  	[spmem:s2] =	stream.indirect.scatter [tilespmem:s26], [sflag:$0x1], $0x1, s6, s28, $0xb8;
	[tilespmem:$0x184C0] =	vst v63  }
0x1e9: {  	_ = 	snop  }
0x1ea: {  	[spmem:s2] =	stream.indirect.scatter [tilespmem:s7], [sflag:$0x1], $0x1, s24, s28, $0xb8;
	[tilespmem:$0x184C0] =	vst v63  }
0x1eb: {  	_ = 	snop  }
0x1ec: {  	[spmem:s2] =	stream.indirect.scatter [tilespmem:s9], [sflag:$0x1], $0x1, s8, s28, $0xb8;
	[tilespmem:$0x184C0] =	vst v63  }
0x1ed: {  	_ = 	snop  }
0x1ee: {  	[spmem:s2] =	stream.indirect.scatter [tilespmem:s11], [sflag:$0x1], $0x1, s10, s28, $0xb8;
	[tilespmem:$0x184C0] =	vst v63  }
0x1ef: {  	_ = 	snop  }
0x1f0: {  	[spmem:s2] =	stream.indirect.scatter [tilespmem:s17], [sflag:$0x1], $0x1, s12, s28, $0xb8;
	[tilespmem:$0x184C0] =	vst v63  }
0x1f1: {  	_ = 	snop  }
0x1f2: {  	[spmem:s2] =	stream.indirect.scatter [tilespmem:s19], [sflag:$0x1], $0x1, s18, s28, $0xb8;
	[tilespmem:$0x184C0] =	vst v63  }
0x1f3: {  	_ = 	snop  }
0x1f4: {  	[spmem:s2] =	stream.indirect.scatter [tilespmem:s21], [sflag:$0x1], $0x1, s20, s28, $0xb8;
	[tilespmem:$0x184C0] =	vst v63  }
0x1f5: {  	_ = 	snop  }
0x1f6: {  	[spmem:s2] =	stream.indirect.scatter [tilespmem:s23], [sflag:$0x1], $0x1, s22, s28, $0xb8;
	[tilespmem:$0x184C0] =	vst v63  }
0x1f7: {  	_ =	swait.ge [sflag:s5], $0x80  }
0x1f8: {  	[sflag:s5] =	ssyncset.done $0x0  }
0x1f9: {  	[sflag:s5] =	ssyncadd.s32 $0xFFFFFF80  }
0x1fa: {  	_ =	swait.ge [sflag:s5], $0x80  }
0x1fb: {  	[sflag:s5] =	ssyncset.done $0x0  }
0x1fc: {  	[sflag:s5] =	ssyncadd.s32 $0xFFFFFF80  }
0x1fd: {  	_ =	swait.ge [sflag:s5], $0x80  }
0x1fe: {  	[sflag:s5] =	ssyncset.done $0x0  }
0x1ff: {  	[sflag:s5] =	ssyncadd.s32 $0xFFFFFF80  }
0x200: {  	_ =	swait.ge [sflag:s5], $0x80  }
0x201: {  	[sflag:s5] =	ssyncset.done $0x0  }
0x202: {  	[sflag:s5] =	ssyncadd.s32 $0xFFFFFF80  }
0x203: {  	_ =	swait.ge [sflag:s5], $0x80  }
0x204: {  	[sflag:s5] =	ssyncset.done $0x0  }
0x205: {  	[sflag:s5] =	ssyncadd.s32 $0xFFFFFF80  }
0x206: {  	_ =	swait.ge [sflag:s5], $0x80  }
0x207: {  	[sflag:s5] =	ssyncset.done $0x0  }
0x208: {  	s4 =	sadd.s32 $0x1, s4;
	[sflag:s5] =	ssyncadd.s32 $0xFFFFFF80  }
0x209: {  	p0 =	sne.s32 s4, $0x8;
	_ =	swait.ge [sflag:s5], $0x80  }
.Ltmp9:
0x20a: {  	[sflag:s5] =	ssyncset.done $0x0;
	(pc) =	sbr.rel @p0 .LBB2_18-.Ltmp9, $4  }
0x20b: {  	[sflag:s5] =	ssyncadd.s32 $0xFFFFFF80  }
0x20c: {  	_ =	swait.ge [sflag:s5], $0x80  }
0x20d: {  	[sflag:s5] =	ssyncset.done $0x0  }
0x20e: {  	s13 =	sadd.s32 $0x400, s13;
	s14 =	sadd.s32 $0x400, s14;
	[sflag:s5] =	ssyncadd.s32 $0xFFFFFF80  }
0x20f: {  	[bflag:$0x0] =	sbarrier.arrive $0xFFFF  }
0x210: {  	s6 =	simm.s32 $0x14460;
	s4 =	rddreg [dreg:$0x14]  }
0x211: {  	[tilespmem:s6], [sflag:$0x2] =	stream.linear.gather [spmem:s4], $0x2000, $0x38;
	[tilespmem:$0x184C0] =	vst v63  }
0x212: {  	_ =	swait.ge [sflag:s25], $0x2000  }
0x213: {  	[sflag:s25] =	ssyncset.done $0x0  }
0x214: {  	s4 =	simm.s32 $0x0;
	[sflag:s25] =	ssyncadd.s32 $0xFFFFE000  }
.LBB2_22:
0x215: {  	s6 =	sshra.s32 s4, $0x2  }
0x216: {  	v4 =	vld [tilespmem:s6+$0x14460];
	_ =	sdelay $0x7  }
0x217: {  	v4 =	vld.idx.msk [tilespmem:v4+s0+$0x0], $0xffff;
	_ =	sdelay $0x4  }
0x218: {  	v5 =	vshrl.u32 v4, $0x14  }
0x219: {  	p0 =	sne.s32 s4, $0x7FC0;
	v5 =	vand.u32 $0x3FF, v5  }
.Ltmp10:
0x21a: {  	_ = 	snop;
	(pc) =	sbr.rel @p0 .LBB2_22-.Ltmp10, $3  }
0x21b: {  	_ =	sdelay $0x1  }
0x21c: {  	[tilespmem:s6+$0x12460] =	vst v4  }
0x21d: {  	s4 =	sadd.s32 $0x40, s4;
	[tilespmem:v5+s31+$0x0] =	vst.idx.add.s32.msk $0xffff, v2  }
0x21e: {  	s4 =	rddreg [dreg:$0x10]  }
0x21f: {  	[spmem:s4] =	stream.linear.scatter [tilespmem:s31], [sflag:$0x2], $0x400, $0x38;
	[tilespmem:$0x184C0] =	vst v63  }
0x220: {  	_ =	swait.ge [sflag:s25], $0x400  }
0x221: {  	[sflag:s25] =	ssyncset.done $0x0  }
0x222: {  	[sflag:s25] =	ssyncadd.s32 $0xFFFFFC00  }
0x223: {  	[bflag:$0x0] =	sbarrier.arrive $0xFFFF  }
0x224: {  	s6 =	simm.s32 $0x16C60;
	s26 =	rddreg [dreg:$0x11]  }
0x225: {  	[tilespmem:s6], [sflag:$0x2] =	stream.linear.gather [spmem:s26], $0x1000, $0x38;
	[tilespmem:$0x184C0] =	vst v63  }
0x226: {  	_ =	swait.ge [sflag:s25], $0x1000  }
0x227: {  	[sflag:s25] =	ssyncset.done $0x0  }
0x228: {  	s15 =	simm.s32 $0x0;
	[sflag:s25] =	ssyncadd.s32 $0xFFFFF000  }
0x229: {  	v9 =	vld [tilespmem:s15+$0x16C60]  }
0x22a: {  	v10 =	vld [tilespmem:s15+$0x17060]  }
0x22b: {  	v11 =	vld [tilespmem:s15+$0x17460]  }
0x22c: {  	s26 =	simm.s32 $0x10;
	[tilespmem:s15+$0x16460] =	vst v1;
	v4 =	vld [tilespmem:s15+$0x17860]  }
0x22d: {  	v12 =	vld [tilespmem:s26+$0x16C60]  }
0x22e: {  	v13 =	vld [tilespmem:s26+$0x17060]  }
0x22f: {  	v14 =	vld [tilespmem:s26+$0x17460]  }
0x230: {  	v6 =	vld [tilespmem:s26+$0x17860];
	v5 =	vadd.s32 v9, v10  }
0x231: {  	v5 =	vadd.s32 v11, v5  }
0x232: {  	v5 =	vadd.s32 v4, v5  }
0x233: {  	s30 =	simm.s32 $0x20;
	[tilespmem:s26+$0x16460] =	vst v1;
	v4 =	vadd.s32 v12, v13;
	(xrf0) =	vadd.scan.msk.s32 $0xffff, v5  }
0x234: {  	v16 =	vld [tilespmem:s30+$0x16C60];
	v4 =	vadd.s32 v14, v4  }
0x235: {  	v22 =	vld [tilespmem:s30+$0x17060];
	v4 =	vadd.s32 v6, v4  }
0x236: {  	v23 =	vld [tilespmem:s30+$0x17460];
	(xrf0) =	vadd.scan.msk.s32 $0xffff, v4  }
0x237: {  	v6 =	vld [tilespmem:s30+$0x17860];
	_ =	sdelay $0x1  }
0x238: {  	v8, _, _ =	vpop (xrf0)  }
0x239: {  	v7 =	vadd.s32 v16, v22;
	v15 =	vxor.u32 $0x80000000, v8  }
0x23a: {  	v7 =	vadd.s32 v23, v7;
	(xrf0) =	vmax.scan.msk.u32 $0xffff, v15  }
0x23b: {  	v7 =	vadd.s32 v6, v7;
	v6, _, _ =	vpop (xrf0)  }
0x23c: {  	s13 =	simm.s32 $0x30;
	[tilespmem:s30+$0x16460] =	vst v1;
	(xrf0) =	vadd.scan.msk.s32 $0xffff, v7;
	v15 =	vxor.u32 $0x80000000, v6  }
0x23d: {  	v24 =	vld [tilespmem:s13+$0x16C60];
	(xrf0) =	vmax.scan.msk.u32 $0xffff, v15  }
0x23e: {  	v25 =	vld [tilespmem:s13+$0x17060]  }
0x23f: {  	v26 =	vld [tilespmem:s13+$0x17460]  }
0x240: {  	v27 =	vld [tilespmem:s13+$0x17860];
	v29 =	vsel vm2, $0x0, v9;
	v9, _, _ =	vpop (xrf0)  }
0x241: {  	(v2sf) =	vpush v9, $0xF  }
0x242: {  	v20 =	vnsel vm1, $0x0, v10;
	v17 =	vsel vm2, $0x0, v12;
	v12, _, _ =	vpop (xrf0)  }
0x243: {  	s14 =	simm.s32 $0x40;
	v21 =	vnsel vm0, $0x0, v14;
	v10 =	vadd.s32 v24, v25;
	v14 =	vnsel vm0, $0x0, v23;
	[tilespmem:s13+$0x16460] =	vst v1;
	v23, _, _ =	vpop (xrf0)  }
0x244: {  	v28 =	vld [tilespmem:s14+$0x16C60];
	v9 =	vadd.s32 v26, v10;
	(v2sf) =	vpush v23, $0xF  }
0x245: {  	v30 =	vld [tilespmem:s14+$0x17060];
	v9 =	vadd.s32 v27, v9  }
0x246: {  	v18 =	vsel vm2, $0x0, v16;
	v15 =	vnsel vm1, $0x0, v13;
	v13 =	vnsel vm1, $0x0, v22;
	v22 =	vld [tilespmem:s14+$0x17460];
	(xrf0) =	vadd.scan.msk.s32 $0xffff, v9  }
0x247: {  	v16 =	vsel vm2, $0x0, v24;
	v10 =	vnsel vm0, $0x0, v26;
	v26 =	vld [tilespmem:s14+$0x17860];
	v24 =	vxor.u32 $0x80000000, v12  }
0x248: {  	(xrf0) =	vmax.scan.msk.u32 $0xffff, v24  }
0x249: {  	v19 =	vnsel vm0, $0x0, v11;
	v11 =	vnsel vm1, $0x0, v25  }
0x24a: {  	s16 =	simm.s32 $0x50;
	s4 =	simm.s32 $0x0;
	[tilespmem:s14+$0x16460] =	vst v1;
	v25 =	vnsel vm1, $0x0, v30;
	v27 =	vadd.s32 v28, v30;
	v23 =	vsel vm2, $0x0, v28  }
0x24b: {  	s29 =	simm.s32 $0x180;
	s25 =	simm.s32 $0x0;
	[tilespmem:s16+$0x16460] =	vst v1;
	v28 =	vadd.s32 v22, v27;
	v22 =	vnsel vm0, $0x0, v22;
	v27 =	vadd.s32 s4, v29;
	v24 =	vld [tilespmem:s16+$0x16C60]  }
.LBB2_24:
0x24c: {  	v28 =	vadd.s32 v26, v28;
	v30, _, _ =	vpop (xrf0);
	v26 =	vadd.s32 v20, v27;
	v31 =	vmov v16  }
0x24d: {  	p0 =	sne.s32 s29, $0xFC0;
	v29 =	vld [tilespmem:s16+$0x17060];
	v16 =	vmovc v23;
	v20 =	vmovc v15;
	v15 =	vmov v13;
	v13 =	vmov v11;
	v11 =	vmov v25;
	s6 =	smov.u32 s16  }
0x24e: {  	v27 =	vld [tilespmem:s6+$0x17460];
	(xrf0) =	vadd.scan.msk.s32 $0xffff, v28;
	v23 =	vxor.u32 $0x80000000, v30;
	v25, _, _ =	vpop (xrf0);
	v32 =	vadd.s32 v19, v26;
	v19 =	vmov v21  }
.Ltmp11:
0x24f: {  	v26 =	vld [tilespmem:s6+$0x17860];
	(xrf0) =	vmax.scan.msk.u32 $0xffff, v23;
	(v2sf) =	vpush v25, $0xF;
	v32 =	vsub.s32 v32, v5;
	v5 =	vmovc v4;
	v4 =	vmov v7;
	(pc) =	sbr.rel @p0 .LBB2_24-.Ltmp11, $4  }
0x250: {  	v7 =	vmovc v9;
	v9 =	vmovc v28;
	v25 =	vadd.s32 v8, v32;
	s16 =	spop (v2sf);
	v8 =	vmov v6;
	v6 =	vmov v12  }
0x251: {  	v21 =	vmovc v14;
	v14 =	vmovc v10;
	v10 =	vmov v22;
	v12 =	vmov v30;
	v23 =	vsel vm2, $0x0, v24;
	[tilespmem:s15+$0x16860] =	vst v25;
	s25 =	sadd.s32 s16, s25;
	s15 =	smov.u32 s26;
	s26 =	smov.u32 s30  }
0x252: {  	s16 =	sshra.s32 s29, $0x2;
	s30 =	smov.u32 s13;
	v22 =	vadd.s32 v24, v29;
	v25 =	vnsel vm1, $0x0, v29;
	s25 =	sadd.s32 $0x80000000, s25  }
0x253: {  	s29 =	sadd.s32 $0x40, s29;
	s13 =	smov.u32 s14;
	s14 =	smov.u32 s6;
	v24 =	vld [tilespmem:s16+$0x16C60];
	[tilespmem:s16+$0x16460] =	vst v1;
	v28 =	vadd.s32 v27, v22;
	v22 =	vnsel vm0, $0x0, v27;
	v27 =	vadd.s32 s25, v17;
	v17 =	vmovc v18;
	v18 =	vmovc v31  }
0x254: {  	v29 =	vld [tilespmem:s16+$0x17060];
	v26 =	vadd.s32 v26, v28  }
0x255: {  	v46 =	vld [tilespmem:s16+$0x17460];
	(xrf0) =	vadd.scan.msk.s32 $0xffff, v26  }
0x256: {  	v30 =	vld [tilespmem:s16+$0x17860];
	_ =	sdelay $0x2  }
0x257: {  	v31, _, _ =	vpop (xrf0);
	v32 =	vadd.s32 v24, v29  }
0x258: {  	v33 =	vxor.u32 $0x80000000, v31;
	v34, _, _ =	vpop (xrf0);
	v32 =	vadd.s32 v46, v32  }
0x259: {  	(xrf0) =	vmax.scan.msk.u32 $0xffff, v33;
	v30 =	vadd.s32 v30, v32;
	v47, _, _ =	vpop (xrf0)  }
0x25a: {  	(xrf0) =	vadd.scan.msk.s32 $0xffff, v30;
	v48 =	vxor.u32 $0x80000000, v47  }
0x25b: {  	(xrf0) =	vmax.scan.msk.u32 $0xffff, v48;
	_ =	sdelay $0x2  }
0x25c: {  	(v2sf) =	vpush v34, $0xF  }
0x25d: {  	v49, _, _ =	vpop (xrf0)  }
0x25e: {  	(v2sf) =	vpush v49, $0xF;
	v50, _, _ =	vpop (xrf0)  }
0x25f: {  	v51, _, _ =	vpop (xrf0)  }
0x260: {  	v52 =	vxor.u32 $0x80000000, v50;
	(v2sf) =	vpush v51, $0xF  }
0x261: {  	(xrf0) =	vmax.scan.msk.u32 $0xffff, v52;
	_ =	sdelay $0x5  }
0x262: {  	s6 =	spop (v2sf);
	v34, _, _ =	vpop (xrf0)  }
0x263: {  	s6 =	sadd.s32 s6, s25;
	(v2sf) =	vpush v34, $0xF  }
0x264: {  	v20 =	vadd.s32 v20, v27;
	s6 =	sadd.s32 $0x80000000, s6;
	s25 =	spop (v2sf)  }
0x265: {  	v19 =	vadd.s32 v19, v20;
	s25 =	sadd.s32 s25, s6  }
0x266: {  	v5 =	vsub.s32 v19, v5;
	s25 =	sadd.s32 $0x80000000, s25;
	s29 =	spop (v2sf)  }
0x267: {  	v17 =	vadd.s32 s6, v17;
	v5 =	vadd.s32 v8, v5;
	s6 =	sadd.s32 s29, s25  }
0x268: {  	v53 =	vsel vm2, $0x0, v24;
	v15 =	vadd.s32 v15, v17;
	v54 =	vadd.s32 s25, v18;
	s6 =	sadd.s32 $0x80000000, s6;
	s25 =	spop (v2sf)  }
0x269: {  	v55 =	vnsel vm1, $0x0, v29;
	v15 =	vadd.s32 v21, v15;
	v13 =	vadd.s32 v13, v54;
	s25 =	sadd.s32 s25, s6  }
0x26a: {  	v4 =	vsub.s32 v15, v4;
	v13 =	vadd.s32 v14, v13;
	v56 =	vadd.s32 s6, v16;
	s6 =	sadd.s32 $0x80000000, s25;
	s25 =	spop (v2sf)  }
0x26b: {  	v57 =	vnsel vm0, $0x0, v46;
	v4 =	vadd.s32 v6, v4;
	v58 =	vsub.s32 v13, v7;
	s25 =	sadd.s32 s25, s6  }
0x26c: {  	v6 =	vadd.s32 v12, v58;
	v59 =	vadd.s32 v11, v56;
	v60 =	vadd.s32 s6, v23;
	s25 =	sadd.s32 $0x80000000, s25  }
0x26d: {  	[tilespmem:s15+$0x16860] =	vst v5;
	v5 =	vadd.s32 v10, v59;
	v61 =	vadd.s32 v25, v60;
	v8 =	vadd.s32 s25, v53  }
0x26e: {  	[tilespmem:s26+$0x16860] =	vst v4;
	v4 =	vsub.s32 v5, v9;
	v5 =	vadd.s32 v22, v61;
	v62 =	vadd.s32 v55, v8  }
0x26f: {  	[tilespmem:s30+$0x16860] =	vst v6;
	v4 =	vadd.s32 v31, v4;
	v5 =	vsub.s32 v5, v26;
	v63 =	vadd.s32 v57, v62  }
0x270: {  	s26 =	simm.s32 $0x2;
	[tilespmem:s13+$0x16860] =	vst v4;
	v4 =	vadd.s32 v47, v5;
	v5 =	vsub.s32 v63, v30  }
0x271: {  	s29 =	simm.s32 $0x17CC0;
	s13 =	simm.s32 $0x14460;
	[tilespmem:s14+$0x16860] =	vst v4;
	s14 =	simm.s32 $0x12460;
	v4 =	vadd.s32 v50, v5  }
0x272: {  	s6 =	simm.s32 $0x180C0;
	s25 =	simm.s32 $0x0;
	s30 =	spop (v2sf);
	[tilespmem:s16+$0x16860] =	vst v4  }
.LBB2_26:
0x273: {  	v5 =	vmov s14;
	_ =	sdelay $0x3  }
0x274: {  	v4 =	vmov s13;
	s15 =	simm.s32 $0x0;
	s16 =	simm.s32 $0x40  }
.LBB2_27:
0x275: {  	p0 =	sne.s32 s16, $0xFC0;
	v6 =	vld.idx.msk [tilespmem:v5+s15+$0x0 ss:$0x1], $0xffff;
	_ =	sdelay $0x5  }
0x276: {  	v6 =	vshrl.u32 v6, $0x14  }
0x277: {  	v6 =	vand.u32 $0x3FF, v6  }
0x278: {  	(xrf1) =	vunique.msk.u32 $0xffff, v6;
	_ =	sdelay $0xa  }
0x279: {  	v7 =	vld.idx.msk [tilespmem:v6+s3+$0x0], $0xffff  }
0x27a: {  	v8 =	vld.idx.msk [tilespmem:v4+s15+$0x0 ss:$0x1], $0xffff;
	_ =	sdelay $0x1  }
0x27b: {  	_, v9, vm3 =	vpop (xrf1);
	_ =	sdelay $0x1  }
.Ltmp12:
0x27c: {  	(pc) =	sbr.rel @p0 .LBB2_27-.Ltmp12, $4  }
0x27d: {  	v7 =	vadd.s32 v7, v9  }
0x27e: {  	[tilespmem:s15+$0x17CC0] =	vst v8;
	v8 =	vadd.s32 v0, v7  }
0x27f: {  	[tilespmem:s15+$0x180C0] =	vst v8  }
0x280: {  	s15 =	sshra.s32 s16, $0x2;
	s16 =	sadd.s32 $0x40, s16;
	[tilespmem:v6+s3+$0x0] =	vst.idx.msk vm3, v7  }
0x281: {  	_ =	sdelay $0x3  }
0x282: {  	v5 =	vld.idx.msk [tilespmem:v5+s15+$0x0 ss:$0x1], $0xffff;
	_ =	sdelay $0x4  }
0x283: {  	v5 =	vshrl.u32 v5, $0x14  }
0x284: {  	v5 =	vand.u32 $0x3FF, v5  }
0x285: {  	(xrf1) =	vunique.msk.u32 $0xffff, v5;
	_ =	sdelay $0xb  }
0x286: {  	v6 =	vld.idx.msk [tilespmem:v5+s3+$0x0], $0xffff  }
0x287: {  	v4 =	vld.idx.msk [tilespmem:v4+s15+$0x0 ss:$0x1], $0xffff  }
0x288: {  	_, v7, vm3 =	vpop (xrf1);
	_ =	sdelay $0x2  }
0x289: {  	v6 =	vadd.s32 v6, v7  }
0x28a: {  	[tilespmem:s15+$0x17CC0] =	vst v4;
	v4 =	vadd.s32 v0, v6  }
0x28b: {  	[tilespmem:s15+$0x180C0] =	vst v4  }
0x28c: {  	[tilespmem:v5+s3+$0x0] =	vst.idx.msk vm3, v6  }
0x28d: {  	[spmem:s1] =	stream.indirect.scatter [tilespmem:s29], [sflag:$0x1], $0x1, s6, s28, $0xb8;
	[tilespmem:$0x184C0] =	vst v63  }
0x28e: {  	_ = 	snop  }
0x28f: {  	[spmem:s1] =	stream.indirect.scatter [tilespmem:s7], [sflag:$0x1], $0x1, s24, s28, $0xb8;
	[tilespmem:$0x184C0] =	vst v63  }
0x290: {  	_ = 	snop  }
0x291: {  	[spmem:s1] =	stream.indirect.scatter [tilespmem:s9], [sflag:$0x1], $0x1, s8, s28, $0xb8;
	[tilespmem:$0x184C0] =	vst v63  }
0x292: {  	_ = 	snop  }
0x293: {  	[spmem:s1] =	stream.indirect.scatter [tilespmem:s11], [sflag:$0x1], $0x1, s10, s28, $0xb8;
	[tilespmem:$0x184C0] =	vst v63  }
0x294: {  	_ = 	snop  }
0x295: {  	[spmem:s1] =	stream.indirect.scatter [tilespmem:s17], [sflag:$0x1], $0x1, s12, s28, $0xb8;
	[tilespmem:$0x184C0] =	vst v63  }
0x296: {  	_ = 	snop  }
0x297: {  	[spmem:s1] =	stream.indirect.scatter [tilespmem:s19], [sflag:$0x1], $0x1, s18, s28, $0xb8;
	[tilespmem:$0x184C0] =	vst v63  }
0x298: {  	_ = 	snop  }
0x299: {  	[spmem:s1] =	stream.indirect.scatter [tilespmem:s21], [sflag:$0x1], $0x1, s20, s28, $0xb8;
	[tilespmem:$0x184C0] =	vst v63  }
0x29a: {  	_ = 	snop  }
0x29b: {  	[spmem:s1] =	stream.indirect.scatter [tilespmem:s23], [sflag:$0x1], $0x1, s22, s28, $0xb8;
	[tilespmem:$0x184C0] =	vst v63  }
0x29c: {  	_ =	swait.ge [sflag:s5], $0x80  }
0x29d: {  	[sflag:s5] =	ssyncset.done $0x0  }
0x29e: {  	[sflag:s5] =	ssyncadd.s32 $0xFFFFFF80  }
0x29f: {  	_ =	swait.ge [sflag:s5], $0x80  }
0x2a0: {  	[sflag:s5] =	ssyncset.done $0x0  }
0x2a1: {  	[sflag:s5] =	ssyncadd.s32 $0xFFFFFF80  }
0x2a2: {  	_ =	swait.ge [sflag:s5], $0x80  }
0x2a3: {  	[sflag:s5] =	ssyncset.done $0x0  }
0x2a4: {  	[sflag:s5] =	ssyncadd.s32 $0xFFFFFF80  }
0x2a5: {  	_ =	swait.ge [sflag:s5], $0x80  }
0x2a6: {  	[sflag:s5] =	ssyncset.done $0x0  }
0x2a7: {  	[sflag:s5] =	ssyncadd.s32 $0xFFFFFF80  }
0x2a8: {  	_ =	swait.ge [sflag:s5], $0x80  }
0x2a9: {  	[sflag:s5] =	ssyncset.done $0x0  }
0x2aa: {  	[sflag:s5] =	ssyncadd.s32 $0xFFFFFF80  }
0x2ab: {  	_ =	swait.ge [sflag:s5], $0x80  }
0x2ac: {  	[sflag:s5] =	ssyncset.done $0x0  }
0x2ad: {  	s4 =	sadd.s32 $0x1, s4;
	[sflag:s5] =	ssyncadd.s32 $0xFFFFFF80  }
0x2ae: {  	p0 =	sne.s32 s4, $0x8;
	_ =	swait.ge [sflag:s5], $0x80  }
.Ltmp13:
0x2af: {  	[sflag:s5] =	ssyncset.done $0x0;
	(pc) =	sbr.rel @p0 .LBB2_26-.Ltmp13, $4  }
0x2b0: {  	[sflag:s5] =	ssyncadd.s32 $0xFFFFFF80  }
0x2b1: {  	_ =	swait.ge [sflag:s5], $0x80  }
0x2b2: {  	[sflag:s5] =	ssyncset.done $0x0  }
0x2b3: {  	s13 =	sadd.s32 $0x400, s13;
	s14 =	sadd.s32 $0x400, s14;
	[sflag:s5] =	ssyncadd.s32 $0xFFFFFF80  }
0x2b4: {  	[bflag:$0x0] =	sbarrier.arrive $0xFFFF  }
0x2b5: {  	s6 =	simm.s32 $0x14460;
	s4 =	rddreg [dreg:$0x12]  }
0x2b6: {  	[tilespmem:s6], [sflag:$0x2] =	stream.linear.gather [spmem:s4], $0x2000, $0x38;
	[tilespmem:$0x184C0] =	vst v63  }
0x2b7: {  	_ =	swait.ge [sflag:s26], $0x2000  }
0x2b8: {  	[sflag:s26] =	ssyncset.done $0x0  }
0x2b9: {  	s29 =	simm.s32 $0x0;
	s30 =	rddreg [dreg:$0x13];
	[sflag:s26] =	ssyncadd.s32 $0xFFFFE000  }
0x2ba: {  	[tilespmem:s0], [sflag:$0x2] =	stream.linear.gather [hbm4b:s30+s29], $0x8000, $0x38;
	[tilespmem:$0x184C0] =	vst v63  }
0x2bb: {  	_ =	swait.ge [sflag:s26], $0x8000  }
0x2bc: {  	[sflag:s26] =	ssyncset.done $0x0  }
0x2bd: {  	s4 =	simm.s32 $0x0;
	[sflag:s26] =	ssyncadd.s32 $0xFFFF8000  }
0x2be: {  	v4 =	vld [tilespmem:s4+$0x14460];
	_ =	sdelay $0x7  }
0x2bf: {  	s13 =	simm.s32 $0x10;
	s14 =	simm.s32 $0x80;
	v4 =	vld.idx.msk [tilespmem:v4+s0+$0x0], $0xffff  }
.LBB2_30:
0x2c0: {  	p0 =	sne.s32 s14, $0x7FC0;
	v5 =	vld [tilespmem:s13+$0x14460];
	_ =	sdelay $0x3  }
.Ltmp14:
0x2c1: {  	(pc) =	sbr.rel @p0 .LBB2_30-.Ltmp14, $2  }
0x2c2: {  	[tilespmem:s4+$0x10460] =	vst v4;
	s4 =	smov.u32 s13;
	_ =	sdelay $0x2  }
0x2c3: {  	s13 =	sshra.s32 s14, $0x2;
	s14 =	sadd.s32 $0x40, s14;
	v4 =	vld.idx.msk [tilespmem:v5+s0+$0x0], $0xffff  }
0x2c4: {  	v5 =	vld [tilespmem:s13+$0x14460];
	_ =	sdelay $0x6  }
0x2c5: {  	[tilespmem:s4+$0x10460] =	vst v4  }
0x2c6: {  	v4 =	vld.idx.msk [tilespmem:v5+s0+$0x0], $0xffff;
	_ =	sdelay $0x4  }
0x2c7: {  	s29 =	simm.s32 $0x0;
	s6 =	rddreg [dreg:$0x15];
	s15 =	simm.s32 $0x10460;
	[tilespmem:s13+$0x10460] =	vst v4  }
0x2c8: {  	[hbm4b:s6+s29] =	stream.linear.scatter [tilespmem:s15], [sflag:$0x2], $0x2000, $0x38;
	[tilespmem:$0x184C0] =	vst v63  }
0x2c9: {  	_ =	swait.ge [sflag:s26], $0x2000  }
0x2ca: {  	[sflag:s26] =	ssyncset.done $0x0  }
0x2cb: {  	s30 =	rddreg [dreg:$0x16];
	[sflag:s26] =	ssyncadd.s32 $0xFFFFE000  }
0x2cc: {  	[tilespmem:s0], [sflag:$0x2] =	stream.linear.gather [hbm4b:s30+s29], $0x8000, $0x38;
	[tilespmem:$0x184C0] =	vst v63  }
0x2cd: {  	_ =	swait.ge [sflag:s26], $0x8000  }
0x2ce: {  	[sflag:s26] =	ssyncset.done $0x0  }
0x2cf: {  	s4 =	simm.s32 $0x0;
	[sflag:s26] =	ssyncadd.s32 $0xFFFF8000  }
0x2d0: {  	v4 =	vld [tilespmem:s4+$0x14460];
	_ =	sdelay $0x7  }
0x2d1: {  	s14 =	simm.s32 $0x80;
	s13 =	simm.s32 $0x10;
	v4 =	vld.idx.msk [tilespmem:v4+s0+$0x0], $0xffff  }
.LBB2_32:
0x2d2: {  	p0 =	sne.s32 s14, $0x7FC0;
	v5 =	vld [tilespmem:s13+$0x14460];
	_ =	sdelay $0x3  }
.Ltmp15:
0x2d3: {  	(pc) =	sbr.rel @p0 .LBB2_32-.Ltmp15, $2  }
0x2d4: {  	[tilespmem:s4+$0x10460] =	vst v4;
	s4 =	smov.u32 s13;
	_ =	sdelay $0x2  }
0x2d5: {  	s13 =	sshra.s32 s14, $0x2;
	s14 =	sadd.s32 $0x40, s14;
	v4 =	vld.idx.msk [tilespmem:v5+s0+$0x0], $0xffff  }
0x2d6: {  	v5 =	vld [tilespmem:s13+$0x14460];
	_ =	sdelay $0x6  }
0x2d7: {  	[tilespmem:s4+$0x10460] =	vst v4  }
0x2d8: {  	v4 =	vld.idx.msk [tilespmem:v5+s0+$0x0], $0xffff;
	_ =	sdelay $0x4  }
0x2d9: {  	s29 =	simm.s32 $0x0;
	s6 =	rddreg [dreg:$0x17];
	[tilespmem:s13+$0x10460] =	vst v4  }
0x2da: {  	[hbm4b:s6+s29] =	stream.linear.scatter [tilespmem:s15], [sflag:$0x2], $0x2000, $0x38;
	[tilespmem:$0x184C0] =	vst v63  }
0x2db: {  	_ =	swait.ge [sflag:s26], $0x2000  }
0x2dc: {  	[sflag:s26] =	ssyncset.done $0x0  }
0x2dd: {  	s30 =	rddreg [dreg:$0x19];
	[sflag:s26] =	ssyncadd.s32 $0xFFFFE000  }
0x2de: {  	[tilespmem:s0], [sflag:$0x2] =	stream.linear.gather [hbm4b:s30+s29], $0x8000, $0x38;
	[tilespmem:$0x184C0] =	vst v63  }
0x2df: {  	_ =	swait.ge [sflag:s26], $0x8000  }
0x2e0: {  	[sflag:s26] =	ssyncset.done $0x0  }
0x2e1: {  	s4 =	simm.s32 $0x0;
	[sflag:s26] =	ssyncadd.s32 $0xFFFF8000  }
0x2e2: {  	v4 =	vld [tilespmem:s4+$0x14460];
	_ =	sdelay $0x7  }
0x2e3: {  	s14 =	simm.s32 $0x80;
	s13 =	simm.s32 $0x10;
	v4 =	vld.idx.msk [tilespmem:v4+s0+$0x0], $0xffff  }
.LBB2_34:
0x2e4: {  	p0 =	sne.s32 s14, $0x7FC0;
	v5 =	vld [tilespmem:s13+$0x14460];
	_ =	sdelay $0x3  }
.Ltmp16:
0x2e5: {  	(pc) =	sbr.rel @p0 .LBB2_34-.Ltmp16, $2  }
0x2e6: {  	[tilespmem:s4+$0x10460] =	vst v4;
	s4 =	smov.u32 s13;
	_ =	sdelay $0x2  }
0x2e7: {  	s13 =	sshra.s32 s14, $0x2;
	s14 =	sadd.s32 $0x40, s14;
	v4 =	vld.idx.msk [tilespmem:v5+s0+$0x0], $0xffff  }
0x2e8: {  	v5 =	vld [tilespmem:s13+$0x14460];
	_ =	sdelay $0x6  }
0x2e9: {  	[tilespmem:s4+$0x10460] =	vst v4  }
0x2ea: {  	v4 =	vld.idx.msk [tilespmem:v5+s0+$0x0], $0xffff;
	_ =	sdelay $0x4  }
0x2eb: {  	s16 =	rddreg [dreg:$0x18];
	[tilespmem:s13+$0x10460] =	vst v4  }
0x2ec: {  	[hbm4b:s16+s25] =	stream.linear.scatter [tilespmem:s15], [sflag:$0x2], $0x2000, $0x38;
	[tilespmem:$0x184C0] =	vst v63  }
0x2ed: {  	_ =	swait.ge [sflag:s26], $0x2000  }
0x2ee: {  	s29 =	rddreg [dreg:$0x1b]  }
0x2ef: {  	s30 =	rddreg [dreg:$0x1a];
	s13 =	sadd.s32 $0x1, s29  }
0x2f0: {  	p0 =	sne.s32 s13, s30  }
.Ltmp17:
0x2f1: {  	_ = 	snop;
	(pc) =	sbr.rel @p0 .LBB2_1-.Ltmp17, $3  }
0x2f2: {  	_ =	sdelay $0x1  }
0x2f3: {  	[sflag:s26] =	ssyncset.done $0x0  }
0x2f4: {  	s6 =	simm.s32 $0xE460;
	[sflag:s26] =	ssyncadd.s32 $0xFFFFE000  }
0x2f5: {  	_ =	sfence.sel $0x180000  }
0x2f6: {  	[bflag:$0x0] =	sbarrier.arrive $0xFFFF  }
0x2f7: {  	_ =	strace $0x90000047  }
0x2f8: {  	s0 =	stileid.u32;
	[bflag:$0x2] =	sbarrier.arrive $0xFFFF  }
0x2f9: {  	p0 =	sne.s32 s0, $0x0;
	s0 =	rddreg [dreg:$0x7]  }
0x2fa: {  	s0 =	sadd.s32 @!p0 $0x100000, s0  }
0x2fb: {  	[sflag:s0] =	ssyncadd.tile.s32 @!p0 $0x1;
	_ =	shalt  }
.Lfunc_end2:
_tile_overlayer_lowered:
.L_overlay_start_2:
0x2fc: {  	(tag) =	ssettag $0x2  }
0x2fd: {  	s0 =	rddreg [dreg:$0x0];
	s2 =	stileid.u32  }
0x2fe: {  	s1 =	rddreg [dreg:$0x1];
	p0 =	sne.s32 s2, $0x0  }
0x2ff: {  	s3 =	rddreg [dreg:$0x2];
	[bflag:$0x3] =	sbarrier.arrive $0xFFFF;
	s2 =	simm.s32 @!p0 $0x1C02  }
0x300: {  	[timem:s3], [sflag:s2] =	dma.local @!p0 [hbm:s0], s1  }
0x301: {  	s0 =	simm.s32 @!p0 $0x2  }
0x302: {  	_ =	swait.ge @!p0 [sflag:s0], s1  }
0x303: {  	s1 =	ssub.s32 @!p0 $0x0, s1;
	[sflag:s0] =	ssyncset.done @!p0 $0x0  }
0x304: {  	[sflag:s0] =	ssyncadd.s32 @!p0 s1  }
0x305: {  	[bflag:$0x3] =	sbarrier.arrive $0xFFFF  }
0x306: {  	_ =	shalt  }

</sc_bundles>
